<compile_context>
chip_gen: v7x
topology: tpu7x:2x2x1
jax: 0.10.2.dev20260603
libtpu: 0.0.44.dev20260713+nightly
codegen_flags: <defaults>
</compile_context>

<pallas_src>
import functools

import jax
import jax.numpy as jnp
from jax import lax
from jax.experimental import pallas as pl
from jax.experimental.pallas import tpu as pltpu
from jax.experimental.pallas import tpu_sc as plsc

N_SEEDS = 1_000_000
PLANE = 2097152
CHUNK = 4000
W_CHUNK = 3 * CHUNK
N_CHUNKS = N_SEEDS // CHUNK
NC, NS = 2, 16
NW = NC * NS
GROUPS = CHUNK // 16
T_STEPS = (N_CHUNKS + NW - 1) // NW

_mesh = plsc.VectorSubcoreMesh(core_axis_name="c", subcore_axis_name="s",
                               num_cores=NC, num_subcores=NS)


@functools.partial(
    pl.kernel,
    out_type=jax.ShapeDtypeStruct((3 * N_SEEDS,), jnp.float32),
    mesh=_mesh,
    scratch_types=[
        pltpu.VMEM((W_CHUNK,), jnp.int32),
        pltpu.VMEM((W_CHUNK,), jnp.int32),
        pltpu.VMEM((W_CHUNK,), jnp.int32),
        pltpu.VMEM((W_CHUNK,), jnp.int32),
        pltpu.VMEM((W_CHUNK,), jnp.int32),
        pltpu.VMEM((W_CHUNK,), jnp.int32),
        pltpu.VMEM((W_CHUNK,), jnp.float32),
        pltpu.VMEM((W_CHUNK,), jnp.float32),
        pltpu.VMEM((W_CHUNK,), jnp.float32),
        pltpu.SemaphoreType.DMA,
        pltpu.SemaphoreType.DMA,
        pltpu.SemaphoreType.DMA,
        pltpu.SemaphoreType.DMA,
        pltpu.SemaphoreType.DMA,
        pltpu.SemaphoreType.DMA,
    ],
    compiler_params=pltpu.CompilerParams(needs_layout_passes=False),
)
def _gather(seeds_hbm, table_hbm, out_hbm,
            sv_a, sv_b, sv_c, idx_a, idx_b, idx_c, dest_a, dest_b, dest_c,
            sem_ga, sem_gb, sem_gc, sem_oa, sem_ob, sem_oc):
    wid = lax.axis_index("s") * NC + lax.axis_index("c")
    bufs = [(sv_a, idx_a, dest_a, sem_oa, sem_ga),
            (sv_b, idx_b, dest_b, sem_ob, sem_gb),
            (sv_c, idx_c, dest_c, sem_oc, sem_gc)]

    def load_and_index(k, sv, idxv):
        base = k * CHUNK
        for c in range(3):
            pltpu.sync_copy(seeds_hbm.at[pl.ds(c * N_SEEDS + base, CHUNK)],
                            sv.at[pl.ds(c * CHUNK, CHUNK)])

        def group_body(g, _):
            s = g * 16
            x = sv[pl.ds(s, 16)]
            y = sv[pl.ds(CHUNK + s, 16)]
            z = sv[pl.ds(2 * CHUNK + s, 16)]
            flat = (x << 14) | (y << 7) | z
            idxv[pl.ds(s, 16)] = flat
            idxv[pl.ds(CHUNK + s, 16)] = flat + PLANE
            idxv[pl.ds(2 * CHUNK + s, 16)] = flat + 2 * PLANE
            return 0

        lax.fori_loop(0, GROUPS, group_body, 0)

    def issue_outs(k, dest, sem):
        base = k * CHUNK
        for c in range(3):
            pltpu.async_copy(dest.at[pl.ds(c * CHUNK, CHUNK)],
                             out_hbm.at[pl.ds(c * N_SEEDS + base, CHUNK)], sem)

    def drain_outs(dest, sem):
        for c in range(3):
            pltpu.make_async_copy(dest.at[pl.ds(c * CHUNK, CHUNK)],
                                  out_hbm.at[pl.ds(0, CHUNK)], sem).wait()

    pending_g = [None, None, None]

    def finish_chunk(t_done):
        b = t_done % 3
        for h in pending_g[b]:
            h.wait()
        issue_outs_t(t_done)

    def issue_outs_t(t_done):
        b = t_done % 3
        issue_outs(wid + t_done * NW, bufs[b][2], bufs[b][3])

    for t in range(T_STEPS):
        b = t % 3
        sv, idxv, dest, sem_o, sem_g = bufs[b]
        k = wid + t * NW

        @pl.when(k < N_CHUNKS)
        def _(t=t, b=b, k=k, sv=sv, idxv=idxv, dest=dest, sem_o=sem_o,
              sem_g=sem_g):
            if t >= 3:
                drain_outs(dest, sem_o)
            load_and_index(k, sv, idxv)
            pending_g[b] = [pltpu.async_copy(table_hbm.at[idxv], dest, sem_g)]
            if t >= 2:
                finish_chunk(t - 2)

    last_k = wid + (T_STEPS - 1) * NW

    @pl.when(last_k < N_CHUNKS)
    def _():
        finish_chunk(T_STEPS - 2)
        finish_chunk(T_STEPS - 1)
        for bb in range(3):
            drain_outs(bufs[bb][2], bufs[bb][3])

    @pl.when(last_k >= N_CHUNKS)
    def _():
        finish_chunk(T_STEPS - 3)
        finish_chunk(T_STEPS - 2)
        for bb in range(3):
            drain_outs(bufs[bb][2], bufs[bb][3])


def kernel(seeds, vector_field):
    seeds_planar = seeds.T.reshape(3 * N_SEEDS)
    table = vector_field.reshape(3 * PLANE)
    out = _gather(seeds_planar, table)
    return out.reshape(3, N_SEEDS).T

# --- scband reference (transcript-rebuilt; emitter-appended) ---
"""Pipeline reference for scband-net-39960375722250 (READ-ONLY COPY).

The authoritative reference and input builder live on the scoring server;
editing this copy changes nothing except your own understanding.
"""

import jax, jax.numpy as jnp
import numpy as np

DIM = (128, 128, 128)
N_SEEDS = 1000000


def setup_inputs(seed: int = 0) -> dict:
    key = jax.random.key(seed)
    k1, k2 = jax.random.split(key)
    seeds = jax.random.randint(k1, (N_SEEDS, 3), 0, DIM[0], dtype=jnp.int32)
    vector_field = jax.random.uniform(k2, (3, DIM[0], DIM[1], DIM[2]), minval=-0.1, maxval=0.1, dtype=jnp.float32)
    return {"seeds": seeds, "vector_field": vector_field}


def reference(seeds, vector_field):
    # vec(seeds, vector_field): sample the 3-component vector field at integer
    # seed coordinates. Pure gather -> structurally memory-bound.
    x = seeds[:, 0]
    y = seeds[:, 1]
    z = seeds[:, 2]
    # vector_field[:, x, y, z] has shape [3, N]; return [N, 3]
    sampled = vector_field[:, x, y, z]
    return jnp.transpose(sampled)

if __name__ == "__main__":
    import jax
    _d = setup_inputs()
    print(jax.jit(kernel)(*tuple(_d.values())))

</pallas_src>

<mosaic_0001>
#map = affine_map<(d0, d1) -> (0)>
module attributes {stable_mosaic.version = 14 : i64} {
  func.func @_gather(%arg0: i32, %arg1: i32, %arg2: memref<3000000xi32, #tpu.memory_space<hbm>>, %arg3: memref<6291456xf32, #tpu.memory_space<hbm>>, %arg4: memref<3000000xf32, #tpu.memory_space<hbm>>, %arg5: memref<12000xi32, #tpu.memory_space<vmem>>, %arg6: memref<12000xi32, #tpu.memory_space<vmem>>, %arg7: memref<12000xi32, #tpu.memory_space<vmem>>, %arg8: memref<12000xi32, #tpu.memory_space<vmem>>, %arg9: memref<12000xi32, #tpu.memory_space<vmem>>, %arg10: memref<12000xi32, #tpu.memory_space<vmem>>, %arg11: memref<12000xf32, #tpu.memory_space<vmem>>, %arg12: memref<12000xf32, #tpu.memory_space<vmem>>, %arg13: memref<12000xf32, #tpu.memory_space<vmem>>, %arg14: memref<!tpu.dma_semaphore, #tpu.memory_space<semaphore_mem>>, %arg15: memref<!tpu.dma_semaphore, #tpu.memory_space<semaphore_mem>>, %arg16: memref<!tpu.dma_semaphore, #tpu.memory_space<semaphore_mem>>, %arg17: memref<!tpu.dma_semaphore, #tpu.memory_space<semaphore_mem>>, %arg18: memref<!tpu.dma_semaphore, #tpu.memory_space<semaphore_mem>>, %arg19: memref<!tpu.dma_semaphore, #tpu.memory_space<semaphore_mem>>) attributes {dimension_semantics = [#tpu.dimension_semantics<core_parallel>, #tpu.dimension_semantics<subcore_parallel>], iteration_bounds = array<i64: 2, 16>, scalar_prefetch = 0 : i64, scratch_operands = 15 : i64, tpu.core_type = #tpu.core_type<sc_vector_subcore>, window_params = [{transform_indices = #map}, {transform_indices = #map}, {transform_indices = #map}]} {
    %mul3A = arith.constant 2 : i32
    %mul3A_0 = arith.muli %arg1, %mul3A : i32
    %add3A = arith.addi %mul3A_0, %arg0 : i32
    %add3A_1 = arith.constant 0 : i32
    %add3A_2 = arith.addi %add3A, %add3A_1 : i32
    %lt3A = arith.constant 250 : i32
    %lt3A_3 = arith.cmpi slt, %add3A_2, %lt3A : i32
    %convert_element_type3A = arith.extui %lt3A_3 : i1 to i32
    %cond3A = arith.constant 0 : i32
    %cond3A_4 = arith.cmpi ne, %convert_element_type3A, %cond3A : i32
    scf.if %cond3A_4 {
      %mul3A_65 = arith.constant 4000 : i32
      %mul3A_66 = arith.muli %add3A_2, %mul3A_65 : i32
      %add3A_67 = arith.constant 0 : i32
      %add3A_68 = arith.addi %add3A_67, %mul3A_66 : i32
      "tpu.region"() ({
        %run_scoped3A = tpu.sem_alloc : memref<!tpu.dma_semaphore, #tpu.memory_space<semaphore_mem>>
        %dma_start3A_80 = arith.constant 0 : i32
        %dma_start3A_81 = tpu.memref_slice %arg5[%dma_start3A_80] : memref<12000xi32, #tpu.memory_space<vmem>> -> memref<4000xi32, #tpu.memory_space<vmem>>
        %dma_start3A_82 = tpu.memref_slice %arg2[%add3A_68] : memref<3000000xi32, #tpu.memory_space<hbm>> -> memref<4000xi32, #tpu.memory_space<hbm>>
        %dma_start3A_83 = arith.constant 0 : i32
        %dma_start3A_84 = tpu.memref_slice %arg5[%dma_start3A_83] : memref<12000xi32, #tpu.memory_space<vmem>> -> memref<4000xi32, #tpu.memory_space<vmem>>
        %dma_start3A_85 = tpu.memref_slice %arg2[%add3A_68] : memref<3000000xi32, #tpu.memory_space<hbm>> -> memref<4000xi32, #tpu.memory_space<hbm>>
        tpu.enqueue_dma source(%dma_start3A_85 : memref<4000xi32, #tpu.memory_space<hbm>>) target(%dma_start3A_84 : memref<4000xi32, #tpu.memory_space<vmem>>) target_semaphore(%run_scoped3A : memref<!tpu.dma_semaphore, #tpu.memory_space<semaphore_mem>>)
        %dma_wait3A = arith.constant 0 : i32
        %dma_wait3A_86 = tpu.memref_slice %arg5[%dma_wait3A] : memref<12000xi32, #tpu.memory_space<vmem>> -> memref<4000xi32, #tpu.memory_space<vmem>>
        %dma_wait3A_87 = tpu.memref_slice %arg2[%add3A_68] : memref<3000000xi32, #tpu.memory_space<hbm>> -> memref<4000xi32, #tpu.memory_space<hbm>>
        %dma_wait3A_88 = arith.constant 0 : i32
        %dma_wait3A_89 = tpu.memref_slice %arg5[%dma_wait3A_88] : memref<12000xi32, #tpu.memory_space<vmem>> -> memref<4000xi32, #tpu.memory_space<vmem>>
        %dma_wait3A_90 = tpu.memref_slice %arg2[%add3A_68] : memref<3000000xi32, #tpu.memory_space<hbm>> -> memref<4000xi32, #tpu.memory_space<hbm>>
        tpu.wait_dma2 semaphore(%run_scoped3A : memref<!tpu.dma_semaphore, #tpu.memory_space<semaphore_mem>>) src(%dma_wait3A_90 : memref<4000xi32, #tpu.memory_space<hbm>>) dst(%dma_wait3A_89 : memref<4000xi32, #tpu.memory_space<vmem>>)
        tpu.yield
      }) : () -> ()
      %add3A_69 = arith.constant 1000000 : i32
      %add3A_70 = arith.addi %add3A_69, %mul3A_66 : i32
      "tpu.region"() ({
        %run_scoped3A = tpu.sem_alloc : memref<!tpu.dma_semaphore, #tpu.memory_space<semaphore_mem>>
        %dma_start3A_80 = arith.constant 4000 : i32
        %dma_start3A_81 = tpu.memref_slice %arg5[%dma_start3A_80] : memref<12000xi32, #tpu.memory_space<vmem>> -> memref<4000xi32, #tpu.memory_space<vmem>>
        %dma_start3A_82 = tpu.memref_slice %arg2[%add3A_70] : memref<3000000xi32, #tpu.memory_space<hbm>> -> memref<4000xi32, #tpu.memory_space<hbm>>
        %dma_start3A_83 = arith.constant 4000 : i32
        %dma_start3A_84 = tpu.memref_slice %arg5[%dma_start3A_83] : memref<12000xi32, #tpu.memory_space<vmem>> -> memref<4000xi32, #tpu.memory_space<vmem>>
        %dma_start3A_85 = tpu.memref_slice %arg2[%add3A_70] : memref<3000000xi32, #tpu.memory_space<hbm>> -> memref<4000xi32, #tpu.memory_space<hbm>>
        tpu.enqueue_dma source(%dma_start3A_85 : memref<4000xi32, #tpu.memory_space<hbm>>) target(%dma_start3A_84 : memref<4000xi32, #tpu.memory_space<vmem>>) target_semaphore(%run_scoped3A : memref<!tpu.dma_semaphore, #tpu.memory_space<semaphore_mem>>)
        %dma_wait3A = arith.constant 4000 : i32
        %dma_wait3A_86 = tpu.memref_slice %arg5[%dma_wait3A] : memref<12000xi32, #tpu.memory_space<vmem>> -> memref<4000xi32, #tpu.memory_space<vmem>>
        %dma_wait3A_87 = tpu.memref_slice %arg2[%add3A_70] : memref<3000000xi32, #tpu.memory_space<hbm>> -> memref<4000xi32, #tpu.memory_space<hbm>>
        %dma_wait3A_88 = arith.constant 4000 : i32
        %dma_wait3A_89 = tpu.memref_slice %arg5[%dma_wait3A_88] : memref<12000xi32, #tpu.memory_space<vmem>> -> memref<4000xi32, #tpu.memory_space<vmem>>
        %dma_wait3A_90 = tpu.memref_slice %arg2[%add3A_70] : memref<3000000xi32, #tpu.memory_space<hbm>> -> memref<4000xi32, #tpu.memory_space<hbm>>
        tpu.wait_dma2 semaphore(%run_scoped3A : memref<!tpu.dma_semaphore, #tpu.memory_space<semaphore_mem>>) src(%dma_wait3A_90 : memref<4000xi32, #tpu.memory_space<hbm>>) dst(%dma_wait3A_89 : memref<4000xi32, #tpu.memory_space<vmem>>)
        tpu.yield
      }) : () -> ()
      %add3A_71 = arith.constant 2000000 : i32
      %add3A_72 = arith.addi %add3A_71, %mul3A_66 : i32
      "tpu.region"() ({
        %run_scoped3A = tpu.sem_alloc : memref<!tpu.dma_semaphore, #tpu.memory_space<semaphore_mem>>
        %dma_start3A_80 = arith.constant 8000 : i32
        %dma_start3A_81 = tpu.memref_slice %arg5[%dma_start3A_80] : memref<12000xi32, #tpu.memory_space<vmem>> -> memref<4000xi32, #tpu.memory_space<vmem>>
        %dma_start3A_82 = tpu.memref_slice %arg2[%add3A_72] : memref<3000000xi32, #tpu.memory_space<hbm>> -> memref<4000xi32, #tpu.memory_space<hbm>>
        %dma_start3A_83 = arith.constant 8000 : i32
        %dma_start3A_84 = tpu.memref_slice %arg5[%dma_start3A_83] : memref<12000xi32, #tpu.memory_space<vmem>> -> memref<4000xi32, #tpu.memory_space<vmem>>
        %dma_start3A_85 = tpu.memref_slice %arg2[%add3A_72] : memref<3000000xi32, #tpu.memory_space<hbm>> -> memref<4000xi32, #tpu.memory_space<hbm>>
        tpu.enqueue_dma source(%dma_start3A_85 : memref<4000xi32, #tpu.memory_space<hbm>>) target(%dma_start3A_84 : memref<4000xi32, #tpu.memory_space<vmem>>) target_semaphore(%run_scoped3A : memref<!tpu.dma_semaphore, #tpu.memory_space<semaphore_mem>>)
        %dma_wait3A = arith.constant 8000 : i32
        %dma_wait3A_86 = tpu.memref_slice %arg5[%dma_wait3A] : memref<12000xi32, #tpu.memory_space<vmem>> -> memref<4000xi32, #tpu.memory_space<vmem>>
        %dma_wait3A_87 = tpu.memref_slice %arg2[%add3A_72] : memref<3000000xi32, #tpu.memory_space<hbm>> -> memref<4000xi32, #tpu.memory_space<hbm>>
        %dma_wait3A_88 = arith.constant 8000 : i32
        %dma_wait3A_89 = tpu.memref_slice %arg5[%dma_wait3A_88] : memref<12000xi32, #tpu.memory_space<vmem>> -> memref<4000xi32, #tpu.memory_space<vmem>>
        %dma_wait3A_90 = tpu.memref_slice %arg2[%add3A_72] : memref<3000000xi32, #tpu.memory_space<hbm>> -> memref<4000xi32, #tpu.memory_space<hbm>>
        tpu.wait_dma2 semaphore(%run_scoped3A : memref<!tpu.dma_semaphore, #tpu.memory_space<semaphore_mem>>) src(%dma_wait3A_90 : memref<4000xi32, #tpu.memory_space<hbm>>) dst(%dma_wait3A_89 : memref<4000xi32, #tpu.memory_space<vmem>>)
        tpu.yield
      }) : () -> ()
      %scan3A = arith.constant 0 : i32
      %scan3A_73 = arith.constant 0 : i32
      %scan3A_74 = arith.constant 250 : i32
      %scan3A_75 = arith.addi %scan3A_73, %scan3A_74 : i32
      %scan3A_76 = arith.constant 1 : i32
      %scan3A_77 = scf.for %scan3A_80 = %scan3A_73 to %scan3A_75 step %scan3A_76 iter_args(%scan3A_81 = %scan3A) -> (i32)  : i32 {
        %mul3A_82 = arith.constant 16 : i32
        %mul3A_83 = arith.muli %scan3A_80, %mul3A_82 : i32
        %get3A = arith.index_cast %mul3A_83 : i32 to index
        %get3A_84 = tpu.vector_load %arg5[%get3A] {strides = array<i32>} : memref<12000xi32, #tpu.memory_space<vmem>>, vector<16xi32>,
        %add3A_85 = arith.constant 4000 : i32
        %add3A_86 = arith.addi %add3A_85, %mul3A_83 : i32
        %get3A_87 = arith.index_cast %add3A_86 : i32 to index
        %get3A_88 = tpu.vector_load %arg5[%get3A_87] {strides = array<i32>} : memref<12000xi32, #tpu.memory_space<vmem>>, vector<16xi32>,
        %add3A_89 = arith.constant 8000 : i32
        %add3A_90 = arith.addi %add3A_89, %mul3A_83 : i32
        %get3A_91 = arith.index_cast %add3A_90 : i32 to index
        %get3A_92 = tpu.vector_load %arg5[%get3A_91] {strides = array<i32>} : memref<12000xi32, #tpu.memory_space<vmem>>, vector<16xi32>,
        %shift_left3A = arith.constant 14 : i32
        %shift_left3A_93 = vector.broadcast %shift_left3A : i32 to vector<16xi32>
        %shift_left3A_94 = arith.shli %get3A_84, %shift_left3A_93 : vector<16xi32>
        %shift_left3A_95 = arith.constant 7 : i32
        %shift_left3A_96 = vector.broadcast %shift_left3A_95 : i32 to vector<16xi32>
        %shift_left3A_97 = arith.shli %get3A_88, %shift_left3A_96 : vector<16xi32>
        %or3A = arith.ori %shift_left3A_94, %shift_left3A_97 : vector<16xi32>
        %or3A_98 = arith.ori %or3A, %get3A_92 : vector<16xi32>
        %swap3A = arith.index_cast %mul3A_83 : i32 to index
        %swap3A_99 = tpu.vector_load %arg8[%swap3A] {strides = array<i32>} : memref<12000xi32, #tpu.memory_space<vmem>>, vector<16xi32>,
        tpu.vector_store %arg8[%swap3A], %or3A_98 {strides = array<i32>} : memref<12000xi32, #tpu.memory_space<vmem>>, vector<16xi32>,
        %add3A_100 = arith.constant 2097152 : i32
        %add3A_101 = vector.broadcast %add3A_100 : i32 to vector<16xi32>
        %add3A_102 = arith.addi %or3A_98, %add3A_101 : vector<16xi32>
        %add3A_103 = arith.constant 4000 : i32
        %add3A_104 = arith.addi %add3A_103, %mul3A_83 : i32
        %swap3A_105 = arith.index_cast %add3A_104 : i32 to index
        %swap3A_106 = tpu.vector_load %arg8[%swap3A_105] {strides = array<i32>} : memref<12000xi32, #tpu.memory_space<vmem>>, vector<16xi32>,
        tpu.vector_store %arg8[%swap3A_105], %add3A_102 {strides = array<i32>} : memref<12000xi32, #tpu.memory_space<vmem>>, vector<16xi32>,
        %add3A_107 = arith.constant 4194304 : i32
        %add3A_108 = vector.broadcast %add3A_107 : i32 to vector<16xi32>
        %add3A_109 = arith.addi %or3A_98, %add3A_108 : vector<16xi32>
        %add3A_110 = arith.constant 8000 : i32
        %add3A_111 = arith.addi %add3A_110, %mul3A_83 : i32
        %swap3A_112 = arith.index_cast %add3A_111 : i32 to index
        %swap3A_113 = tpu.vector_load %arg8[%swap3A_112] {strides = array<i32>} : memref<12000xi32, #tpu.memory_space<vmem>>, vector<16xi32>,
        tpu.vector_store %arg8[%swap3A_112], %add3A_109 {strides = array<i32>} : memref<12000xi32, #tpu.memory_space<vmem>>, vector<16xi32>,
        %scan3A_114 = arith.constant 0 : i32
        scf.yield %scan3A_114 : i32
      }
      %scan3A_78 = arith.constant 250 : i32
      %dma_start3A = arith.constant 0 : i32
      %dma_start3A_79 = tpu.memref_slice %arg3[%dma_start3A] : memref<6291456xf32, #tpu.memory_space<hbm>> -> memref<6291456xf32, #tpu.memory_space<hbm>>
      tpu.enqueue_indirect_dma source(%dma_start3A_79 : memref<6291456xf32, #tpu.memory_space<hbm>>) target(%arg11 : memref<12000xf32, #tpu.memory_space<vmem>>) offsets(%arg8 : memref<12000xi32, #tpu.memory_space<vmem>>) semaphore(%arg14 : memref<!tpu.dma_semaphore, #tpu.memory_space<semaphore_mem>>)
    } else {
    }
    %add3A_5 = arith.constant 32 : i32
    %add3A_6 = arith.addi %add3A, %add3A_5 : i32
    %lt3A_7 = arith.constant 250 : i32
    %lt3A_8 = arith.cmpi slt, %add3A_6, %lt3A_7 : i32
    %convert_element_type3A_9 = arith.extui %lt3A_8 : i1 to i32
    %cond3A_10 = arith.constant 0 : i32
    %cond3A_11 = arith.cmpi ne, %convert_element_type3A_9, %cond3A_10 : i32
    scf.if %cond3A_11 {
      %mul3A_65 = arith.constant 4000 : i32
      %mul3A_66 = arith.muli %add3A_6, %mul3A_65 : i32
      %add3A_67 = arith.constant 0 : i32
      %add3A_68 = arith.addi %add3A_67, %mul3A_66 : i32
      "tpu.region"() ({
        %run_scoped3A = tpu.sem_alloc : memref<!tpu.dma_semaphore, #tpu.memory_space<semaphore_mem>>
        %dma_start3A_80 = arith.constant 0 : i32
        %dma_start3A_81 = tpu.memref_slice %arg6[%dma_start3A_80] : memref<12000xi32, #tpu.memory_space<vmem>> -> memref<4000xi32, #tpu.memory_space<vmem>>
        %dma_start3A_82 = tpu.memref_slice %arg2[%add3A_68] : memref<3000000xi32, #tpu.memory_space<hbm>> -> memref<4000xi32, #tpu.memory_space<hbm>>
        %dma_start3A_83 = arith.constant 0 : i32
        %dma_start3A_84 = tpu.memref_slice %arg6[%dma_start3A_83] : memref<12000xi32, #tpu.memory_space<vmem>> -> memref<4000xi32, #tpu.memory_space<vmem>>
        %dma_start3A_85 = tpu.memref_slice %arg2[%add3A_68] : memref<3000000xi32, #tpu.memory_space<hbm>> -> memref<4000xi32, #tpu.memory_space<hbm>>
        tpu.enqueue_dma source(%dma_start3A_85 : memref<4000xi32, #tpu.memory_space<hbm>>) target(%dma_start3A_84 : memref<4000xi32, #tpu.memory_space<vmem>>) target_semaphore(%run_scoped3A : memref<!tpu.dma_semaphore, #tpu.memory_space<semaphore_mem>>)
        %dma_wait3A = arith.constant 0 : i32
        %dma_wait3A_86 = tpu.memref_slice %arg6[%dma_wait3A] : memref<12000xi32, #tpu.memory_space<vmem>> -> memref<4000xi32, #tpu.memory_space<vmem>>
        %dma_wait3A_87 = tpu.memref_slice %arg2[%add3A_68] : memref<3000000xi32, #tpu.memory_space<hbm>> -> memref<4000xi32, #tpu.memory_space<hbm>>
        %dma_wait3A_88 = arith.constant 0 : i32
        %dma_wait3A_89 = tpu.memref_slice %arg6[%dma_wait3A_88] : memref<12000xi32, #tpu.memory_space<vmem>> -> memref<4000xi32, #tpu.memory_space<vmem>>
        %dma_wait3A_90 = tpu.memref_slice %arg2[%add3A_68] : memref<3000000xi32, #tpu.memory_space<hbm>> -> memref<4000xi32, #tpu.memory_space<hbm>>
        tpu.wait_dma2 semaphore(%run_scoped3A : memref<!tpu.dma_semaphore, #tpu.memory_space<semaphore_mem>>) src(%dma_wait3A_90 : memref<4000xi32, #tpu.memory_space<hbm>>) dst(%dma_wait3A_89 : memref<4000xi32, #tpu.memory_space<vmem>>)
        tpu.yield
      }) : () -> ()
      %add3A_69 = arith.constant 1000000 : i32
      %add3A_70 = arith.addi %add3A_69, %mul3A_66 : i32
      "tpu.region"() ({
        %run_scoped3A = tpu.sem_alloc : memref<!tpu.dma_semaphore, #tpu.memory_space<semaphore_mem>>
        %dma_start3A_80 = arith.constant 4000 : i32
        %dma_start3A_81 = tpu.memref_slice %arg6[%dma_start3A_80] : memref<12000xi32, #tpu.memory_space<vmem>> -> memref<4000xi32, #tpu.memory_space<vmem>>
        %dma_start3A_82 = tpu.memref_slice %arg2[%add3A_70] : memref<3000000xi32, #tpu.memory_space<hbm>> -> memref<4000xi32, #tpu.memory_space<hbm>>
        %dma_start3A_83 = arith.constant 4000 : i32
        %dma_start3A_84 = tpu.memref_slice %arg6[%dma_start3A_83] : memref<12000xi32, #tpu.memory_space<vmem>> -> memref<4000xi32, #tpu.memory_space<vmem>>
        %dma_start3A_85 = tpu.memref_slice %arg2[%add3A_70] : memref<3000000xi32, #tpu.memory_space<hbm>> -> memref<4000xi32, #tpu.memory_space<hbm>>
        tpu.enqueue_dma source(%dma_start3A_85 : memref<4000xi32, #tpu.memory_space<hbm>>) target(%dma_start3A_84 : memref<4000xi32, #tpu.memory_space<vmem>>) target_semaphore(%run_scoped3A : memref<!tpu.dma_semaphore, #tpu.memory_space<semaphore_mem>>)
        %dma_wait3A = arith.constant 4000 : i32
        %dma_wait3A_86 = tpu.memref_slice %arg6[%dma_wait3A] : memref<12000xi32, #tpu.memory_space<vmem>> -> memref<4000xi32, #tpu.memory_space<vmem>>
        %dma_wait3A_87 = tpu.memref_slice %arg2[%add3A_70] : memref<3000000xi32, #tpu.memory_space<hbm>> -> memref<4000xi32, #tpu.memory_space<hbm>>
        %dma_wait3A_88 = arith.constant 4000 : i32
        %dma_wait3A_89 = tpu.memref_slice %arg6[%dma_wait3A_88] : memref<12000xi32, #tpu.memory_space<vmem>> -> memref<4000xi32, #tpu.memory_space<vmem>>
        %dma_wait3A_90 = tpu.memref_slice %arg2[%add3A_70] : memref<3000000xi32, #tpu.memory_space<hbm>> -> memref<4000xi32, #tpu.memory_space<hbm>>
        tpu.wait_dma2 semaphore(%run_scoped3A : memref<!tpu.dma_semaphore, #tpu.memory_space<semaphore_mem>>) src(%dma_wait3A_90 : memref<4000xi32, #tpu.memory_space<hbm>>) dst(%dma_wait3A_89 : memref<4000xi32, #tpu.memory_space<vmem>>)
        tpu.yield
      }) : () -> ()
      %add3A_71 = arith.constant 2000000 : i32
      %add3A_72 = arith.addi %add3A_71, %mul3A_66 : i32
      "tpu.region"() ({
        %run_scoped3A = tpu.sem_alloc : memref<!tpu.dma_semaphore, #tpu.memory_space<semaphore_mem>>
        %dma_start3A_80 = arith.constant 8000 : i32
        %dma_start3A_81 = tpu.memref_slice %arg6[%dma_start3A_80] : memref<12000xi32, #tpu.memory_space<vmem>> -> memref<4000xi32, #tpu.memory_space<vmem>>
        %dma_start3A_82 = tpu.memref_slice %arg2[%add3A_72] : memref<3000000xi32, #tpu.memory_space<hbm>> -> memref<4000xi32, #tpu.memory_space<hbm>>
        %dma_start3A_83 = arith.constant 8000 : i32
        %dma_start3A_84 = tpu.memref_slice %arg6[%dma_start3A_83] : memref<12000xi32, #tpu.memory_space<vmem>> -> memref<4000xi32, #tpu.memory_space<vmem>>
        %dma_start3A_85 = tpu.memref_slice %arg2[%add3A_72] : memref<3000000xi32, #tpu.memory_space<hbm>> -> memref<4000xi32, #tpu.memory_space<hbm>>
        tpu.enqueue_dma source(%dma_start3A_85 : memref<4000xi32, #tpu.memory_space<hbm>>) target(%dma_start3A_84 : memref<4000xi32, #tpu.memory_space<vmem>>) target_semaphore(%run_scoped3A : memref<!tpu.dma_semaphore, #tpu.memory_space<semaphore_mem>>)
        %dma_wait3A = arith.constant 8000 : i32
        %dma_wait3A_86 = tpu.memref_slice %arg6[%dma_wait3A] : memref<12000xi32, #tpu.memory_space<vmem>> -> memref<4000xi32, #tpu.memory_space<vmem>>
        %dma_wait3A_87 = tpu.memref_slice %arg2[%add3A_72] : memref<3000000xi32, #tpu.memory_space<hbm>> -> memref<4000xi32, #tpu.memory_space<hbm>>
        %dma_wait3A_88 = arith.constant 8000 : i32
        %dma_wait3A_89 = tpu.memref_slice %arg6[%dma_wait3A_88] : memref<12000xi32, #tpu.memory_space<vmem>> -> memref<4000xi32, #tpu.memory_space<vmem>>
        %dma_wait3A_90 = tpu.memref_slice %arg2[%add3A_72] : memref<3000000xi32, #tpu.memory_space<hbm>> -> memref<4000xi32, #tpu.memory_space<hbm>>
        tpu.wait_dma2 semaphore(%run_scoped3A : memref<!tpu.dma_semaphore, #tpu.memory_space<semaphore_mem>>) src(%dma_wait3A_90 : memref<4000xi32, #tpu.memory_space<hbm>>) dst(%dma_wait3A_89 : memref<4000xi32, #tpu.memory_space<vmem>>)
        tpu.yield
      }) : () -> ()
      %scan3A = arith.constant 0 : i32
      %scan3A_73 = arith.constant 0 : i32
      %scan3A_74 = arith.constant 250 : i32
      %scan3A_75 = arith.addi %scan3A_73, %scan3A_74 : i32
      %scan3A_76 = arith.constant 1 : i32
      %scan3A_77 = scf.for %scan3A_80 = %scan3A_73 to %scan3A_75 step %scan3A_76 iter_args(%scan3A_81 = %scan3A) -> (i32)  : i32 {
        %mul3A_82 = arith.constant 16 : i32
        %mul3A_83 = arith.muli %scan3A_80, %mul3A_82 : i32
        %get3A = arith.index_cast %mul3A_83 : i32 to index
        %get3A_84 = tpu.vector_load %arg6[%get3A] {strides = array<i32>} : memref<12000xi32, #tpu.memory_space<vmem>>, vector<16xi32>,
        %add3A_85 = arith.constant 4000 : i32
        %add3A_86 = arith.addi %add3A_85, %mul3A_83 : i32
        %get3A_87 = arith.index_cast %add3A_86 : i32 to index
        %get3A_88 = tpu.vector_load %arg6[%get3A_87] {strides = array<i32>} : memref<12000xi32, #tpu.memory_space<vmem>>, vector<16xi32>,
        %add3A_89 = arith.constant 8000 : i32
        %add3A_90 = arith.addi %add3A_89, %mul3A_83 : i32
        %get3A_91 = arith.index_cast %add3A_90 : i32 to index
        %get3A_92 = tpu.vector_load %arg6[%get3A_91] {strides = array<i32>} : memref<12000xi32, #tpu.memory_space<vmem>>, vector<16xi32>,
        %shift_left3A = arith.constant 14 : i32
        %shift_left3A_93 = vector.broadcast %shift_left3A : i32 to vector<16xi32>
        %shift_left3A_94 = arith.shli %get3A_84, %shift_left3A_93 : vector<16xi32>
        %shift_left3A_95 = arith.constant 7 : i32
        %shift_left3A_96 = vector.broadcast %shift_left3A_95 : i32 to vector<16xi32>
        %shift_left3A_97 = arith.shli %get3A_88, %shift_left3A_96 : vector<16xi32>
        %or3A = arith.ori %shift_left3A_94, %shift_left3A_97 : vector<16xi32>
        %or3A_98 = arith.ori %or3A, %get3A_92 : vector<16xi32>
        %swap3A = arith.index_cast %mul3A_83 : i32 to index
        %swap3A_99 = tpu.vector_load %arg9[%swap3A] {strides = array<i32>} : memref<12000xi32, #tpu.memory_space<vmem>>, vector<16xi32>,
        tpu.vector_store %arg9[%swap3A], %or3A_98 {strides = array<i32>} : memref<12000xi32, #tpu.memory_space<vmem>>, vector<16xi32>,
        %add3A_100 = arith.constant 2097152 : i32
        %add3A_101 = vector.broadcast %add3A_100 : i32 to vector<16xi32>
        %add3A_102 = arith.addi %or3A_98, %add3A_101 : vector<16xi32>
        %add3A_103 = arith.constant 4000 : i32
        %add3A_104 = arith.addi %add3A_103, %mul3A_83 : i32
        %swap3A_105 = arith.index_cast %add3A_104 : i32 to index
        %swap3A_106 = tpu.vector_load %arg9[%swap3A_105] {strides = array<i32>} : memref<12000xi32, #tpu.memory_space<vmem>>, vector<16xi32>,
        tpu.vector_store %arg9[%swap3A_105], %add3A_102 {strides = array<i32>} : memref<12000xi32, #tpu.memory_space<vmem>>, vector<16xi32>,
        %add3A_107 = arith.constant 4194304 : i32
        %add3A_108 = vector.broadcast %add3A_107 : i32 to vector<16xi32>
        %add3A_109 = arith.addi %or3A_98, %add3A_108 : vector<16xi32>
        %add3A_110 = arith.constant 8000 : i32
        %add3A_111 = arith.addi %add3A_110, %mul3A_83 : i32
        %swap3A_112 = arith.index_cast %add3A_111 : i32 to index
        %swap3A_113 = tpu.vector_load %arg9[%swap3A_112] {strides = array<i32>} : memref<12000xi32, #tpu.memory_space<vmem>>, vector<16xi32>,
        tpu.vector_store %arg9[%swap3A_112], %add3A_109 {strides = array<i32>} : memref<12000xi32, #tpu.memory_space<vmem>>, vector<16xi32>,
        %scan3A_114 = arith.constant 0 : i32
        scf.yield %scan3A_114 : i32
      }
      %scan3A_78 = arith.constant 250 : i32
      %dma_start3A = arith.constant 0 : i32
      %dma_start3A_79 = tpu.memref_slice %arg3[%dma_start3A] : memref<6291456xf32, #tpu.memory_space<hbm>> -> memref<6291456xf32, #tpu.memory_space<hbm>>
      tpu.enqueue_indirect_dma source(%dma_start3A_79 : memref<6291456xf32, #tpu.memory_space<hbm>>) target(%arg12 : memref<12000xf32, #tpu.memory_space<vmem>>) offsets(%arg9 : memref<12000xi32, #tpu.memory_space<vmem>>) semaphore(%arg15 : memref<!tpu.dma_semaphore, #tpu.memory_space<semaphore_mem>>)
    } else {
    }
    %add3A_12 = arith.constant 64 : i32
    %add3A_13 = arith.addi %add3A, %add3A_12 : i32
    %lt3A_14 = arith.constant 250 : i32
    %lt3A_15 = arith.cmpi slt, %add3A_13, %lt3A_14 : i32
    %convert_element_type3A_16 = arith.extui %lt3A_15 : i1 to i32
    %cond3A_17 = arith.constant 0 : i32
    %cond3A_18 = arith.cmpi ne, %convert_element_type3A_16, %cond3A_17 : i32
    scf.if %cond3A_18 {
      %mul3A_65 = arith.constant 4000 : i32
      %mul3A_66 = arith.muli %add3A_13, %mul3A_65 : i32
      %add3A_67 = arith.constant 0 : i32
      %add3A_68 = arith.addi %add3A_67, %mul3A_66 : i32
      "tpu.region"() ({
        %run_scoped3A = tpu.sem_alloc : memref<!tpu.dma_semaphore, #tpu.memory_space<semaphore_mem>>
        %dma_start3A_109 = arith.constant 0 : i32
        %dma_start3A_110 = tpu.memref_slice %arg7[%dma_start3A_109] : memref<12000xi32, #tpu.memory_space<vmem>> -> memref<4000xi32, #tpu.memory_space<vmem>>
        %dma_start3A_111 = tpu.memref_slice %arg2[%add3A_68] : memref<3000000xi32, #tpu.memory_space<hbm>> -> memref<4000xi32, #tpu.memory_space<hbm>>
        %dma_start3A_112 = arith.constant 0 : i32
        %dma_start3A_113 = tpu.memref_slice %arg7[%dma_start3A_112] : memref<12000xi32, #tpu.memory_space<vmem>> -> memref<4000xi32, #tpu.memory_space<vmem>>
        %dma_start3A_114 = tpu.memref_slice %arg2[%add3A_68] : memref<3000000xi32, #tpu.memory_space<hbm>> -> memref<4000xi32, #tpu.memory_space<hbm>>
        tpu.enqueue_dma source(%dma_start3A_114 : memref<4000xi32, #tpu.memory_space<hbm>>) target(%dma_start3A_113 : memref<4000xi32, #tpu.memory_space<vmem>>) target_semaphore(%run_scoped3A : memref<!tpu.dma_semaphore, #tpu.memory_space<semaphore_mem>>)
        %dma_wait3A_115 = arith.constant 0 : i32
        %dma_wait3A_116 = tpu.memref_slice %arg7[%dma_wait3A_115] : memref<12000xi32, #tpu.memory_space<vmem>> -> memref<4000xi32, #tpu.memory_space<vmem>>
        %dma_wait3A_117 = tpu.memref_slice %arg2[%add3A_68] : memref<3000000xi32, #tpu.memory_space<hbm>> -> memref<4000xi32, #tpu.memory_space<hbm>>
        %dma_wait3A_118 = arith.constant 0 : i32
        %dma_wait3A_119 = tpu.memref_slice %arg7[%dma_wait3A_118] : memref<12000xi32, #tpu.memory_space<vmem>> -> memref<4000xi32, #tpu.memory_space<vmem>>
        %dma_wait3A_120 = tpu.memref_slice %arg2[%add3A_68] : memref<3000000xi32, #tpu.memory_space<hbm>> -> memref<4000xi32, #tpu.memory_space<hbm>>
        tpu.wait_dma2 semaphore(%run_scoped3A : memref<!tpu.dma_semaphore, #tpu.memory_space<semaphore_mem>>) src(%dma_wait3A_120 : memref<4000xi32, #tpu.memory_space<hbm>>) dst(%dma_wait3A_119 : memref<4000xi32, #tpu.memory_space<vmem>>)
        tpu.yield
      }) : () -> ()
      %add3A_69 = arith.constant 1000000 : i32
      %add3A_70 = arith.addi %add3A_69, %mul3A_66 : i32
      "tpu.region"() ({
        %run_scoped3A = tpu.sem_alloc : memref<!tpu.dma_semaphore, #tpu.memory_space<semaphore_mem>>
        %dma_start3A_109 = arith.constant 4000 : i32
        %dma_start3A_110 = tpu.memref_slice %arg7[%dma_start3A_109] : memref<12000xi32, #tpu.memory_space<vmem>> -> memref<4000xi32, #tpu.memory_space<vmem>>
        %dma_start3A_111 = tpu.memref_slice %arg2[%add3A_70] : memref<3000000xi32, #tpu.memory_space<hbm>> -> memref<4000xi32, #tpu.memory_space<hbm>>
        %dma_start3A_112 = arith.constant 4000 : i32
        %dma_start3A_113 = tpu.memref_slice %arg7[%dma_start3A_112] : memref<12000xi32, #tpu.memory_space<vmem>> -> memref<4000xi32, #tpu.memory_space<vmem>>
        %dma_start3A_114 = tpu.memref_slice %arg2[%add3A_70] : memref<3000000xi32, #tpu.memory_space<hbm>> -> memref<4000xi32, #tpu.memory_space<hbm>>
        tpu.enqueue_dma source(%dma_start3A_114 : memref<4000xi32, #tpu.memory_space<hbm>>) target(%dma_start3A_113 : memref<4000xi32, #tpu.memory_space<vmem>>) target_semaphore(%run_scoped3A : memref<!tpu.dma_semaphore, #tpu.memory_space<semaphore_mem>>)
        %dma_wait3A_115 = arith.constant 4000 : i32
        %dma_wait3A_116 = tpu.memref_slice %arg7[%dma_wait3A_115] : memref<12000xi32, #tpu.memory_space<vmem>> -> memref<4000xi32, #tpu.memory_space<vmem>>
        %dma_wait3A_117 = tpu.memref_slice %arg2[%add3A_70] : memref<3000000xi32, #tpu.memory_space<hbm>> -> memref<4000xi32, #tpu.memory_space<hbm>>
        %dma_wait3A_118 = arith.constant 4000 : i32
        %dma_wait3A_119 = tpu.memref_slice %arg7[%dma_wait3A_118] : memref<12000xi32, #tpu.memory_space<vmem>> -> memref<4000xi32, #tpu.memory_space<vmem>>
        %dma_wait3A_120 = tpu.memref_slice %arg2[%add3A_70] : memref<3000000xi32, #tpu.memory_space<hbm>> -> memref<4000xi32, #tpu.memory_space<hbm>>
        tpu.wait_dma2 semaphore(%run_scoped3A : memref<!tpu.dma_semaphore, #tpu.memory_space<semaphore_mem>>) src(%dma_wait3A_120 : memref<4000xi32, #tpu.memory_space<hbm>>) dst(%dma_wait3A_119 : memref<4000xi32, #tpu.memory_space<vmem>>)
        tpu.yield
      }) : () -> ()
      %add3A_71 = arith.constant 2000000 : i32
      %add3A_72 = arith.addi %add3A_71, %mul3A_66 : i32
      "tpu.region"() ({
        %run_scoped3A = tpu.sem_alloc : memref<!tpu.dma_semaphore, #tpu.memory_space<semaphore_mem>>
        %dma_start3A_109 = arith.constant 8000 : i32
        %dma_start3A_110 = tpu.memref_slice %arg7[%dma_start3A_109] : memref<12000xi32, #tpu.memory_space<vmem>> -> memref<4000xi32, #tpu.memory_space<vmem>>
        %dma_start3A_111 = tpu.memref_slice %arg2[%add3A_72] : memref<3000000xi32, #tpu.memory_space<hbm>> -> memref<4000xi32, #tpu.memory_space<hbm>>
        %dma_start3A_112 = arith.constant 8000 : i32
        %dma_start3A_113 = tpu.memref_slice %arg7[%dma_start3A_112] : memref<12000xi32, #tpu.memory_space<vmem>> -> memref<4000xi32, #tpu.memory_space<vmem>>
        %dma_start3A_114 = tpu.memref_slice %arg2[%add3A_72] : memref<3000000xi32, #tpu.memory_space<hbm>> -> memref<4000xi32, #tpu.memory_space<hbm>>
        tpu.enqueue_dma source(%dma_start3A_114 : memref<4000xi32, #tpu.memory_space<hbm>>) target(%dma_start3A_113 : memref<4000xi32, #tpu.memory_space<vmem>>) target_semaphore(%run_scoped3A : memref<!tpu.dma_semaphore, #tpu.memory_space<semaphore_mem>>)
        %dma_wait3A_115 = arith.constant 8000 : i32
        %dma_wait3A_116 = tpu.memref_slice %arg7[%dma_wait3A_115] : memref<12000xi32, #tpu.memory_space<vmem>> -> memref<4000xi32, #tpu.memory_space<vmem>>
        %dma_wait3A_117 = tpu.memref_slice %arg2[%add3A_72] : memref<3000000xi32, #tpu.memory_space<hbm>> -> memref<4000xi32, #tpu.memory_space<hbm>>
        %dma_wait3A_118 = arith.constant 8000 : i32
        %dma_wait3A_119 = tpu.memref_slice %arg7[%dma_wait3A_118] : memref<12000xi32, #tpu.memory_space<vmem>> -> memref<4000xi32, #tpu.memory_space<vmem>>
        %dma_wait3A_120 = tpu.memref_slice %arg2[%add3A_72] : memref<3000000xi32, #tpu.memory_space<hbm>> -> memref<4000xi32, #tpu.memory_space<hbm>>
        tpu.wait_dma2 semaphore(%run_scoped3A : memref<!tpu.dma_semaphore, #tpu.memory_space<semaphore_mem>>) src(%dma_wait3A_120 : memref<4000xi32, #tpu.memory_space<hbm>>) dst(%dma_wait3A_119 : memref<4000xi32, #tpu.memory_space<vmem>>)
        tpu.yield
      }) : () -> ()
      %scan3A = arith.constant 0 : i32
      %scan3A_73 = arith.constant 0 : i32
      %scan3A_74 = arith.constant 250 : i32
      %scan3A_75 = arith.addi %scan3A_73, %scan3A_74 : i32
      %scan3A_76 = arith.constant 1 : i32
      %scan3A_77 = scf.for %scan3A_109 = %scan3A_73 to %scan3A_75 step %scan3A_76 iter_args(%scan3A_110 = %scan3A) -> (i32)  : i32 {
        %mul3A_111 = arith.constant 16 : i32
        %mul3A_112 = arith.muli %scan3A_109, %mul3A_111 : i32
        %get3A = arith.index_cast %mul3A_112 : i32 to index
        %get3A_113 = tpu.vector_load %arg7[%get3A] {strides = array<i32>} : memref<12000xi32, #tpu.memory_space<vmem>>, vector<16xi32>,
        %add3A_114 = arith.constant 4000 : i32
        %add3A_115 = arith.addi %add3A_114, %mul3A_112 : i32
        %get3A_116 = arith.index_cast %add3A_115 : i32 to index
        %get3A_117 = tpu.vector_load %arg7[%get3A_116] {strides = array<i32>} : memref<12000xi32, #tpu.memory_space<vmem>>, vector<16xi32>,
        %add3A_118 = arith.constant 8000 : i32
        %add3A_119 = arith.addi %add3A_118, %mul3A_112 : i32
        %get3A_120 = arith.index_cast %add3A_119 : i32 to index
        %get3A_121 = tpu.vector_load %arg7[%get3A_120] {strides = array<i32>} : memref<12000xi32, #tpu.memory_space<vmem>>, vector<16xi32>,
        %shift_left3A = arith.constant 14 : i32
        %shift_left3A_122 = vector.broadcast %shift_left3A : i32 to vector<16xi32>
        %shift_left3A_123 = arith.shli %get3A_113, %shift_left3A_122 : vector<16xi32>
        %shift_left3A_124 = arith.constant 7 : i32
        %shift_left3A_125 = vector.broadcast %shift_left3A_124 : i32 to vector<16xi32>
        %shift_left3A_126 = arith.shli %get3A_117, %shift_left3A_125 : vector<16xi32>
        %or3A = arith.ori %shift_left3A_123, %shift_left3A_126 : vector<16xi32>
        %or3A_127 = arith.ori %or3A, %get3A_121 : vector<16xi32>
        %swap3A = arith.index_cast %mul3A_112 : i32 to index
        %swap3A_128 = tpu.vector_load %arg10[%swap3A] {strides = array<i32>} : memref<12000xi32, #tpu.memory_space<vmem>>, vector<16xi32>,
        tpu.vector_store %arg10[%swap3A], %or3A_127 {strides = array<i32>} : memref<12000xi32, #tpu.memory_space<vmem>>, vector<16xi32>,
        %add3A_129 = arith.constant 2097152 : i32
        %add3A_130 = vector.broadcast %add3A_129 : i32 to vector<16xi32>
        %add3A_131 = arith.addi %or3A_127, %add3A_130 : vector<16xi32>
        %add3A_132 = arith.constant 4000 : i32
        %add3A_133 = arith.addi %add3A_132, %mul3A_112 : i32
        %swap3A_134 = arith.index_cast %add3A_133 : i32 to index
        %swap3A_135 = tpu.vector_load %arg10[%swap3A_134] {strides = array<i32>} : memref<12000xi32, #tpu.memory_space<vmem>>, vector<16xi32>,
        tpu.vector_store %arg10[%swap3A_134], %add3A_131 {strides = array<i32>} : memref<12000xi32, #tpu.memory_space<vmem>>, vector<16xi32>,
        %add3A_136 = arith.constant 4194304 : i32
        %add3A_137 = vector.broadcast %add3A_136 : i32 to vector<16xi32>
        %add3A_138 = arith.addi %or3A_127, %add3A_137 : vector<16xi32>
        %add3A_139 = arith.constant 8000 : i32
        %add3A_140 = arith.addi %add3A_139, %mul3A_112 : i32
        %swap3A_141 = arith.index_cast %add3A_140 : i32 to index
        %swap3A_142 = tpu.vector_load %arg10[%swap3A_141] {strides = array<i32>} : memref<12000xi32, #tpu.memory_space<vmem>>, vector<16xi32>,
        tpu.vector_store %arg10[%swap3A_141], %add3A_138 {strides = array<i32>} : memref<12000xi32, #tpu.memory_space<vmem>>, vector<16xi32>,
        %scan3A_143 = arith.constant 0 : i32
        scf.yield %scan3A_143 : i32
      }
      %scan3A_78 = arith.constant 250 : i32
      %dma_start3A = arith.constant 0 : i32
      %dma_start3A_79 = tpu.memref_slice %arg3[%dma_start3A] : memref<6291456xf32, #tpu.memory_space<hbm>> -> memref<6291456xf32, #tpu.memory_space<hbm>>
      tpu.enqueue_indirect_dma source(%dma_start3A_79 : memref<6291456xf32, #tpu.memory_space<hbm>>) target(%arg13 : memref<12000xf32, #tpu.memory_space<vmem>>) offsets(%arg10 : memref<12000xi32, #tpu.memory_space<vmem>>) semaphore(%arg16 : memref<!tpu.dma_semaphore, #tpu.memory_space<semaphore_mem>>)
      %dma_wait3A = arith.constant 0 : i32
      %dma_wait3A_80 = tpu.memref_slice %arg3[%dma_wait3A] : memref<6291456xf32, #tpu.memory_space<hbm>> -> memref<6291456xf32, #tpu.memory_space<hbm>>
      tpu.wait_indirect_dma semaphore(%arg14 : memref<!tpu.dma_semaphore, #tpu.memory_space<semaphore_mem>>) src(%dma_wait3A_80 : memref<6291456xf32, #tpu.memory_space<hbm>>) dst(%arg11 : memref<12000xf32, #tpu.memory_space<vmem>>)
      %add3A_81 = arith.constant 0 : i32
      %add3A_82 = arith.addi %add3A, %add3A_81 : i32
      %mul3A_83 = arith.constant 4000 : i32
      %mul3A_84 = arith.muli %add3A_82, %mul3A_83 : i32
      %add3A_85 = arith.constant 0 : i32
      %add3A_86 = arith.addi %add3A_85, %mul3A_84 : i32
      %dma_start3A_87 = arith.constant 0 : i32
      %dma_start3A_88 = tpu.memref_slice %arg11[%dma_start3A_87] : memref<12000xf32, #tpu.memory_space<vmem>> -> memref<4000xf32, #tpu.memory_space<vmem>>
      %dma_start3A_89 = tpu.memref_slice %arg4[%add3A_86] : memref<3000000xf32, #tpu.memory_space<hbm>> -> memref<4000xf32, #tpu.memory_space<hbm>>
      %dma_start3A_90 = tpu.memref_slice %arg4[%add3A_86] : memref<3000000xf32, #tpu.memory_space<hbm>> -> memref<4000xf32, #tpu.memory_space<hbm>>
      %dma_start3A_91 = arith.constant 0 : i32
      %dma_start3A_92 = tpu.memref_slice %arg11[%dma_start3A_91] : memref<12000xf32, #tpu.memory_space<vmem>> -> memref<4000xf32, #tpu.memory_space<vmem>>
      tpu.enqueue_dma source(%dma_start3A_92 : memref<4000xf32, #tpu.memory_space<vmem>>) target(%dma_start3A_90 : memref<4000xf32, #tpu.memory_space<hbm>>) target_semaphore(%arg17 : memref<!tpu.dma_semaphore, #tpu.memory_space<semaphore_mem>>)
      %add3A_93 = arith.constant 1000000 : i32
      %add3A_94 = arith.addi %add3A_93, %mul3A_84 : i32
      %dma_start3A_95 = arith.constant 4000 : i32
      %dma_start3A_96 = tpu.memref_slice %arg11[%dma_start3A_95] : memref<12000xf32, #tpu.memory_space<vmem>> -> memref<4000xf32, #tpu.memory_space<vmem>>
      %dma_start3A_97 = tpu.memref_slice %arg4[%add3A_94] : memref<3000000xf32, #tpu.memory_space<hbm>> -> memref<4000xf32, #tpu.memory_space<hbm>>
      %dma_start3A_98 = tpu.memref_slice %arg4[%add3A_94] : memref<3000000xf32, #tpu.memory_space<hbm>> -> memref<4000xf32, #tpu.memory_space<hbm>>
      %dma_start3A_99 = arith.constant 4000 : i32
      %dma_start3A_100 = tpu.memref_slice %arg11[%dma_start3A_99] : memref<12000xf32, #tpu.memory_space<vmem>> -> memref<4000xf32, #tpu.memory_space<vmem>>
      tpu.enqueue_dma source(%dma_start3A_100 : memref<4000xf32, #tpu.memory_space<vmem>>) target(%dma_start3A_98 : memref<4000xf32, #tpu.memory_space<hbm>>) target_semaphore(%arg17 : memref<!tpu.dma_semaphore, #tpu.memory_space<semaphore_mem>>)
      %add3A_101 = arith.constant 2000000 : i32
      %add3A_102 = arith.addi %add3A_101, %mul3A_84 : i32
      %dma_start3A_103 = arith.constant 8000 : i32
      %dma_start3A_104 = tpu.memref_slice %arg11[%dma_start3A_103] : memref<12000xf32, #tpu.memory_space<vmem>> -> memref<4000xf32, #tpu.memory_space<vmem>>
      %dma_start3A_105 = tpu.memref_slice %arg4[%add3A_102] : memref<3000000xf32, #tpu.memory_space<hbm>> -> memref<4000xf32, #tpu.memory_space<hbm>>
      %dma_start3A_106 = tpu.memref_slice %arg4[%add3A_102] : memref<3000000xf32, #tpu.memory_space<hbm>> -> memref<4000xf32, #tpu.memory_space<hbm>>
      %dma_start3A_107 = arith.constant 8000 : i32
      %dma_start3A_108 = tpu.memref_slice %arg11[%dma_start3A_107] : memref<12000xf32, #tpu.memory_space<vmem>> -> memref<4000xf32, #tpu.memory_space<vmem>>
      tpu.enqueue_dma source(%dma_start3A_108 : memref<4000xf32, #tpu.memory_space<vmem>>) target(%dma_start3A_106 : memref<4000xf32, #tpu.memory_space<hbm>>) target_semaphore(%arg17 : memref<!tpu.dma_semaphore, #tpu.memory_space<semaphore_mem>>)
    } else {
    }
    %add3A_19 = arith.constant 96 : i32
    %add3A_20 = arith.addi %add3A, %add3A_19 : i32
    %lt3A_21 = arith.constant 250 : i32
    %lt3A_22 = arith.cmpi slt, %add3A_20, %lt3A_21 : i32
    %convert_element_type3A_23 = arith.extui %lt3A_22 : i1 to i32
    %cond3A_24 = arith.constant 0 : i32
    %cond3A_25 = arith.cmpi ne, %convert_element_type3A_23, %cond3A_24 : i32
    scf.if %cond3A_25 {
      %dma_wait3A = arith.constant 0 : i32
      %dma_wait3A_65 = tpu.memref_slice %arg11[%dma_wait3A] : memref<12000xf32, #tpu.memory_space<vmem>> -> memref<4000xf32, #tpu.memory_space<vmem>>
      %dma_wait3A_66 = arith.constant 0 : i32
      %dma_wait3A_67 = tpu.memref_slice %arg4[%dma_wait3A_66] : memref<3000000xf32, #tpu.memory_space<hbm>> -> memref<4000xf32, #tpu.memory_space<hbm>>
      %dma_wait3A_68 = arith.constant 0 : i32
      %dma_wait3A_69 = tpu.memref_slice %arg4[%dma_wait3A_68] : memref<3000000xf32, #tpu.memory_space<hbm>> -> memref<4000xf32, #tpu.memory_space<hbm>>
      %dma_wait3A_70 = arith.constant 0 : i32
      %dma_wait3A_71 = tpu.memref_slice %arg11[%dma_wait3A_70] : memref<12000xf32, #tpu.memory_space<vmem>> -> memref<4000xf32, #tpu.memory_space<vmem>>
      tpu.wait_dma2 semaphore(%arg17 : memref<!tpu.dma_semaphore, #tpu.memory_space<semaphore_mem>>) src(%dma_wait3A_71 : memref<4000xf32, #tpu.memory_space<vmem>>) dst(%dma_wait3A_69 : memref<4000xf32, #tpu.memory_space<hbm>>)
      %dma_wait3A_72 = arith.constant 4000 : i32
      %dma_wait3A_73 = tpu.memref_slice %arg11[%dma_wait3A_72] : memref<12000xf32, #tpu.memory_space<vmem>> -> memref<4000xf32, #tpu.memory_space<vmem>>
      %dma_wait3A_74 = arith.constant 0 : i32
      %dma_wait3A_75 = tpu.memref_slice %arg4[%dma_wait3A_74] : memref<3000000xf32, #tpu.memory_space<hbm>> -> memref<4000xf32, #tpu.memory_space<hbm>>
      %dma_wait3A_76 = arith.constant 0 : i32
      %dma_wait3A_77 = tpu.memref_slice %arg4[%dma_wait3A_76] : memref<3000000xf32, #tpu.memory_space<hbm>> -> memref<4000xf32, #tpu.memory_space<hbm>>
      %dma_wait3A_78 = arith.constant 4000 : i32
      %dma_wait3A_79 = tpu.memref_slice %arg11[%dma_wait3A_78] : memref<12000xf32, #tpu.memory_space<vmem>> -> memref<4000xf32, #tpu.memory_space<vmem>>
      tpu.wait_dma2 semaphore(%arg17 : memref<!tpu.dma_semaphore, #tpu.memory_space<semaphore_mem>>) src(%dma_wait3A_79 : memref<4000xf32, #tpu.memory_space<vmem>>) dst(%dma_wait3A_77 : memref<4000xf32, #tpu.memory_space<hbm>>)
      %dma_wait3A_80 = arith.constant 8000 : i32
      %dma_wait3A_81 = tpu.memref_slice %arg11[%dma_wait3A_80] : memref<12000xf32, #tpu.memory_space<vmem>> -> memref<4000xf32, #tpu.memory_space<vmem>>
      %dma_wait3A_82 = arith.constant 0 : i32
      %dma_wait3A_83 = tpu.memref_slice %arg4[%dma_wait3A_82] : memref<3000000xf32, #tpu.memory_space<hbm>> -> memref<4000xf32, #tpu.memory_space<hbm>>
      %dma_wait3A_84 = arith.constant 0 : i32
      %dma_wait3A_85 = tpu.memref_slice %arg4[%dma_wait3A_84] : memref<3000000xf32, #tpu.memory_space<hbm>> -> memref<4000xf32, #tpu.memory_space<hbm>>
      %dma_wait3A_86 = arith.constant 8000 : i32
      %dma_wait3A_87 = tpu.memref_slice %arg11[%dma_wait3A_86] : memref<12000xf32, #tpu.memory_space<vmem>> -> memref<4000xf32, #tpu.memory_space<vmem>>
      tpu.wait_dma2 semaphore(%arg17 : memref<!tpu.dma_semaphore, #tpu.memory_space<semaphore_mem>>) src(%dma_wait3A_87 : memref<4000xf32, #tpu.memory_space<vmem>>) dst(%dma_wait3A_85 : memref<4000xf32, #tpu.memory_space<hbm>>)
      %mul3A_88 = arith.constant 4000 : i32
      %mul3A_89 = arith.muli %add3A_20, %mul3A_88 : i32
      %add3A_90 = arith.constant 0 : i32
      %add3A_91 = arith.addi %add3A_90, %mul3A_89 : i32
      "tpu.region"() ({
        %run_scoped3A = tpu.sem_alloc : memref<!tpu.dma_semaphore, #tpu.memory_space<semaphore_mem>>
        %dma_start3A_133 = arith.constant 0 : i32
        %dma_start3A_134 = tpu.memref_slice %arg5[%dma_start3A_133] : memref<12000xi32, #tpu.memory_space<vmem>> -> memref<4000xi32, #tpu.memory_space<vmem>>
        %dma_start3A_135 = tpu.memref_slice %arg2[%add3A_91] : memref<3000000xi32, #tpu.memory_space<hbm>> -> memref<4000xi32, #tpu.memory_space<hbm>>
        %dma_start3A_136 = arith.constant 0 : i32
        %dma_start3A_137 = tpu.memref_slice %arg5[%dma_start3A_136] : memref<12000xi32, #tpu.memory_space<vmem>> -> memref<4000xi32, #tpu.memory_space<vmem>>
        %dma_start3A_138 = tpu.memref_slice %arg2[%add3A_91] : memref<3000000xi32, #tpu.memory_space<hbm>> -> memref<4000xi32, #tpu.memory_space<hbm>>
        tpu.enqueue_dma source(%dma_start3A_138 : memref<4000xi32, #tpu.memory_space<hbm>>) target(%dma_start3A_137 : memref<4000xi32, #tpu.memory_space<vmem>>) target_semaphore(%run_scoped3A : memref<!tpu.dma_semaphore, #tpu.memory_space<semaphore_mem>>)
        %dma_wait3A_139 = arith.constant 0 : i32
        %dma_wait3A_140 = tpu.memref_slice %arg5[%dma_wait3A_139] : memref<12000xi32, #tpu.memory_space<vmem>> -> memref<4000xi32, #tpu.memory_space<vmem>>
        %dma_wait3A_141 = tpu.memref_slice %arg2[%add3A_91] : memref<3000000xi32, #tpu.memory_space<hbm>> -> memref<4000xi32, #tpu.memory_space<hbm>>
        %dma_wait3A_142 = arith.constant 0 : i32
        %dma_wait3A_143 = tpu.memref_slice %arg5[%dma_wait3A_142] : memref<12000xi32, #tpu.memory_space<vmem>> -> memref<4000xi32, #tpu.memory_space<vmem>>
        %dma_wait3A_144 = tpu.memref_slice %arg2[%add3A_91] : memref<3000000xi32, #tpu.memory_space<hbm>> -> memref<4000xi32, #tpu.memory_space<hbm>>
        tpu.wait_dma2 semaphore(%run_scoped3A : memref<!tpu.dma_semaphore, #tpu.memory_space<semaphore_mem>>) src(%dma_wait3A_144 : memref<4000xi32, #tpu.memory_space<hbm>>) dst(%dma_wait3A_143 : memref<4000xi32, #tpu.memory_space<vmem>>)
        tpu.yield
      }) : () -> ()
      %add3A_92 = arith.constant 1000000 : i32
      %add3A_93 = arith.addi %add3A_92, %mul3A_89 : i32
      "tpu.region"() ({
        %run_scoped3A = tpu.sem_alloc : memref<!tpu.dma_semaphore, #tpu.memory_space<semaphore_mem>>
        %dma_start3A_133 = arith.constant 4000 : i32
        %dma_start3A_134 = tpu.memref_slice %arg5[%dma_start3A_133] : memref<12000xi32, #tpu.memory_space<vmem>> -> memref<4000xi32, #tpu.memory_space<vmem>>
        %dma_start3A_135 = tpu.memref_slice %arg2[%add3A_93] : memref<3000000xi32, #tpu.memory_space<hbm>> -> memref<4000xi32, #tpu.memory_space<hbm>>
        %dma_start3A_136 = arith.constant 4000 : i32
        %dma_start3A_137 = tpu.memref_slice %arg5[%dma_start3A_136] : memref<12000xi32, #tpu.memory_space<vmem>> -> memref<4000xi32, #tpu.memory_space<vmem>>
        %dma_start3A_138 = tpu.memref_slice %arg2[%add3A_93] : memref<3000000xi32, #tpu.memory_space<hbm>> -> memref<4000xi32, #tpu.memory_space<hbm>>
        tpu.enqueue_dma source(%dma_start3A_138 : memref<4000xi32, #tpu.memory_space<hbm>>) target(%dma_start3A_137 : memref<4000xi32, #tpu.memory_space<vmem>>) target_semaphore(%run_scoped3A : memref<!tpu.dma_semaphore, #tpu.memory_space<semaphore_mem>>)
        %dma_wait3A_139 = arith.constant 4000 : i32
        %dma_wait3A_140 = tpu.memref_slice %arg5[%dma_wait3A_139] : memref<12000xi32, #tpu.memory_space<vmem>> -> memref<4000xi32, #tpu.memory_space<vmem>>
        %dma_wait3A_141 = tpu.memref_slice %arg2[%add3A_93] : memref<3000000xi32, #tpu.memory_space<hbm>> -> memref<4000xi32, #tpu.memory_space<hbm>>
        %dma_wait3A_142 = arith.constant 4000 : i32
        %dma_wait3A_143 = tpu.memref_slice %arg5[%dma_wait3A_142] : memref<12000xi32, #tpu.memory_space<vmem>> -> memref<4000xi32, #tpu.memory_space<vmem>>
        %dma_wait3A_144 = tpu.memref_slice %arg2[%add3A_93] : memref<3000000xi32, #tpu.memory_space<hbm>> -> memref<4000xi32, #tpu.memory_space<hbm>>
        tpu.wait_dma2 semaphore(%run_scoped3A : memref<!tpu.dma_semaphore, #tpu.memory_space<semaphore_mem>>) src(%dma_wait3A_144 : memref<4000xi32, #tpu.memory_space<hbm>>) dst(%dma_wait3A_143 : memref<4000xi32, #tpu.memory_space<vmem>>)
        tpu.yield
      }) : () -> ()
      %add3A_94 = arith.constant 2000000 : i32
      %add3A_95 = arith.addi %add3A_94, %mul3A_89 : i32
      "tpu.region"() ({
        %run_scoped3A = tpu.sem_alloc : memref<!tpu.dma_semaphore, #tpu.memory_space<semaphore_mem>>
        %dma_start3A_133 = arith.constant 8000 : i32
        %dma_start3A_134 = tpu.memref_slice %arg5[%dma_start3A_133] : memref<12000xi32, #tpu.memory_space<vmem>> -> memref<4000xi32, #tpu.memory_space<vmem>>
        %dma_start3A_135 = tpu.memref_slice %arg2[%add3A_95] : memref<3000000xi32, #tpu.memory_space<hbm>> -> memref<4000xi32, #tpu.memory_space<hbm>>
        %dma_start3A_136 = arith.constant 8000 : i32
        %dma_start3A_137 = tpu.memref_slice %arg5[%dma_start3A_136] : memref<12000xi32, #tpu.memory_space<vmem>> -> memref<4000xi32, #tpu.memory_space<vmem>>
        %dma_start3A_138 = tpu.memref_slice %arg2[%add3A_95] : memref<3000000xi32, #tpu.memory_space<hbm>> -> memref<4000xi32, #tpu.memory_space<hbm>>
        tpu.enqueue_dma source(%dma_start3A_138 : memref<4000xi32, #tpu.memory_space<hbm>>) target(%dma_start3A_137 : memref<4000xi32, #tpu.memory_space<vmem>>) target_semaphore(%run_scoped3A : memref<!tpu.dma_semaphore, #tpu.memory_space<semaphore_mem>>)
        %dma_wait3A_139 = arith.constant 8000 : i32
        %dma_wait3A_140 = tpu.memref_slice %arg5[%dma_wait3A_139] : memref<12000xi32, #tpu.memory_space<vmem>> -> memref<4000xi32, #tpu.memory_space<vmem>>
        %dma_wait3A_141 = tpu.memref_slice %arg2[%add3A_95] : memref<3000000xi32, #tpu.memory_space<hbm>> -> memref<4000xi32, #tpu.memory_space<hbm>>
        %dma_wait3A_142 = arith.constant 8000 : i32
        %dma_wait3A_143 = tpu.memref_slice %arg5[%dma_wait3A_142] : memref<12000xi32, #tpu.memory_space<vmem>> -> memref<4000xi32, #tpu.memory_space<vmem>>
        %dma_wait3A_144 = tpu.memref_slice %arg2[%add3A_95] : memref<3000000xi32, #tpu.memory_space<hbm>> -> memref<4000xi32, #tpu.memory_space<hbm>>
        tpu.wait_dma2 semaphore(%run_scoped3A : memref<!tpu.dma_semaphore, #tpu.memory_space<semaphore_mem>>) src(%dma_wait3A_144 : memref<4000xi32, #tpu.memory_space<hbm>>) dst(%dma_wait3A_143 : memref<4000xi32, #tpu.memory_space<vmem>>)
        tpu.yield
      }) : () -> ()
      %scan3A = arith.constant 0 : i32
      %scan3A_96 = arith.constant 0 : i32
      %scan3A_97 = arith.constant 250 : i32
      %scan3A_98 = arith.addi %scan3A_96, %scan3A_97 : i32
      %scan3A_99 = arith.constant 1 : i32
      %scan3A_100 = scf.for %scan3A_133 = %scan3A_96 to %scan3A_98 step %scan3A_99 iter_args(%scan3A_134 = %scan3A) -> (i32)  : i32 {
        %mul3A_135 = arith.constant 16 : i32
        %mul3A_136 = arith.muli %scan3A_133, %mul3A_135 : i32
        %get3A = arith.index_cast %mul3A_136 : i32 to index
        %get3A_137 = tpu.vector_load %arg5[%get3A] {strides = array<i32>} : memref<12000xi32, #tpu.memory_space<vmem>>, vector<16xi32>,
        %add3A_138 = arith.constant 4000 : i32
        %add3A_139 = arith.addi %add3A_138, %mul3A_136 : i32
        %get3A_140 = arith.index_cast %add3A_139 : i32 to index
        %get3A_141 = tpu.vector_load %arg5[%get3A_140] {strides = array<i32>} : memref<12000xi32, #tpu.memory_space<vmem>>, vector<16xi32>,
        %add3A_142 = arith.constant 8000 : i32
        %add3A_143 = arith.addi %add3A_142, %mul3A_136 : i32
        %get3A_144 = arith.index_cast %add3A_143 : i32 to index
        %get3A_145 = tpu.vector_load %arg5[%get3A_144] {strides = array<i32>} : memref<12000xi32, #tpu.memory_space<vmem>>, vector<16xi32>,
        %shift_left3A = arith.constant 14 : i32
        %shift_left3A_146 = vector.broadcast %shift_left3A : i32 to vector<16xi32>
        %shift_left3A_147 = arith.shli %get3A_137, %shift_left3A_146 : vector<16xi32>
        %shift_left3A_148 = arith.constant 7 : i32
        %shift_left3A_149 = vector.broadcast %shift_left3A_148 : i32 to vector<16xi32>
        %shift_left3A_150 = arith.shli %get3A_141, %shift_left3A_149 : vector<16xi32>
        %or3A = arith.ori %shift_left3A_147, %shift_left3A_150 : vector<16xi32>
        %or3A_151 = arith.ori %or3A, %get3A_145 : vector<16xi32>
        %swap3A = arith.index_cast %mul3A_136 : i32 to index
        %swap3A_152 = tpu.vector_load %arg8[%swap3A] {strides = array<i32>} : memref<12000xi32, #tpu.memory_space<vmem>>, vector<16xi32>,
        tpu.vector_store %arg8[%swap3A], %or3A_151 {strides = array<i32>} : memref<12000xi32, #tpu.memory_space<vmem>>, vector<16xi32>,
        %add3A_153 = arith.constant 2097152 : i32
        %add3A_154 = vector.broadcast %add3A_153 : i32 to vector<16xi32>
        %add3A_155 = arith.addi %or3A_151, %add3A_154 : vector<16xi32>
        %add3A_156 = arith.constant 4000 : i32
        %add3A_157 = arith.addi %add3A_156, %mul3A_136 : i32
        %swap3A_158 = arith.index_cast %add3A_157 : i32 to index
        %swap3A_159 = tpu.vector_load %arg8[%swap3A_158] {strides = array<i32>} : memref<12000xi32, #tpu.memory_space<vmem>>, vector<16xi32>,
        tpu.vector_store %arg8[%swap3A_158], %add3A_155 {strides = array<i32>} : memref<12000xi32, #tpu.memory_space<vmem>>, vector<16xi32>,
        %add3A_160 = arith.constant 4194304 : i32
        %add3A_161 = vector.broadcast %add3A_160 : i32 to vector<16xi32>
        %add3A_162 = arith.addi %or3A_151, %add3A_161 : vector<16xi32>
        %add3A_163 = arith.constant 8000 : i32
        %add3A_164 = arith.addi %add3A_163, %mul3A_136 : i32
        %swap3A_165 = arith.index_cast %add3A_164 : i32 to index
        %swap3A_166 = tpu.vector_load %arg8[%swap3A_165] {strides = array<i32>} : memref<12000xi32, #tpu.memory_space<vmem>>, vector<16xi32>,
        tpu.vector_store %arg8[%swap3A_165], %add3A_162 {strides = array<i32>} : memref<12000xi32, #tpu.memory_space<vmem>>, vector<16xi32>,
        %scan3A_167 = arith.constant 0 : i32
        scf.yield %scan3A_167 : i32
      }
      %scan3A_101 = arith.constant 250 : i32
      %dma_start3A = arith.constant 0 : i32
      %dma_start3A_102 = tpu.memref_slice %arg3[%dma_start3A] : memref<6291456xf32, #tpu.memory_space<hbm>> -> memref<6291456xf32, #tpu.memory_space<hbm>>
      tpu.enqueue_indirect_dma source(%dma_start3A_102 : memref<6291456xf32, #tpu.memory_space<hbm>>) target(%arg11 : memref<12000xf32, #tpu.memory_space<vmem>>) offsets(%arg8 : memref<12000xi32, #tpu.memory_space<vmem>>) semaphore(%arg14 : memref<!tpu.dma_semaphore, #tpu.memory_space<semaphore_mem>>)
      %dma_wait3A_103 = arith.constant 0 : i32
      %dma_wait3A_104 = tpu.memref_slice %arg3[%dma_wait3A_103] : memref<6291456xf32, #tpu.memory_space<hbm>> -> memref<6291456xf32, #tpu.memory_space<hbm>>
      tpu.wait_indirect_dma semaphore(%arg15 : memref<!tpu.dma_semaphore, #tpu.memory_space<semaphore_mem>>) src(%dma_wait3A_104 : memref<6291456xf32, #tpu.memory_space<hbm>>) dst(%arg12 : memref<12000xf32, #tpu.memory_space<vmem>>)
      %add3A_105 = arith.constant 32 : i32
      %add3A_106 = arith.addi %add3A, %add3A_105 : i32
      %mul3A_107 = arith.constant 4000 : i32
      %mul3A_108 = arith.muli %add3A_106, %mul3A_107 : i32
      %add3A_109 = arith.constant 0 : i32
      %add3A_110 = arith.addi %add3A_109, %mul3A_108 : i32
      %dma_start3A_111 = arith.constant 0 : i32
      %dma_start3A_112 = tpu.memref_slice %arg12[%dma_start3A_111] : memref<12000xf32, #tpu.memory_space<vmem>> -> memref<4000xf32, #tpu.memory_space<vmem>>
      %dma_start3A_113 = tpu.memref_slice %arg4[%add3A_110] : memref<3000000xf32, #tpu.memory_space<hbm>> -> memref<4000xf32, #tpu.memory_space<hbm>>
      %dma_start3A_114 = tpu.memref_slice %arg4[%add3A_110] : memref<3000000xf32, #tpu.memory_space<hbm>> -> memref<4000xf32, #tpu.memory_space<hbm>>
      %dma_start3A_115 = arith.constant 0 : i32
      %dma_start3A_116 = tpu.memref_slice %arg12[%dma_start3A_115] : memref<12000xf32, #tpu.memory_space<vmem>> -> memref<4000xf32, #tpu.memory_space<vmem>>
      tpu.enqueue_dma source(%dma_start3A_116 : memref<4000xf32, #tpu.memory_space<vmem>>) target(%dma_start3A_114 : memref<4000xf32, #tpu.memory_space<hbm>>) target_semaphore(%arg18 : memref<!tpu.dma_semaphore, #tpu.memory_space<semaphore_mem>>)
      %add3A_117 = arith.constant 1000000 : i32
      %add3A_118 = arith.addi %add3A_117, %mul3A_108 : i32
      %dma_start3A_119 = arith.constant 4000 : i32
      %dma_start3A_120 = tpu.memref_slice %arg12[%dma_start3A_119] : memref<12000xf32, #tpu.memory_space<vmem>> -> memref<4000xf32, #tpu.memory_space<vmem>>
      %dma_start3A_121 = tpu.memref_slice %arg4[%add3A_118] : memref<3000000xf32, #tpu.memory_space<hbm>> -> memref<4000xf32, #tpu.memory_space<hbm>>
      %dma_start3A_122 = tpu.memref_slice %arg4[%add3A_118] : memref<3000000xf32, #tpu.memory_space<hbm>> -> memref<4000xf32, #tpu.memory_space<hbm>>
      %dma_start3A_123 = arith.constant 4000 : i32
      %dma_start3A_124 = tpu.memref_slice %arg12[%dma_start3A_123] : memref<12000xf32, #tpu.memory_space<vmem>> -> memref<4000xf32, #tpu.memory_space<vmem>>
      tpu.enqueue_dma source(%dma_start3A_124 : memref<4000xf32, #tpu.memory_space<vmem>>) target(%dma_start3A_122 : memref<4000xf32, #tpu.memory_space<hbm>>) target_semaphore(%arg18 : memref<!tpu.dma_semaphore, #tpu.memory_space<semaphore_mem>>)
      %add3A_125 = arith.constant 2000000 : i32
      %add3A_126 = arith.addi %add3A_125, %mul3A_108 : i32
      %dma_start3A_127 = arith.constant 8000 : i32
      %dma_start3A_128 = tpu.memref_slice %arg12[%dma_start3A_127] : memref<12000xf32, #tpu.memory_space<vmem>> -> memref<4000xf32, #tpu.memory_space<vmem>>
      %dma_start3A_129 = tpu.memref_slice %arg4[%add3A_126] : memref<3000000xf32, #tpu.memory_space<hbm>> -> memref<4000xf32, #tpu.memory_space<hbm>>
      %dma_start3A_130 = tpu.memref_slice %arg4[%add3A_126] : memref<3000000xf32, #tpu.memory_space<hbm>> -> memref<4000xf32, #tpu.memory_space<hbm>>
      %dma_start3A_131 = arith.constant 8000 : i32
      %dma_start3A_132 = tpu.memref_slice %arg12[%dma_start3A_131] : memref<12000xf32, #tpu.memory_space<vmem>> -> memref<4000xf32, #tpu.memory_space<vmem>>
      tpu.enqueue_dma source(%dma_start3A_132 : memref<4000xf32, #tpu.memory_space<vmem>>) target(%dma_start3A_130 : memref<4000xf32, #tpu.memory_space<hbm>>) target_semaphore(%arg18 : memref<!tpu.dma_semaphore, #tpu.memory_space<semaphore_mem>>)
    } else {
    }
    %add3A_26 = arith.constant 128 : i32
    %add3A_27 = arith.addi %add3A, %add3A_26 : i32
    %lt3A_28 = arith.constant 250 : i32
    %lt3A_29 = arith.cmpi slt, %add3A_27, %lt3A_28 : i32
    %convert_element_type3A_30 = arith.extui %lt3A_29 : i1 to i32
    %cond3A_31 = arith.constant 0 : i32
    %cond3A_32 = arith.cmpi ne, %convert_element_type3A_30, %cond3A_31 : i32
    scf.if %cond3A_32 {
      %dma_wait3A = arith.constant 0 : i32
      %dma_wait3A_65 = tpu.memref_slice %arg12[%dma_wait3A] : memref<12000xf32, #tpu.memory_space<vmem>> -> memref<4000xf32, #tpu.memory_space<vmem>>
      %dma_wait3A_66 = arith.constant 0 : i32
      %dma_wait3A_67 = tpu.memref_slice %arg4[%dma_wait3A_66] : memref<3000000xf32, #tpu.memory_space<hbm>> -> memref<4000xf32, #tpu.memory_space<hbm>>
      %dma_wait3A_68 = arith.constant 0 : i32
      %dma_wait3A_69 = tpu.memref_slice %arg4[%dma_wait3A_68] : memref<3000000xf32, #tpu.memory_space<hbm>> -> memref<4000xf32, #tpu.memory_space<hbm>>
      %dma_wait3A_70 = arith.constant 0 : i32
      %dma_wait3A_71 = tpu.memref_slice %arg12[%dma_wait3A_70] : memref<12000xf32, #tpu.memory_space<vmem>> -> memref<4000xf32, #tpu.memory_space<vmem>>
      tpu.wait_dma2 semaphore(%arg18 : memref<!tpu.dma_semaphore, #tpu.memory_space<semaphore_mem>>) src(%dma_wait3A_71 : memref<4000xf32, #tpu.memory_space<vmem>>) dst(%dma_wait3A_69 : memref<4000xf32, #tpu.memory_space<hbm>>)
      %dma_wait3A_72 = arith.constant 4000 : i32
      %dma_wait3A_73 = tpu.memref_slice %arg12[%dma_wait3A_72] : memref<12000xf32, #tpu.memory_space<vmem>> -> memref<4000xf32, #tpu.memory_space<vmem>>
      %dma_wait3A_74 = arith.constant 0 : i32
      %dma_wait3A_75 = tpu.memref_slice %arg4[%dma_wait3A_74] : memref<3000000xf32, #tpu.memory_space<hbm>> -> memref<4000xf32, #tpu.memory_space<hbm>>
      %dma_wait3A_76 = arith.constant 0 : i32
      %dma_wait3A_77 = tpu.memref_slice %arg4[%dma_wait3A_76] : memref<3000000xf32, #tpu.memory_space<hbm>> -> memref<4000xf32, #tpu.memory_space<hbm>>
      %dma_wait3A_78 = arith.constant 4000 : i32
      %dma_wait3A_79 = tpu.memref_slice %arg12[%dma_wait3A_78] : memref<12000xf32, #tpu.memory_space<vmem>> -> memref<4000xf32, #tpu.memory_space<vmem>>
      tpu.wait_dma2 semaphore(%arg18 : memref<!tpu.dma_semaphore, #tpu.memory_space<semaphore_mem>>) src(%dma_wait3A_79 : memref<4000xf32, #tpu.memory_space<vmem>>) dst(%dma_wait3A_77 : memref<4000xf32, #tpu.memory_space<hbm>>)
      %dma_wait3A_80 = arith.constant 8000 : i32
      %dma_wait3A_81 = tpu.memref_slice %arg12[%dma_wait3A_80] : memref<12000xf32, #tpu.memory_space<vmem>> -> memref<4000xf32, #tpu.memory_space<vmem>>
      %dma_wait3A_82 = arith.constant 0 : i32
      %dma_wait3A_83 = tpu.memref_slice %arg4[%dma_wait3A_82] : memref<3000000xf32, #tpu.memory_space<hbm>> -> memref<4000xf32, #tpu.memory_space<hbm>>
      %dma_wait3A_84 = arith.constant 0 : i32
      %dma_wait3A_85 = tpu.memref_slice %arg4[%dma_wait3A_84] : memref<3000000xf32, #tpu.memory_space<hbm>> -> memref<4000xf32, #tpu.memory_space<hbm>>
      %dma_wait3A_86 = arith.constant 8000 : i32
      %dma_wait3A_87 = tpu.memref_slice %arg12[%dma_wait3A_86] : memref<12000xf32, #tpu.memory_space<vmem>> -> memref<4000xf32, #tpu.memory_space<vmem>>
      tpu.wait_dma2 semaphore(%arg18 : memref<!tpu.dma_semaphore, #tpu.memory_space<semaphore_mem>>) src(%dma_wait3A_87 : memref<4000xf32, #tpu.memory_space<vmem>>) dst(%dma_wait3A_85 : memref<4000xf32, #tpu.memory_space<hbm>>)
      %mul3A_88 = arith.constant 4000 : i32
      %mul3A_89 = arith.muli %add3A_27, %mul3A_88 : i32
      %add3A_90 = arith.constant 0 : i32
      %add3A_91 = arith.addi %add3A_90, %mul3A_89 : i32
      "tpu.region"() ({
        %run_scoped3A = tpu.sem_alloc : memref<!tpu.dma_semaphore, #tpu.memory_space<semaphore_mem>>
        %dma_start3A_133 = arith.constant 0 : i32
        %dma_start3A_134 = tpu.memref_slice %arg6[%dma_start3A_133] : memref<12000xi32, #tpu.memory_space<vmem>> -> memref<4000xi32, #tpu.memory_space<vmem>>
        %dma_start3A_135 = tpu.memref_slice %arg2[%add3A_91] : memref<3000000xi32, #tpu.memory_space<hbm>> -> memref<4000xi32, #tpu.memory_space<hbm>>
        %dma_start3A_136 = arith.constant 0 : i32
        %dma_start3A_137 = tpu.memref_slice %arg6[%dma_start3A_136] : memref<12000xi32, #tpu.memory_space<vmem>> -> memref<4000xi32, #tpu.memory_space<vmem>>
        %dma_start3A_138 = tpu.memref_slice %arg2[%add3A_91] : memref<3000000xi32, #tpu.memory_space<hbm>> -> memref<4000xi32, #tpu.memory_space<hbm>>
        tpu.enqueue_dma source(%dma_start3A_138 : memref<4000xi32, #tpu.memory_space<hbm>>) target(%dma_start3A_137 : memref<4000xi32, #tpu.memory_space<vmem>>) target_semaphore(%run_scoped3A : memref<!tpu.dma_semaphore, #tpu.memory_space<semaphore_mem>>)
        %dma_wait3A_139 = arith.constant 0 : i32
        %dma_wait3A_140 = tpu.memref_slice %arg6[%dma_wait3A_139] : memref<12000xi32, #tpu.memory_space<vmem>> -> memref<4000xi32, #tpu.memory_space<vmem>>
        %dma_wait3A_141 = tpu.memref_slice %arg2[%add3A_91] : memref<3000000xi32, #tpu.memory_space<hbm>> -> memref<4000xi32, #tpu.memory_space<hbm>>
        %dma_wait3A_142 = arith.constant 0 : i32
        %dma_wait3A_143 = tpu.memref_slice %arg6[%dma_wait3A_142] : memref<12000xi32, #tpu.memory_space<vmem>> -> memref<4000xi32, #tpu.memory_space<vmem>>
        %dma_wait3A_144 = tpu.memref_slice %arg2[%add3A_91] : memref<3000000xi32, #tpu.memory_space<hbm>> -> memref<4000xi32, #tpu.memory_space<hbm>>
        tpu.wait_dma2 semaphore(%run_scoped3A : memref<!tpu.dma_semaphore, #tpu.memory_space<semaphore_mem>>) src(%dma_wait3A_144 : memref<4000xi32, #tpu.memory_space<hbm>>) dst(%dma_wait3A_143 : memref<4000xi32, #tpu.memory_space<vmem>>)
        tpu.yield
      }) : () -> ()
      %add3A_92 = arith.constant 1000000 : i32
      %add3A_93 = arith.addi %add3A_92, %mul3A_89 : i32
      "tpu.region"() ({
        %run_scoped3A = tpu.sem_alloc : memref<!tpu.dma_semaphore, #tpu.memory_space<semaphore_mem>>
        %dma_start3A_133 = arith.constant 4000 : i32
        %dma_start3A_134 = tpu.memref_slice %arg6[%dma_start3A_133] : memref<12000xi32, #tpu.memory_space<vmem>> -> memref<4000xi32, #tpu.memory_space<vmem>>
        %dma_start3A_135 = tpu.memref_slice %arg2[%add3A_93] : memref<3000000xi32, #tpu.memory_space<hbm>> -> memref<4000xi32, #tpu.memory_space<hbm>>
        %dma_start3A_136 = arith.constant 4000 : i32
        %dma_start3A_137 = tpu.memref_slice %arg6[%dma_start3A_136] : memref<12000xi32, #tpu.memory_space<vmem>> -> memref<4000xi32, #tpu.memory_space<vmem>>
        %dma_start3A_138 = tpu.memref_slice %arg2[%add3A_93] : memref<3000000xi32, #tpu.memory_space<hbm>> -> memref<4000xi32, #tpu.memory_space<hbm>>
        tpu.enqueue_dma source(%dma_start3A_138 : memref<4000xi32, #tpu.memory_space<hbm>>) target(%dma_start3A_137 : memref<4000xi32, #tpu.memory_space<vmem>>) target_semaphore(%run_scoped3A : memref<!tpu.dma_semaphore, #tpu.memory_space<semaphore_mem>>)
        %dma_wait3A_139 = arith.constant 4000 : i32
        %dma_wait3A_140 = tpu.memref_slice %arg6[%dma_wait3A_139] : memref<12000xi32, #tpu.memory_space<vmem>> -> memref<4000xi32, #tpu.memory_space<vmem>>
        %dma_wait3A_141 = tpu.memref_slice %arg2[%add3A_93] : memref<3000000xi32, #tpu.memory_space<hbm>> -> memref<4000xi32, #tpu.memory_space<hbm>>
        %dma_wait3A_142 = arith.constant 4000 : i32
        %dma_wait3A_143 = tpu.memref_slice %arg6[%dma_wait3A_142] : memref<12000xi32, #tpu.memory_space<vmem>> -> memref<4000xi32, #tpu.memory_space<vmem>>
        %dma_wait3A_144 = tpu.memref_slice %arg2[%add3A_93] : memref<3000000xi32, #tpu.memory_space<hbm>> -> memref<4000xi32, #tpu.memory_space<hbm>>
        tpu.wait_dma2 semaphore(%run_scoped3A : memref<!tpu.dma_semaphore, #tpu.memory_space<semaphore_mem>>) src(%dma_wait3A_144 : memref<4000xi32, #tpu.memory_space<hbm>>) dst(%dma_wait3A_143 : memref<4000xi32, #tpu.memory_space<vmem>>)
        tpu.yield
      }) : () -> ()
      %add3A_94 = arith.constant 2000000 : i32
      %add3A_95 = arith.addi %add3A_94, %mul3A_89 : i32
      "tpu.region"() ({
        %run_scoped3A = tpu.sem_alloc : memref<!tpu.dma_semaphore, #tpu.memory_space<semaphore_mem>>
        %dma_start3A_133 = arith.constant 8000 : i32
        %dma_start3A_134 = tpu.memref_slice %arg6[%dma_start3A_133] : memref<12000xi32, #tpu.memory_space<vmem>> -> memref<4000xi32, #tpu.memory_space<vmem>>
        %dma_start3A_135 = tpu.memref_slice %arg2[%add3A_95] : memref<3000000xi32, #tpu.memory_space<hbm>> -> memref<4000xi32, #tpu.memory_space<hbm>>
        %dma_start3A_136 = arith.constant 8000 : i32
        %dma_start3A_137 = tpu.memref_slice %arg6[%dma_start3A_136] : memref<12000xi32, #tpu.memory_space<vmem>> -> memref<4000xi32, #tpu.memory_space<vmem>>
        %dma_start3A_138 = tpu.memref_slice %arg2[%add3A_95] : memref<3000000xi32, #tpu.memory_space<hbm>> -> memref<4000xi32, #tpu.memory_space<hbm>>
        tpu.enqueue_dma source(%dma_start3A_138 : memref<4000xi32, #tpu.memory_space<hbm>>) target(%dma_start3A_137 : memref<4000xi32, #tpu.memory_space<vmem>>) target_semaphore(%run_scoped3A : memref<!tpu.dma_semaphore, #tpu.memory_space<semaphore_mem>>)
        %dma_wait3A_139 = arith.constant 8000 : i32
        %dma_wait3A_140 = tpu.memref_slice %arg6[%dma_wait3A_139] : memref<12000xi32, #tpu.memory_space<vmem>> -> memref<4000xi32, #tpu.memory_space<vmem>>
        %dma_wait3A_141 = tpu.memref_slice %arg2[%add3A_95] : memref<3000000xi32, #tpu.memory_space<hbm>> -> memref<4000xi32, #tpu.memory_space<hbm>>
        %dma_wait3A_142 = arith.constant 8000 : i32
        %dma_wait3A_143 = tpu.memref_slice %arg6[%dma_wait3A_142] : memref<12000xi32, #tpu.memory_space<vmem>> -> memref<4000xi32, #tpu.memory_space<vmem>>
        %dma_wait3A_144 = tpu.memref_slice %arg2[%add3A_95] : memref<3000000xi32, #tpu.memory_space<hbm>> -> memref<4000xi32, #tpu.memory_space<hbm>>
        tpu.wait_dma2 semaphore(%run_scoped3A : memref<!tpu.dma_semaphore, #tpu.memory_space<semaphore_mem>>) src(%dma_wait3A_144 : memref<4000xi32, #tpu.memory_space<hbm>>) dst(%dma_wait3A_143 : memref<4000xi32, #tpu.memory_space<vmem>>)
        tpu.yield
      }) : () -> ()
      %scan3A = arith.constant 0 : i32
      %scan3A_96 = arith.constant 0 : i32
      %scan3A_97 = arith.constant 250 : i32
      %scan3A_98 = arith.addi %scan3A_96, %scan3A_97 : i32
      %scan3A_99 = arith.constant 1 : i32
      %scan3A_100 = scf.for %scan3A_133 = %scan3A_96 to %scan3A_98 step %scan3A_99 iter_args(%scan3A_134 = %scan3A) -> (i32)  : i32 {
        %mul3A_135 = arith.constant 16 : i32
        %mul3A_136 = arith.muli %scan3A_133, %mul3A_135 : i32
        %get3A = arith.index_cast %mul3A_136 : i32 to index
        %get3A_137 = tpu.vector_load %arg6[%get3A] {strides = array<i32>} : memref<12000xi32, #tpu.memory_space<vmem>>, vector<16xi32>,
        %add3A_138 = arith.constant 4000 : i32
        %add3A_139 = arith.addi %add3A_138, %mul3A_136 : i32
        %get3A_140 = arith.index_cast %add3A_139 : i32 to index
        %get3A_141 = tpu.vector_load %arg6[%get3A_140] {strides = array<i32>} : memref<12000xi32, #tpu.memory_space<vmem>>, vector<16xi32>,
        %add3A_142 = arith.constant 8000 : i32
        %add3A_143 = arith.addi %add3A_142, %mul3A_136 : i32
        %get3A_144 = arith.index_cast %add3A_143 : i32 to index
        %get3A_145 = tpu.vector_load %arg6[%get3A_144] {strides = array<i32>} : memref<12000xi32, #tpu.memory_space<vmem>>, vector<16xi32>,
        %shift_left3A = arith.constant 14 : i32
        %shift_left3A_146 = vector.broadcast %shift_left3A : i32 to vector<16xi32>
        %shift_left3A_147 = arith.shli %get3A_137, %shift_left3A_146 : vector<16xi32>
        %shift_left3A_148 = arith.constant 7 : i32
        %shift_left3A_149 = vector.broadcast %shift_left3A_148 : i32 to vector<16xi32>
        %shift_left3A_150 = arith.shli %get3A_141, %shift_left3A_149 : vector<16xi32>
        %or3A = arith.ori %shift_left3A_147, %shift_left3A_150 : vector<16xi32>
        %or3A_151 = arith.ori %or3A, %get3A_145 : vector<16xi32>
        %swap3A = arith.index_cast %mul3A_136 : i32 to index
        %swap3A_152 = tpu.vector_load %arg9[%swap3A] {strides = array<i32>} : memref<12000xi32, #tpu.memory_space<vmem>>, vector<16xi32>,
        tpu.vector_store %arg9[%swap3A], %or3A_151 {strides = array<i32>} : memref<12000xi32, #tpu.memory_space<vmem>>, vector<16xi32>,
        %add3A_153 = arith.constant 2097152 : i32
        %add3A_154 = vector.broadcast %add3A_153 : i32 to vector<16xi32>
        %add3A_155 = arith.addi %or3A_151, %add3A_154 : vector<16xi32>
        %add3A_156 = arith.constant 4000 : i32
        %add3A_157 = arith.addi %add3A_156, %mul3A_136 : i32
        %swap3A_158 = arith.index_cast %add3A_157 : i32 to index
        %swap3A_159 = tpu.vector_load %arg9[%swap3A_158] {strides = array<i32>} : memref<12000xi32, #tpu.memory_space<vmem>>, vector<16xi32>,
        tpu.vector_store %arg9[%swap3A_158], %add3A_155 {strides = array<i32>} : memref<12000xi32, #tpu.memory_space<vmem>>, vector<16xi32>,
        %add3A_160 = arith.constant 4194304 : i32
        %add3A_161 = vector.broadcast %add3A_160 : i32 to vector<16xi32>
        %add3A_162 = arith.addi %or3A_151, %add3A_161 : vector<16xi32>
        %add3A_163 = arith.constant 8000 : i32
        %add3A_164 = arith.addi %add3A_163, %mul3A_136 : i32
        %swap3A_165 = arith.index_cast %add3A_164 : i32 to index
        %swap3A_166 = tpu.vector_load %arg9[%swap3A_165] {strides = array<i32>} : memref<12000xi32, #tpu.memory_space<vmem>>, vector<16xi32>,
        tpu.vector_store %arg9[%swap3A_165], %add3A_162 {strides = array<i32>} : memref<12000xi32, #tpu.memory_space<vmem>>, vector<16xi32>,
        %scan3A_167 = arith.constant 0 : i32
        scf.yield %scan3A_167 : i32
      }
      %scan3A_101 = arith.constant 250 : i32
      %dma_start3A = arith.constant 0 : i32
      %dma_start3A_102 = tpu.memref_slice %arg3[%dma_start3A] : memref<6291456xf32, #tpu.memory_space<hbm>> -> memref<6291456xf32, #tpu.memory_space<hbm>>
      tpu.enqueue_indirect_dma source(%dma_start3A_102 : memref<6291456xf32, #tpu.memory_space<hbm>>) target(%arg12 : memref<12000xf32, #tpu.memory_space<vmem>>) offsets(%arg9 : memref<12000xi32, #tpu.memory_space<vmem>>) semaphore(%arg15 : memref<!tpu.dma_semaphore, #tpu.memory_space<semaphore_mem>>)
      %dma_wait3A_103 = arith.constant 0 : i32
      %dma_wait3A_104 = tpu.memref_slice %arg3[%dma_wait3A_103] : memref<6291456xf32, #tpu.memory_space<hbm>> -> memref<6291456xf32, #tpu.memory_space<hbm>>
      tpu.wait_indirect_dma semaphore(%arg16 : memref<!tpu.dma_semaphore, #tpu.memory_space<semaphore_mem>>) src(%dma_wait3A_104 : memref<6291456xf32, #tpu.memory_space<hbm>>) dst(%arg13 : memref<12000xf32, #tpu.memory_space<vmem>>)
      %add3A_105 = arith.constant 64 : i32
      %add3A_106 = arith.addi %add3A, %add3A_105 : i32
      %mul3A_107 = arith.constant 4000 : i32
      %mul3A_108 = arith.muli %add3A_106, %mul3A_107 : i32
      %add3A_109 = arith.constant 0 : i32
      %add3A_110 = arith.addi %add3A_109, %mul3A_108 : i32
      %dma_start3A_111 = arith.constant 0 : i32
      %dma_start3A_112 = tpu.memref_slice %arg13[%dma_start3A_111] : memref<12000xf32, #tpu.memory_space<vmem>> -> memref<4000xf32, #tpu.memory_space<vmem>>
      %dma_start3A_113 = tpu.memref_slice %arg4[%add3A_110] : memref<3000000xf32, #tpu.memory_space<hbm>> -> memref<4000xf32, #tpu.memory_space<hbm>>
      %dma_start3A_114 = tpu.memref_slice %arg4[%add3A_110] : memref<3000000xf32, #tpu.memory_space<hbm>> -> memref<4000xf32, #tpu.memory_space<hbm>>
      %dma_start3A_115 = arith.constant 0 : i32
      %dma_start3A_116 = tpu.memref_slice %arg13[%dma_start3A_115] : memref<12000xf32, #tpu.memory_space<vmem>> -> memref<4000xf32, #tpu.memory_space<vmem>>
      tpu.enqueue_dma source(%dma_start3A_116 : memref<4000xf32, #tpu.memory_space<vmem>>) target(%dma_start3A_114 : memref<4000xf32, #tpu.memory_space<hbm>>) target_semaphore(%arg19 : memref<!tpu.dma_semaphore, #tpu.memory_space<semaphore_mem>>)
      %add3A_117 = arith.constant 1000000 : i32
      %add3A_118 = arith.addi %add3A_117, %mul3A_108 : i32
      %dma_start3A_119 = arith.constant 4000 : i32
      %dma_start3A_120 = tpu.memref_slice %arg13[%dma_start3A_119] : memref<12000xf32, #tpu.memory_space<vmem>> -> memref<4000xf32, #tpu.memory_space<vmem>>
      %dma_start3A_121 = tpu.memref_slice %arg4[%add3A_118] : memref<3000000xf32, #tpu.memory_space<hbm>> -> memref<4000xf32, #tpu.memory_space<hbm>>
      %dma_start3A_122 = tpu.memref_slice %arg4[%add3A_118] : memref<3000000xf32, #tpu.memory_space<hbm>> -> memref<4000xf32, #tpu.memory_space<hbm>>
      %dma_start3A_123 = arith.constant 4000 : i32
      %dma_start3A_124 = tpu.memref_slice %arg13[%dma_start3A_123] : memref<12000xf32, #tpu.memory_space<vmem>> -> memref<4000xf32, #tpu.memory_space<vmem>>
      tpu.enqueue_dma source(%dma_start3A_124 : memref<4000xf32, #tpu.memory_space<vmem>>) target(%dma_start3A_122 : memref<4000xf32, #tpu.memory_space<hbm>>) target_semaphore(%arg19 : memref<!tpu.dma_semaphore, #tpu.memory_space<semaphore_mem>>)
      %add3A_125 = arith.constant 2000000 : i32
      %add3A_126 = arith.addi %add3A_125, %mul3A_108 : i32
      %dma_start3A_127 = arith.constant 8000 : i32
      %dma_start3A_128 = tpu.memref_slice %arg13[%dma_start3A_127] : memref<12000xf32, #tpu.memory_space<vmem>> -> memref<4000xf32, #tpu.memory_space<vmem>>
      %dma_start3A_129 = tpu.memref_slice %arg4[%add3A_126] : memref<3000000xf32, #tpu.memory_space<hbm>> -> memref<4000xf32, #tpu.memory_space<hbm>>
      %dma_start3A_130 = tpu.memref_slice %arg4[%add3A_126] : memref<3000000xf32, #tpu.memory_space<hbm>> -> memref<4000xf32, #tpu.memory_space<hbm>>
      %dma_start3A_131 = arith.constant 8000 : i32
      %dma_start3A_132 = tpu.memref_slice %arg13[%dma_start3A_131] : memref<12000xf32, #tpu.memory_space<vmem>> -> memref<4000xf32, #tpu.memory_space<vmem>>
      tpu.enqueue_dma source(%dma_start3A_132 : memref<4000xf32, #tpu.memory_space<vmem>>) target(%dma_start3A_130 : memref<4000xf32, #tpu.memory_space<hbm>>) target_semaphore(%arg19 : memref<!tpu.dma_semaphore, #tpu.memory_space<semaphore_mem>>)
    } else {
    }
    %add3A_33 = arith.constant 160 : i32
    %add3A_34 = arith.addi %add3A, %add3A_33 : i32
    %lt3A_35 = arith.constant 250 : i32
    %lt3A_36 = arith.cmpi slt, %add3A_34, %lt3A_35 : i32
    %convert_element_type3A_37 = arith.extui %lt3A_36 : i1 to i32
    %cond3A_38 = arith.constant 0 : i32
    %cond3A_39 = arith.cmpi ne, %convert_element_type3A_37, %cond3A_38 : i32
    scf.if %cond3A_39 {
      %dma_wait3A = arith.constant 0 : i32
      %dma_wait3A_65 = tpu.memref_slice %arg13[%dma_wait3A] : memref<12000xf32, #tpu.memory_space<vmem>> -> memref<4000xf32, #tpu.memory_space<vmem>>
      %dma_wait3A_66 = arith.constant 0 : i32
      %dma_wait3A_67 = tpu.memref_slice %arg4[%dma_wait3A_66] : memref<3000000xf32, #tpu.memory_space<hbm>> -> memref<4000xf32, #tpu.memory_space<hbm>>
      %dma_wait3A_68 = arith.constant 0 : i32
      %dma_wait3A_69 = tpu.memref_slice %arg4[%dma_wait3A_68] : memref<3000000xf32, #tpu.memory_space<hbm>> -> memref<4000xf32, #tpu.memory_space<hbm>>
      %dma_wait3A_70 = arith.constant 0 : i32
      %dma_wait3A_71 = tpu.memref_slice %arg13[%dma_wait3A_70] : memref<12000xf32, #tpu.memory_space<vmem>> -> memref<4000xf32, #tpu.memory_space<vmem>>
      tpu.wait_dma2 semaphore(%arg19 : memref<!tpu.dma_semaphore, #tpu.memory_space<semaphore_mem>>) src(%dma_wait3A_71 : memref<4000xf32, #tpu.memory_space<vmem>>) dst(%dma_wait3A_69 : memref<4000xf32, #tpu.memory_space<hbm>>)
      %dma_wait3A_72 = arith.constant 4000 : i32
      %dma_wait3A_73 = tpu.memref_slice %arg13[%dma_wait3A_72] : memref<12000xf32, #tpu.memory_space<vmem>> -> memref<4000xf32, #tpu.memory_space<vmem>>
      %dma_wait3A_74 = arith.constant 0 : i32
      %dma_wait3A_75 = tpu.memref_slice %arg4[%dma_wait3A_74] : memref<3000000xf32, #tpu.memory_space<hbm>> -> memref<4000xf32, #tpu.memory_space<hbm>>
      %dma_wait3A_76 = arith.constant 0 : i32
      %dma_wait3A_77 = tpu.memref_slice %arg4[%dma_wait3A_76] : memref<3000000xf32, #tpu.memory_space<hbm>> -> memref<4000xf32, #tpu.memory_space<hbm>>
      %dma_wait3A_78 = arith.constant 4000 : i32
      %dma_wait3A_79 = tpu.memref_slice %arg13[%dma_wait3A_78] : memref<12000xf32, #tpu.memory_space<vmem>> -> memref<4000xf32, #tpu.memory_space<vmem>>
      tpu.wait_dma2 semaphore(%arg19 : memref<!tpu.dma_semaphore, #tpu.memory_space<semaphore_mem>>) src(%dma_wait3A_79 : memref<4000xf32, #tpu.memory_space<vmem>>) dst(%dma_wait3A_77 : memref<4000xf32, #tpu.memory_space<hbm>>)
      %dma_wait3A_80 = arith.constant 8000 : i32
      %dma_wait3A_81 = tpu.memref_slice %arg13[%dma_wait3A_80] : memref<12000xf32, #tpu.memory_space<vmem>> -> memref<4000xf32, #tpu.memory_space<vmem>>
      %dma_wait3A_82 = arith.constant 0 : i32
      %dma_wait3A_83 = tpu.memref_slice %arg4[%dma_wait3A_82] : memref<3000000xf32, #tpu.memory_space<hbm>> -> memref<4000xf32, #tpu.memory_space<hbm>>
      %dma_wait3A_84 = arith.constant 0 : i32
      %dma_wait3A_85 = tpu.memref_slice %arg4[%dma_wait3A_84] : memref<3000000xf32, #tpu.memory_space<hbm>> -> memref<4000xf32, #tpu.memory_space<hbm>>
      %dma_wait3A_86 = arith.constant 8000 : i32
      %dma_wait3A_87 = tpu.memref_slice %arg13[%dma_wait3A_86] : memref<12000xf32, #tpu.memory_space<vmem>> -> memref<4000xf32, #tpu.memory_space<vmem>>
      tpu.wait_dma2 semaphore(%arg19 : memref<!tpu.dma_semaphore, #tpu.memory_space<semaphore_mem>>) src(%dma_wait3A_87 : memref<4000xf32, #tpu.memory_space<vmem>>) dst(%dma_wait3A_85 : memref<4000xf32, #tpu.memory_space<hbm>>)
      %mul3A_88 = arith.constant 4000 : i32
      %mul3A_89 = arith.muli %add3A_34, %mul3A_88 : i32
      %add3A_90 = arith.constant 0 : i32
      %add3A_91 = arith.addi %add3A_90, %mul3A_89 : i32
      "tpu.region"() ({
        %run_scoped3A = tpu.sem_alloc : memref<!tpu.dma_semaphore, #tpu.memory_space<semaphore_mem>>
        %dma_start3A_133 = arith.constant 0 : i32
        %dma_start3A_134 = tpu.memref_slice %arg7[%dma_start3A_133] : memref<12000xi32, #tpu.memory_space<vmem>> -> memref<4000xi32, #tpu.memory_space<vmem>>
        %dma_start3A_135 = tpu.memref_slice %arg2[%add3A_91] : memref<3000000xi32, #tpu.memory_space<hbm>> -> memref<4000xi32, #tpu.memory_space<hbm>>
        %dma_start3A_136 = arith.constant 0 : i32
        %dma_start3A_137 = tpu.memref_slice %arg7[%dma_start3A_136] : memref<12000xi32, #tpu.memory_space<vmem>> -> memref<4000xi32, #tpu.memory_space<vmem>>
        %dma_start3A_138 = tpu.memref_slice %arg2[%add3A_91] : memref<3000000xi32, #tpu.memory_space<hbm>> -> memref<4000xi32, #tpu.memory_space<hbm>>
        tpu.enqueue_dma source(%dma_start3A_138 : memref<4000xi32, #tpu.memory_space<hbm>>) target(%dma_start3A_137 : memref<4000xi32, #tpu.memory_space<vmem>>) target_semaphore(%run_scoped3A : memref<!tpu.dma_semaphore, #tpu.memory_space<semaphore_mem>>)
        %dma_wait3A_139 = arith.constant 0 : i32
        %dma_wait3A_140 = tpu.memref_slice %arg7[%dma_wait3A_139] : memref<12000xi32, #tpu.memory_space<vmem>> -> memref<4000xi32, #tpu.memory_space<vmem>>
        %dma_wait3A_141 = tpu.memref_slice %arg2[%add3A_91] : memref<3000000xi32, #tpu.memory_space<hbm>> -> memref<4000xi32, #tpu.memory_space<hbm>>
        %dma_wait3A_142 = arith.constant 0 : i32
        %dma_wait3A_143 = tpu.memref_slice %arg7[%dma_wait3A_142] : memref<12000xi32, #tpu.memory_space<vmem>> -> memref<4000xi32, #tpu.memory_space<vmem>>
        %dma_wait3A_144 = tpu.memref_slice %arg2[%add3A_91] : memref<3000000xi32, #tpu.memory_space<hbm>> -> memref<4000xi32, #tpu.memory_space<hbm>>
        tpu.wait_dma2 semaphore(%run_scoped3A : memref<!tpu.dma_semaphore, #tpu.memory_space<semaphore_mem>>) src(%dma_wait3A_144 : memref<4000xi32, #tpu.memory_space<hbm>>) dst(%dma_wait3A_143 : memref<4000xi32, #tpu.memory_space<vmem>>)
        tpu.yield
      }) : () -> ()
      %add3A_92 = arith.constant 1000000 : i32
      %add3A_93 = arith.addi %add3A_92, %mul3A_89 : i32
      "tpu.region"() ({
        %run_scoped3A = tpu.sem_alloc : memref<!tpu.dma_semaphore, #tpu.memory_space<semaphore_mem>>
        %dma_start3A_133 = arith.constant 4000 : i32
        %dma_start3A_134 = tpu.memref_slice %arg7[%dma_start3A_133] : memref<12000xi32, #tpu.memory_space<vmem>> -> memref<4000xi32, #tpu.memory_space<vmem>>
        %dma_start3A_135 = tpu.memref_slice %arg2[%add3A_93] : memref<3000000xi32, #tpu.memory_space<hbm>> -> memref<4000xi32, #tpu.memory_space<hbm>>
        %dma_start3A_136 = arith.constant 4000 : i32
        %dma_start3A_137 = tpu.memref_slice %arg7[%dma_start3A_136] : memref<12000xi32, #tpu.memory_space<vmem>> -> memref<4000xi32, #tpu.memory_space<vmem>>
        %dma_start3A_138 = tpu.memref_slice %arg2[%add3A_93] : memref<3000000xi32, #tpu.memory_space<hbm>> -> memref<4000xi32, #tpu.memory_space<hbm>>
        tpu.enqueue_dma source(%dma_start3A_138 : memref<4000xi32, #tpu.memory_space<hbm>>) target(%dma_start3A_137 : memref<4000xi32, #tpu.memory_space<vmem>>) target_semaphore(%run_scoped3A : memref<!tpu.dma_semaphore, #tpu.memory_space<semaphore_mem>>)
        %dma_wait3A_139 = arith.constant 4000 : i32
        %dma_wait3A_140 = tpu.memref_slice %arg7[%dma_wait3A_139] : memref<12000xi32, #tpu.memory_space<vmem>> -> memref<4000xi32, #tpu.memory_space<vmem>>
        %dma_wait3A_141 = tpu.memref_slice %arg2[%add3A_93] : memref<3000000xi32, #tpu.memory_space<hbm>> -> memref<4000xi32, #tpu.memory_space<hbm>>
        %dma_wait3A_142 = arith.constant 4000 : i32
        %dma_wait3A_143 = tpu.memref_slice %arg7[%dma_wait3A_142] : memref<12000xi32, #tpu.memory_space<vmem>> -> memref<4000xi32, #tpu.memory_space<vmem>>
        %dma_wait3A_144 = tpu.memref_slice %arg2[%add3A_93] : memref<3000000xi32, #tpu.memory_space<hbm>> -> memref<4000xi32, #tpu.memory_space<hbm>>
        tpu.wait_dma2 semaphore(%run_scoped3A : memref<!tpu.dma_semaphore, #tpu.memory_space<semaphore_mem>>) src(%dma_wait3A_144 : memref<4000xi32, #tpu.memory_space<hbm>>) dst(%dma_wait3A_143 : memref<4000xi32, #tpu.memory_space<vmem>>)
        tpu.yield
      }) : () -> ()
      %add3A_94 = arith.constant 2000000 : i32
      %add3A_95 = arith.addi %add3A_94, %mul3A_89 : i32
      "tpu.region"() ({
        %run_scoped3A = tpu.sem_alloc : memref<!tpu.dma_semaphore, #tpu.memory_space<semaphore_mem>>
        %dma_start3A_133 = arith.constant 8000 : i32
        %dma_start3A_134 = tpu.memref_slice %arg7[%dma_start3A_133] : memref<12000xi32, #tpu.memory_space<vmem>> -> memref<4000xi32, #tpu.memory_space<vmem>>
        %dma_start3A_135 = tpu.memref_slice %arg2[%add3A_95] : memref<3000000xi32, #tpu.memory_space<hbm>> -> memref<4000xi32, #tpu.memory_space<hbm>>
        %dma_start3A_136 = arith.constant 8000 : i32
        %dma_start3A_137 = tpu.memref_slice %arg7[%dma_start3A_136] : memref<12000xi32, #tpu.memory_space<vmem>> -> memref<4000xi32, #tpu.memory_space<vmem>>
        %dma_start3A_138 = tpu.memref_slice %arg2[%add3A_95] : memref<3000000xi32, #tpu.memory_space<hbm>> -> memref<4000xi32, #tpu.memory_space<hbm>>
        tpu.enqueue_dma source(%dma_start3A_138 : memref<4000xi32, #tpu.memory_space<hbm>>) target(%dma_start3A_137 : memref<4000xi32, #tpu.memory_space<vmem>>) target_semaphore(%run_scoped3A : memref<!tpu.dma_semaphore, #tpu.memory_space<semaphore_mem>>)
        %dma_wait3A_139 = arith.constant 8000 : i32
        %dma_wait3A_140 = tpu.memref_slice %arg7[%dma_wait3A_139] : memref<12000xi32, #tpu.memory_space<vmem>> -> memref<4000xi32, #tpu.memory_space<vmem>>
        %dma_wait3A_141 = tpu.memref_slice %arg2[%add3A_95] : memref<3000000xi32, #tpu.memory_space<hbm>> -> memref<4000xi32, #tpu.memory_space<hbm>>
        %dma_wait3A_142 = arith.constant 8000 : i32
        %dma_wait3A_143 = tpu.memref_slice %arg7[%dma_wait3A_142] : memref<12000xi32, #tpu.memory_space<vmem>> -> memref<4000xi32, #tpu.memory_space<vmem>>
        %dma_wait3A_144 = tpu.memref_slice %arg2[%add3A_95] : memref<3000000xi32, #tpu.memory_space<hbm>> -> memref<4000xi32, #tpu.memory_space<hbm>>
        tpu.wait_dma2 semaphore(%run_scoped3A : memref<!tpu.dma_semaphore, #tpu.memory_space<semaphore_mem>>) src(%dma_wait3A_144 : memref<4000xi32, #tpu.memory_space<hbm>>) dst(%dma_wait3A_143 : memref<4000xi32, #tpu.memory_space<vmem>>)
        tpu.yield
      }) : () -> ()
      %scan3A = arith.constant 0 : i32
      %scan3A_96 = arith.constant 0 : i32
      %scan3A_97 = arith.constant 250 : i32
      %scan3A_98 = arith.addi %scan3A_96, %scan3A_97 : i32
      %scan3A_99 = arith.constant 1 : i32
      %scan3A_100 = scf.for %scan3A_133 = %scan3A_96 to %scan3A_98 step %scan3A_99 iter_args(%scan3A_134 = %scan3A) -> (i32)  : i32 {
        %mul3A_135 = arith.constant 16 : i32
        %mul3A_136 = arith.muli %scan3A_133, %mul3A_135 : i32
        %get3A = arith.index_cast %mul3A_136 : i32 to index
        %get3A_137 = tpu.vector_load %arg7[%get3A] {strides = array<i32>} : memref<12000xi32, #tpu.memory_space<vmem>>, vector<16xi32>,
        %add3A_138 = arith.constant 4000 : i32
        %add3A_139 = arith.addi %add3A_138, %mul3A_136 : i32
        %get3A_140 = arith.index_cast %add3A_139 : i32 to index
        %get3A_141 = tpu.vector_load %arg7[%get3A_140] {strides = array<i32>} : memref<12000xi32, #tpu.memory_space<vmem>>, vector<16xi32>,
        %add3A_142 = arith.constant 8000 : i32
        %add3A_143 = arith.addi %add3A_142, %mul3A_136 : i32
        %get3A_144 = arith.index_cast %add3A_143 : i32 to index
        %get3A_145 = tpu.vector_load %arg7[%get3A_144] {strides = array<i32>} : memref<12000xi32, #tpu.memory_space<vmem>>, vector<16xi32>,
        %shift_left3A = arith.constant 14 : i32
        %shift_left3A_146 = vector.broadcast %shift_left3A : i32 to vector<16xi32>
        %shift_left3A_147 = arith.shli %get3A_137, %shift_left3A_146 : vector<16xi32>
        %shift_left3A_148 = arith.constant 7 : i32
        %shift_left3A_149 = vector.broadcast %shift_left3A_148 : i32 to vector<16xi32>
        %shift_left3A_150 = arith.shli %get3A_141, %shift_left3A_149 : vector<16xi32>
        %or3A = arith.ori %shift_left3A_147, %shift_left3A_150 : vector<16xi32>
        %or3A_151 = arith.ori %or3A, %get3A_145 : vector<16xi32>
        %swap3A = arith.index_cast %mul3A_136 : i32 to index
        %swap3A_152 = tpu.vector_load %arg10[%swap3A] {strides = array<i32>} : memref<12000xi32, #tpu.memory_space<vmem>>, vector<16xi32>,
        tpu.vector_store %arg10[%swap3A], %or3A_151 {strides = array<i32>} : memref<12000xi32, #tpu.memory_space<vmem>>, vector<16xi32>,
        %add3A_153 = arith.constant 2097152 : i32
        %add3A_154 = vector.broadcast %add3A_153 : i32 to vector<16xi32>
        %add3A_155 = arith.addi %or3A_151, %add3A_154 : vector<16xi32>
        %add3A_156 = arith.constant 4000 : i32
        %add3A_157 = arith.addi %add3A_156, %mul3A_136 : i32
        %swap3A_158 = arith.index_cast %add3A_157 : i32 to index
        %swap3A_159 = tpu.vector_load %arg10[%swap3A_158] {strides = array<i32>} : memref<12000xi32, #tpu.memory_space<vmem>>, vector<16xi32>,
        tpu.vector_store %arg10[%swap3A_158], %add3A_155 {strides = array<i32>} : memref<12000xi32, #tpu.memory_space<vmem>>, vector<16xi32>,
        %add3A_160 = arith.constant 4194304 : i32
        %add3A_161 = vector.broadcast %add3A_160 : i32 to vector<16xi32>
        %add3A_162 = arith.addi %or3A_151, %add3A_161 : vector<16xi32>
        %add3A_163 = arith.constant 8000 : i32
        %add3A_164 = arith.addi %add3A_163, %mul3A_136 : i32
        %swap3A_165 = arith.index_cast %add3A_164 : i32 to index
        %swap3A_166 = tpu.vector_load %arg10[%swap3A_165] {strides = array<i32>} : memref<12000xi32, #tpu.memory_space<vmem>>, vector<16xi32>,
        tpu.vector_store %arg10[%swap3A_165], %add3A_162 {strides = array<i32>} : memref<12000xi32, #tpu.memory_space<vmem>>, vector<16xi32>,
        %scan3A_167 = arith.constant 0 : i32
        scf.yield %scan3A_167 : i32
      }
      %scan3A_101 = arith.constant 250 : i32
      %dma_start3A = arith.constant 0 : i32
      %dma_start3A_102 = tpu.memref_slice %arg3[%dma_start3A] : memref<6291456xf32, #tpu.memory_space<hbm>> -> memref<6291456xf32, #tpu.memory_space<hbm>>
      tpu.enqueue_indirect_dma source(%dma_start3A_102 : memref<6291456xf32, #tpu.memory_space<hbm>>) target(%arg13 : memref<12000xf32, #tpu.memory_space<vmem>>) offsets(%arg10 : memref<12000xi32, #tpu.memory_space<vmem>>) semaphore(%arg16 : memref<!tpu.dma_semaphore, #tpu.memory_space<semaphore_mem>>)
      %dma_wait3A_103 = arith.constant 0 : i32
      %dma_wait3A_104 = tpu.memref_slice %arg3[%dma_wait3A_103] : memref<6291456xf32, #tpu.memory_space<hbm>> -> memref<6291456xf32, #tpu.memory_space<hbm>>
      tpu.wait_indirect_dma semaphore(%arg14 : memref<!tpu.dma_semaphore, #tpu.memory_space<semaphore_mem>>) src(%dma_wait3A_104 : memref<6291456xf32, #tpu.memory_space<hbm>>) dst(%arg11 : memref<12000xf32, #tpu.memory_space<vmem>>)
      %add3A_105 = arith.constant 96 : i32
      %add3A_106 = arith.addi %add3A, %add3A_105 : i32
      %mul3A_107 = arith.constant 4000 : i32
      %mul3A_108 = arith.muli %add3A_106, %mul3A_107 : i32
      %add3A_109 = arith.constant 0 : i32
      %add3A_110 = arith.addi %add3A_109, %mul3A_108 : i32
      %dma_start3A_111 = arith.constant 0 : i32
      %dma_start3A_112 = tpu.memref_slice %arg11[%dma_start3A_111] : memref<12000xf32, #tpu.memory_space<vmem>> -> memref<4000xf32, #tpu.memory_space<vmem>>
      %dma_start3A_113 = tpu.memref_slice %arg4[%add3A_110] : memref<3000000xf32, #tpu.memory_space<hbm>> -> memref<4000xf32, #tpu.memory_space<hbm>>
      %dma_start3A_114 = tpu.memref_slice %arg4[%add3A_110] : memref<3000000xf32, #tpu.memory_space<hbm>> -> memref<4000xf32, #tpu.memory_space<hbm>>
      %dma_start3A_115 = arith.constant 0 : i32
      %dma_start3A_116 = tpu.memref_slice %arg11[%dma_start3A_115] : memref<12000xf32, #tpu.memory_space<vmem>> -> memref<4000xf32, #tpu.memory_space<vmem>>
      tpu.enqueue_dma source(%dma_start3A_116 : memref<4000xf32, #tpu.memory_space<vmem>>) target(%dma_start3A_114 : memref<4000xf32, #tpu.memory_space<hbm>>) target_semaphore(%arg17 : memref<!tpu.dma_semaphore, #tpu.memory_space<semaphore_mem>>)
      %add3A_117 = arith.constant 1000000 : i32
      %add3A_118 = arith.addi %add3A_117, %mul3A_108 : i32
      %dma_start3A_119 = arith.constant 4000 : i32
      %dma_start3A_120 = tpu.memref_slice %arg11[%dma_start3A_119] : memref<12000xf32, #tpu.memory_space<vmem>> -> memref<4000xf32, #tpu.memory_space<vmem>>
      %dma_start3A_121 = tpu.memref_slice %arg4[%add3A_118] : memref<3000000xf32, #tpu.memory_space<hbm>> -> memref<4000xf32, #tpu.memory_space<hbm>>
      %dma_start3A_122 = tpu.memref_slice %arg4[%add3A_118] : memref<3000000xf32, #tpu.memory_space<hbm>> -> memref<4000xf32, #tpu.memory_space<hbm>>
      %dma_start3A_123 = arith.constant 4000 : i32
      %dma_start3A_124 = tpu.memref_slice %arg11[%dma_start3A_123] : memref<12000xf32, #tpu.memory_space<vmem>> -> memref<4000xf32, #tpu.memory_space<vmem>>
      tpu.enqueue_dma source(%dma_start3A_124 : memref<4000xf32, #tpu.memory_space<vmem>>) target(%dma_start3A_122 : memref<4000xf32, #tpu.memory_space<hbm>>) target_semaphore(%arg17 : memref<!tpu.dma_semaphore, #tpu.memory_space<semaphore_mem>>)
      %add3A_125 = arith.constant 2000000 : i32
      %add3A_126 = arith.addi %add3A_125, %mul3A_108 : i32
      %dma_start3A_127 = arith.constant 8000 : i32
      %dma_start3A_128 = tpu.memref_slice %arg11[%dma_start3A_127] : memref<12000xf32, #tpu.memory_space<vmem>> -> memref<4000xf32, #tpu.memory_space<vmem>>
      %dma_start3A_129 = tpu.memref_slice %arg4[%add3A_126] : memref<3000000xf32, #tpu.memory_space<hbm>> -> memref<4000xf32, #tpu.memory_space<hbm>>
      %dma_start3A_130 = tpu.memref_slice %arg4[%add3A_126] : memref<3000000xf32, #tpu.memory_space<hbm>> -> memref<4000xf32, #tpu.memory_space<hbm>>
      %dma_start3A_131 = arith.constant 8000 : i32
      %dma_start3A_132 = tpu.memref_slice %arg11[%dma_start3A_131] : memref<12000xf32, #tpu.memory_space<vmem>> -> memref<4000xf32, #tpu.memory_space<vmem>>
      tpu.enqueue_dma source(%dma_start3A_132 : memref<4000xf32, #tpu.memory_space<vmem>>) target(%dma_start3A_130 : memref<4000xf32, #tpu.memory_space<hbm>>) target_semaphore(%arg17 : memref<!tpu.dma_semaphore, #tpu.memory_space<semaphore_mem>>)
    } else {
    }
    %add3A_40 = arith.constant 192 : i32
    %add3A_41 = arith.addi %add3A, %add3A_40 : i32
    %lt3A_42 = arith.constant 250 : i32
    %lt3A_43 = arith.cmpi slt, %add3A_41, %lt3A_42 : i32
    %convert_element_type3A_44 = arith.extui %lt3A_43 : i1 to i32
    %cond3A_45 = arith.constant 0 : i32
    %cond3A_46 = arith.cmpi ne, %convert_element_type3A_44, %cond3A_45 : i32
    scf.if %cond3A_46 {
      %dma_wait3A = arith.constant 0 : i32
      %dma_wait3A_65 = tpu.memref_slice %arg11[%dma_wait3A] : memref<12000xf32, #tpu.memory_space<vmem>> -> memref<4000xf32, #tpu.memory_space<vmem>>
      %dma_wait3A_66 = arith.constant 0 : i32
      %dma_wait3A_67 = tpu.memref_slice %arg4[%dma_wait3A_66] : memref<3000000xf32, #tpu.memory_space<hbm>> -> memref<4000xf32, #tpu.memory_space<hbm>>
      %dma_wait3A_68 = arith.constant 0 : i32
      %dma_wait3A_69 = tpu.memref_slice %arg4[%dma_wait3A_68] : memref<3000000xf32, #tpu.memory_space<hbm>> -> memref<4000xf32, #tpu.memory_space<hbm>>
      %dma_wait3A_70 = arith.constant 0 : i32
      %dma_wait3A_71 = tpu.memref_slice %arg11[%dma_wait3A_70] : memref<12000xf32, #tpu.memory_space<vmem>> -> memref<4000xf32, #tpu.memory_space<vmem>>
      tpu.wait_dma2 semaphore(%arg17 : memref<!tpu.dma_semaphore, #tpu.memory_space<semaphore_mem>>) src(%dma_wait3A_71 : memref<4000xf32, #tpu.memory_space<vmem>>) dst(%dma_wait3A_69 : memref<4000xf32, #tpu.memory_space<hbm>>)
      %dma_wait3A_72 = arith.constant 4000 : i32
      %dma_wait3A_73 = tpu.memref_slice %arg11[%dma_wait3A_72] : memref<12000xf32, #tpu.memory_space<vmem>> -> memref<4000xf32, #tpu.memory_space<vmem>>
      %dma_wait3A_74 = arith.constant 0 : i32
      %dma_wait3A_75 = tpu.memref_slice %arg4[%dma_wait3A_74] : memref<3000000xf32, #tpu.memory_space<hbm>> -> memref<4000xf32, #tpu.memory_space<hbm>>
      %dma_wait3A_76 = arith.constant 0 : i32
      %dma_wait3A_77 = tpu.memref_slice %arg4[%dma_wait3A_76] : memref<3000000xf32, #tpu.memory_space<hbm>> -> memref<4000xf32, #tpu.memory_space<hbm>>
      %dma_wait3A_78 = arith.constant 4000 : i32
      %dma_wait3A_79 = tpu.memref_slice %arg11[%dma_wait3A_78] : memref<12000xf32, #tpu.memory_space<vmem>> -> memref<4000xf32, #tpu.memory_space<vmem>>
      tpu.wait_dma2 semaphore(%arg17 : memref<!tpu.dma_semaphore, #tpu.memory_space<semaphore_mem>>) src(%dma_wait3A_79 : memref<4000xf32, #tpu.memory_space<vmem>>) dst(%dma_wait3A_77 : memref<4000xf32, #tpu.memory_space<hbm>>)
      %dma_wait3A_80 = arith.constant 8000 : i32
      %dma_wait3A_81 = tpu.memref_slice %arg11[%dma_wait3A_80] : memref<12000xf32, #tpu.memory_space<vmem>> -> memref<4000xf32, #tpu.memory_space<vmem>>
      %dma_wait3A_82 = arith.constant 0 : i32
      %dma_wait3A_83 = tpu.memref_slice %arg4[%dma_wait3A_82] : memref<3000000xf32, #tpu.memory_space<hbm>> -> memref<4000xf32, #tpu.memory_space<hbm>>
      %dma_wait3A_84 = arith.constant 0 : i32
      %dma_wait3A_85 = tpu.memref_slice %arg4[%dma_wait3A_84] : memref<3000000xf32, #tpu.memory_space<hbm>> -> memref<4000xf32, #tpu.memory_space<hbm>>
      %dma_wait3A_86 = arith.constant 8000 : i32
      %dma_wait3A_87 = tpu.memref_slice %arg11[%dma_wait3A_86] : memref<12000xf32, #tpu.memory_space<vmem>> -> memref<4000xf32, #tpu.memory_space<vmem>>
      tpu.wait_dma2 semaphore(%arg17 : memref<!tpu.dma_semaphore, #tpu.memory_space<semaphore_mem>>) src(%dma_wait3A_87 : memref<4000xf32, #tpu.memory_space<vmem>>) dst(%dma_wait3A_85 : memref<4000xf32, #tpu.memory_space<hbm>>)
      %mul3A_88 = arith.constant 4000 : i32
      %mul3A_89 = arith.muli %add3A_41, %mul3A_88 : i32
      %add3A_90 = arith.constant 0 : i32
      %add3A_91 = arith.addi %add3A_90, %mul3A_89 : i32
      "tpu.region"() ({
        %run_scoped3A = tpu.sem_alloc : memref<!tpu.dma_semaphore, #tpu.memory_space<semaphore_mem>>
        %dma_start3A_133 = arith.constant 0 : i32
        %dma_start3A_134 = tpu.memref_slice %arg5[%dma_start3A_133] : memref<12000xi32, #tpu.memory_space<vmem>> -> memref<4000xi32, #tpu.memory_space<vmem>>
        %dma_start3A_135 = tpu.memref_slice %arg2[%add3A_91] : memref<3000000xi32, #tpu.memory_space<hbm>> -> memref<4000xi32, #tpu.memory_space<hbm>>
        %dma_start3A_136 = arith.constant 0 : i32
        %dma_start3A_137 = tpu.memref_slice %arg5[%dma_start3A_136] : memref<12000xi32, #tpu.memory_space<vmem>> -> memref<4000xi32, #tpu.memory_space<vmem>>
        %dma_start3A_138 = tpu.memref_slice %arg2[%add3A_91] : memref<3000000xi32, #tpu.memory_space<hbm>> -> memref<4000xi32, #tpu.memory_space<hbm>>
        tpu.enqueue_dma source(%dma_start3A_138 : memref<4000xi32, #tpu.memory_space<hbm>>) target(%dma_start3A_137 : memref<4000xi32, #tpu.memory_space<vmem>>) target_semaphore(%run_scoped3A : memref<!tpu.dma_semaphore, #tpu.memory_space<semaphore_mem>>)
        %dma_wait3A_139 = arith.constant 0 : i32
        %dma_wait3A_140 = tpu.memref_slice %arg5[%dma_wait3A_139] : memref<12000xi32, #tpu.memory_space<vmem>> -> memref<4000xi32, #tpu.memory_space<vmem>>
        %dma_wait3A_141 = tpu.memref_slice %arg2[%add3A_91] : memref<3000000xi32, #tpu.memory_space<hbm>> -> memref<4000xi32, #tpu.memory_space<hbm>>
        %dma_wait3A_142 = arith.constant 0 : i32
        %dma_wait3A_143 = tpu.memref_slice %arg5[%dma_wait3A_142] : memref<12000xi32, #tpu.memory_space<vmem>> -> memref<4000xi32, #tpu.memory_space<vmem>>
        %dma_wait3A_144 = tpu.memref_slice %arg2[%add3A_91] : memref<3000000xi32, #tpu.memory_space<hbm>> -> memref<4000xi32, #tpu.memory_space<hbm>>
        tpu.wait_dma2 semaphore(%run_scoped3A : memref<!tpu.dma_semaphore, #tpu.memory_space<semaphore_mem>>) src(%dma_wait3A_144 : memref<4000xi32, #tpu.memory_space<hbm>>) dst(%dma_wait3A_143 : memref<4000xi32, #tpu.memory_space<vmem>>)
        tpu.yield
      }) : () -> ()
      %add3A_92 = arith.constant 1000000 : i32
      %add3A_93 = arith.addi %add3A_92, %mul3A_89 : i32
      "tpu.region"() ({
        %run_scoped3A = tpu.sem_alloc : memref<!tpu.dma_semaphore, #tpu.memory_space<semaphore_mem>>
        %dma_start3A_133 = arith.constant 4000 : i32
        %dma_start3A_134 = tpu.memref_slice %arg5[%dma_start3A_133] : memref<12000xi32, #tpu.memory_space<vmem>> -> memref<4000xi32, #tpu.memory_space<vmem>>
        %dma_start3A_135 = tpu.memref_slice %arg2[%add3A_93] : memref<3000000xi32, #tpu.memory_space<hbm>> -> memref<4000xi32, #tpu.memory_space<hbm>>
        %dma_start3A_136 = arith.constant 4000 : i32
        %dma_start3A_137 = tpu.memref_slice %arg5[%dma_start3A_136] : memref<12000xi32, #tpu.memory_space<vmem>> -> memref<4000xi32, #tpu.memory_space<vmem>>
        %dma_start3A_138 = tpu.memref_slice %arg2[%add3A_93] : memref<3000000xi32, #tpu.memory_space<hbm>> -> memref<4000xi32, #tpu.memory_space<hbm>>
        tpu.enqueue_dma source(%dma_start3A_138 : memref<4000xi32, #tpu.memory_space<hbm>>) target(%dma_start3A_137 : memref<4000xi32, #tpu.memory_space<vmem>>) target_semaphore(%run_scoped3A : memref<!tpu.dma_semaphore, #tpu.memory_space<semaphore_mem>>)
        %dma_wait3A_139 = arith.constant 4000 : i32
        %dma_wait3A_140 = tpu.memref_slice %arg5[%dma_wait3A_139] : memref<12000xi32, #tpu.memory_space<vmem>> -> memref<4000xi32, #tpu.memory_space<vmem>>
        %dma_wait3A_141 = tpu.memref_slice %arg2[%add3A_93] : memref<3000000xi32, #tpu.memory_space<hbm>> -> memref<4000xi32, #tpu.memory_space<hbm>>
        %dma_wait3A_142 = arith.constant 4000 : i32
        %dma_wait3A_143 = tpu.memref_slice %arg5[%dma_wait3A_142] : memref<12000xi32, #tpu.memory_space<vmem>> -> memref<4000xi32, #tpu.memory_space<vmem>>
        %dma_wait3A_144 = tpu.memref_slice %arg2[%add3A_93] : memref<3000000xi32, #tpu.memory_space<hbm>> -> memref<4000xi32, #tpu.memory_space<hbm>>
        tpu.wait_dma2 semaphore(%run_scoped3A : memref<!tpu.dma_semaphore, #tpu.memory_space<semaphore_mem>>) src(%dma_wait3A_144 : memref<4000xi32, #tpu.memory_space<hbm>>) dst(%dma_wait3A_143 : memref<4000xi32, #tpu.memory_space<vmem>>)
        tpu.yield
      }) : () -> ()
      %add3A_94 = arith.constant 2000000 : i32
      %add3A_95 = arith.addi %add3A_94, %mul3A_89 : i32
      "tpu.region"() ({
        %run_scoped3A = tpu.sem_alloc : memref<!tpu.dma_semaphore, #tpu.memory_space<semaphore_mem>>
        %dma_start3A_133 = arith.constant 8000 : i32
        %dma_start3A_134 = tpu.memref_slice %arg5[%dma_start3A_133] : memref<12000xi32, #tpu.memory_space<vmem>> -> memref<4000xi32, #tpu.memory_space<vmem>>
        %dma_start3A_135 = tpu.memref_slice %arg2[%add3A_95] : memref<3000000xi32, #tpu.memory_space<hbm>> -> memref<4000xi32, #tpu.memory_space<hbm>>
        %dma_start3A_136 = arith.constant 8000 : i32
        %dma_start3A_137 = tpu.memref_slice %arg5[%dma_start3A_136] : memref<12000xi32, #tpu.memory_space<vmem>> -> memref<4000xi32, #tpu.memory_space<vmem>>
        %dma_start3A_138 = tpu.memref_slice %arg2[%add3A_95] : memref<3000000xi32, #tpu.memory_space<hbm>> -> memref<4000xi32, #tpu.memory_space<hbm>>
        tpu.enqueue_dma source(%dma_start3A_138 : memref<4000xi32, #tpu.memory_space<hbm>>) target(%dma_start3A_137 : memref<4000xi32, #tpu.memory_space<vmem>>) target_semaphore(%run_scoped3A : memref<!tpu.dma_semaphore, #tpu.memory_space<semaphore_mem>>)
        %dma_wait3A_139 = arith.constant 8000 : i32
        %dma_wait3A_140 = tpu.memref_slice %arg5[%dma_wait3A_139] : memref<12000xi32, #tpu.memory_space<vmem>> -> memref<4000xi32, #tpu.memory_space<vmem>>
        %dma_wait3A_141 = tpu.memref_slice %arg2[%add3A_95] : memref<3000000xi32, #tpu.memory_space<hbm>> -> memref<4000xi32, #tpu.memory_space<hbm>>
        %dma_wait3A_142 = arith.constant 8000 : i32
        %dma_wait3A_143 = tpu.memref_slice %arg5[%dma_wait3A_142] : memref<12000xi32, #tpu.memory_space<vmem>> -> memref<4000xi32, #tpu.memory_space<vmem>>
        %dma_wait3A_144 = tpu.memref_slice %arg2[%add3A_95] : memref<3000000xi32, #tpu.memory_space<hbm>> -> memref<4000xi32, #tpu.memory_space<hbm>>
        tpu.wait_dma2 semaphore(%run_scoped3A : memref<!tpu.dma_semaphore, #tpu.memory_space<semaphore_mem>>) src(%dma_wait3A_144 : memref<4000xi32, #tpu.memory_space<hbm>>) dst(%dma_wait3A_143 : memref<4000xi32, #tpu.memory_space<vmem>>)
        tpu.yield
      }) : () -> ()
      %scan3A = arith.constant 0 : i32
      %scan3A_96 = arith.constant 0 : i32
      %scan3A_97 = arith.constant 250 : i32
      %scan3A_98 = arith.addi %scan3A_96, %scan3A_97 : i32
      %scan3A_99 = arith.constant 1 : i32
      %scan3A_100 = scf.for %scan3A_133 = %scan3A_96 to %scan3A_98 step %scan3A_99 iter_args(%scan3A_134 = %scan3A) -> (i32)  : i32 {
        %mul3A_135 = arith.constant 16 : i32
        %mul3A_136 = arith.muli %scan3A_133, %mul3A_135 : i32
        %get3A = arith.index_cast %mul3A_136 : i32 to index
        %get3A_137 = tpu.vector_load %arg5[%get3A] {strides = array<i32>} : memref<12000xi32, #tpu.memory_space<vmem>>, vector<16xi32>,
        %add3A_138 = arith.constant 4000 : i32
        %add3A_139 = arith.addi %add3A_138, %mul3A_136 : i32
        %get3A_140 = arith.index_cast %add3A_139 : i32 to index
        %get3A_141 = tpu.vector_load %arg5[%get3A_140] {strides = array<i32>} : memref<12000xi32, #tpu.memory_space<vmem>>, vector<16xi32>,
        %add3A_142 = arith.constant 8000 : i32
        %add3A_143 = arith.addi %add3A_142, %mul3A_136 : i32
        %get3A_144 = arith.index_cast %add3A_143 : i32 to index
        %get3A_145 = tpu.vector_load %arg5[%get3A_144] {strides = array<i32>} : memref<12000xi32, #tpu.memory_space<vmem>>, vector<16xi32>,
        %shift_left3A = arith.constant 14 : i32
        %shift_left3A_146 = vector.broadcast %shift_left3A : i32 to vector<16xi32>
        %shift_left3A_147 = arith.shli %get3A_137, %shift_left3A_146 : vector<16xi32>
        %shift_left3A_148 = arith.constant 7 : i32
        %shift_left3A_149 = vector.broadcast %shift_left3A_148 : i32 to vector<16xi32>
        %shift_left3A_150 = arith.shli %get3A_141, %shift_left3A_149 : vector<16xi32>
        %or3A = arith.ori %shift_left3A_147, %shift_left3A_150 : vector<16xi32>
        %or3A_151 = arith.ori %or3A, %get3A_145 : vector<16xi32>
        %swap3A = arith.index_cast %mul3A_136 : i32 to index
        %swap3A_152 = tpu.vector_load %arg8[%swap3A] {strides = array<i32>} : memref<12000xi32, #tpu.memory_space<vmem>>, vector<16xi32>,
        tpu.vector_store %arg8[%swap3A], %or3A_151 {strides = array<i32>} : memref<12000xi32, #tpu.memory_space<vmem>>, vector<16xi32>,
        %add3A_153 = arith.constant 2097152 : i32
        %add3A_154 = vector.broadcast %add3A_153 : i32 to vector<16xi32>
        %add3A_155 = arith.addi %or3A_151, %add3A_154 : vector<16xi32>
        %add3A_156 = arith.constant 4000 : i32
        %add3A_157 = arith.addi %add3A_156, %mul3A_136 : i32
        %swap3A_158 = arith.index_cast %add3A_157 : i32 to index
        %swap3A_159 = tpu.vector_load %arg8[%swap3A_158] {strides = array<i32>} : memref<12000xi32, #tpu.memory_space<vmem>>, vector<16xi32>,
        tpu.vector_store %arg8[%swap3A_158], %add3A_155 {strides = array<i32>} : memref<12000xi32, #tpu.memory_space<vmem>>, vector<16xi32>,
        %add3A_160 = arith.constant 4194304 : i32
        %add3A_161 = vector.broadcast %add3A_160 : i32 to vector<16xi32>
        %add3A_162 = arith.addi %or3A_151, %add3A_161 : vector<16xi32>
        %add3A_163 = arith.constant 8000 : i32
        %add3A_164 = arith.addi %add3A_163, %mul3A_136 : i32
        %swap3A_165 = arith.index_cast %add3A_164 : i32 to index
        %swap3A_166 = tpu.vector_load %arg8[%swap3A_165] {strides = array<i32>} : memref<12000xi32, #tpu.memory_space<vmem>>, vector<16xi32>,
        tpu.vector_store %arg8[%swap3A_165], %add3A_162 {strides = array<i32>} : memref<12000xi32, #tpu.memory_space<vmem>>, vector<16xi32>,
        %scan3A_167 = arith.constant 0 : i32
        scf.yield %scan3A_167 : i32
      }
      %scan3A_101 = arith.constant 250 : i32
      %dma_start3A = arith.constant 0 : i32
      %dma_start3A_102 = tpu.memref_slice %arg3[%dma_start3A] : memref<6291456xf32, #tpu.memory_space<hbm>> -> memref<6291456xf32, #tpu.memory_space<hbm>>
      tpu.enqueue_indirect_dma source(%dma_start3A_102 : memref<6291456xf32, #tpu.memory_space<hbm>>) target(%arg11 : memref<12000xf32, #tpu.memory_space<vmem>>) offsets(%arg8 : memref<12000xi32, #tpu.memory_space<vmem>>) semaphore(%arg14 : memref<!tpu.dma_semaphore, #tpu.memory_space<semaphore_mem>>)
      %dma_wait3A_103 = arith.constant 0 : i32
      %dma_wait3A_104 = tpu.memref_slice %arg3[%dma_wait3A_103] : memref<6291456xf32, #tpu.memory_space<hbm>> -> memref<6291456xf32, #tpu.memory_space<hbm>>
      tpu.wait_indirect_dma semaphore(%arg15 : memref<!tpu.dma_semaphore, #tpu.memory_space<semaphore_mem>>) src(%dma_wait3A_104 : memref<6291456xf32, #tpu.memory_space<hbm>>) dst(%arg12 : memref<12000xf32, #tpu.memory_space<vmem>>)
      %add3A_105 = arith.constant 128 : i32
      %add3A_106 = arith.addi %add3A, %add3A_105 : i32
      %mul3A_107 = arith.constant 4000 : i32
      %mul3A_108 = arith.muli %add3A_106, %mul3A_107 : i32
      %add3A_109 = arith.constant 0 : i32
      %add3A_110 = arith.addi %add3A_109, %mul3A_108 : i32
      %dma_start3A_111 = arith.constant 0 : i32
      %dma_start3A_112 = tpu.memref_slice %arg12[%dma_start3A_111] : memref<12000xf32, #tpu.memory_space<vmem>> -> memref<4000xf32, #tpu.memory_space<vmem>>
      %dma_start3A_113 = tpu.memref_slice %arg4[%add3A_110] : memref<3000000xf32, #tpu.memory_space<hbm>> -> memref<4000xf32, #tpu.memory_space<hbm>>
      %dma_start3A_114 = tpu.memref_slice %arg4[%add3A_110] : memref<3000000xf32, #tpu.memory_space<hbm>> -> memref<4000xf32, #tpu.memory_space<hbm>>
      %dma_start3A_115 = arith.constant 0 : i32
      %dma_start3A_116 = tpu.memref_slice %arg12[%dma_start3A_115] : memref<12000xf32, #tpu.memory_space<vmem>> -> memref<4000xf32, #tpu.memory_space<vmem>>
      tpu.enqueue_dma source(%dma_start3A_116 : memref<4000xf32, #tpu.memory_space<vmem>>) target(%dma_start3A_114 : memref<4000xf32, #tpu.memory_space<hbm>>) target_semaphore(%arg18 : memref<!tpu.dma_semaphore, #tpu.memory_space<semaphore_mem>>)
      %add3A_117 = arith.constant 1000000 : i32
      %add3A_118 = arith.addi %add3A_117, %mul3A_108 : i32
      %dma_start3A_119 = arith.constant 4000 : i32
      %dma_start3A_120 = tpu.memref_slice %arg12[%dma_start3A_119] : memref<12000xf32, #tpu.memory_space<vmem>> -> memref<4000xf32, #tpu.memory_space<vmem>>
      %dma_start3A_121 = tpu.memref_slice %arg4[%add3A_118] : memref<3000000xf32, #tpu.memory_space<hbm>> -> memref<4000xf32, #tpu.memory_space<hbm>>
      %dma_start3A_122 = tpu.memref_slice %arg4[%add3A_118] : memref<3000000xf32, #tpu.memory_space<hbm>> -> memref<4000xf32, #tpu.memory_space<hbm>>
      %dma_start3A_123 = arith.constant 4000 : i32
      %dma_start3A_124 = tpu.memref_slice %arg12[%dma_start3A_123] : memref<12000xf32, #tpu.memory_space<vmem>> -> memref<4000xf32, #tpu.memory_space<vmem>>
      tpu.enqueue_dma source(%dma_start3A_124 : memref<4000xf32, #tpu.memory_space<vmem>>) target(%dma_start3A_122 : memref<4000xf32, #tpu.memory_space<hbm>>) target_semaphore(%arg18 : memref<!tpu.dma_semaphore, #tpu.memory_space<semaphore_mem>>)
      %add3A_125 = arith.constant 2000000 : i32
      %add3A_126 = arith.addi %add3A_125, %mul3A_108 : i32
      %dma_start3A_127 = arith.constant 8000 : i32
      %dma_start3A_128 = tpu.memref_slice %arg12[%dma_start3A_127] : memref<12000xf32, #tpu.memory_space<vmem>> -> memref<4000xf32, #tpu.memory_space<vmem>>
      %dma_start3A_129 = tpu.memref_slice %arg4[%add3A_126] : memref<3000000xf32, #tpu.memory_space<hbm>> -> memref<4000xf32, #tpu.memory_space<hbm>>
      %dma_start3A_130 = tpu.memref_slice %arg4[%add3A_126] : memref<3000000xf32, #tpu.memory_space<hbm>> -> memref<4000xf32, #tpu.memory_space<hbm>>
      %dma_start3A_131 = arith.constant 8000 : i32
      %dma_start3A_132 = tpu.memref_slice %arg12[%dma_start3A_131] : memref<12000xf32, #tpu.memory_space<vmem>> -> memref<4000xf32, #tpu.memory_space<vmem>>
      tpu.enqueue_dma source(%dma_start3A_132 : memref<4000xf32, #tpu.memory_space<vmem>>) target(%dma_start3A_130 : memref<4000xf32, #tpu.memory_space<hbm>>) target_semaphore(%arg18 : memref<!tpu.dma_semaphore, #tpu.memory_space<semaphore_mem>>)
    } else {
    }
    %add3A_47 = arith.constant 224 : i32
    %add3A_48 = arith.addi %add3A, %add3A_47 : i32
    %lt3A_49 = arith.constant 250 : i32
    %lt3A_50 = arith.cmpi slt, %add3A_48, %lt3A_49 : i32
    %convert_element_type3A_51 = arith.extui %lt3A_50 : i1 to i32
    %cond3A_52 = arith.constant 0 : i32
    %cond3A_53 = arith.cmpi ne, %convert_element_type3A_51, %cond3A_52 : i32
    scf.if %cond3A_53 {
      %dma_wait3A = arith.constant 0 : i32
      %dma_wait3A_65 = tpu.memref_slice %arg12[%dma_wait3A] : memref<12000xf32, #tpu.memory_space<vmem>> -> memref<4000xf32, #tpu.memory_space<vmem>>
      %dma_wait3A_66 = arith.constant 0 : i32
      %dma_wait3A_67 = tpu.memref_slice %arg4[%dma_wait3A_66] : memref<3000000xf32, #tpu.memory_space<hbm>> -> memref<4000xf32, #tpu.memory_space<hbm>>
      %dma_wait3A_68 = arith.constant 0 : i32
      %dma_wait3A_69 = tpu.memref_slice %arg4[%dma_wait3A_68] : memref<3000000xf32, #tpu.memory_space<hbm>> -> memref<4000xf32, #tpu.memory_space<hbm>>
      %dma_wait3A_70 = arith.constant 0 : i32
      %dma_wait3A_71 = tpu.memref_slice %arg12[%dma_wait3A_70] : memref<12000xf32, #tpu.memory_space<vmem>> -> memref<4000xf32, #tpu.memory_space<vmem>>
      tpu.wait_dma2 semaphore(%arg18 : memref<!tpu.dma_semaphore, #tpu.memory_space<semaphore_mem>>) src(%dma_wait3A_71 : memref<4000xf32, #tpu.memory_space<vmem>>) dst(%dma_wait3A_69 : memref<4000xf32, #tpu.memory_space<hbm>>)
      %dma_wait3A_72 = arith.constant 4000 : i32
      %dma_wait3A_73 = tpu.memref_slice %arg12[%dma_wait3A_72] : memref<12000xf32, #tpu.memory_space<vmem>> -> memref<4000xf32, #tpu.memory_space<vmem>>
      %dma_wait3A_74 = arith.constant 0 : i32
      %dma_wait3A_75 = tpu.memref_slice %arg4[%dma_wait3A_74] : memref<3000000xf32, #tpu.memory_space<hbm>> -> memref<4000xf32, #tpu.memory_space<hbm>>
      %dma_wait3A_76 = arith.constant 0 : i32
      %dma_wait3A_77 = tpu.memref_slice %arg4[%dma_wait3A_76] : memref<3000000xf32, #tpu.memory_space<hbm>> -> memref<4000xf32, #tpu.memory_space<hbm>>
      %dma_wait3A_78 = arith.constant 4000 : i32
      %dma_wait3A_79 = tpu.memref_slice %arg12[%dma_wait3A_78] : memref<12000xf32, #tpu.memory_space<vmem>> -> memref<4000xf32, #tpu.memory_space<vmem>>
      tpu.wait_dma2 semaphore(%arg18 : memref<!tpu.dma_semaphore, #tpu.memory_space<semaphore_mem>>) src(%dma_wait3A_79 : memref<4000xf32, #tpu.memory_space<vmem>>) dst(%dma_wait3A_77 : memref<4000xf32, #tpu.memory_space<hbm>>)
      %dma_wait3A_80 = arith.constant 8000 : i32
      %dma_wait3A_81 = tpu.memref_slice %arg12[%dma_wait3A_80] : memref<12000xf32, #tpu.memory_space<vmem>> -> memref<4000xf32, #tpu.memory_space<vmem>>
      %dma_wait3A_82 = arith.constant 0 : i32
      %dma_wait3A_83 = tpu.memref_slice %arg4[%dma_wait3A_82] : memref<3000000xf32, #tpu.memory_space<hbm>> -> memref<4000xf32, #tpu.memory_space<hbm>>
      %dma_wait3A_84 = arith.constant 0 : i32
      %dma_wait3A_85 = tpu.memref_slice %arg4[%dma_wait3A_84] : memref<3000000xf32, #tpu.memory_space<hbm>> -> memref<4000xf32, #tpu.memory_space<hbm>>
      %dma_wait3A_86 = arith.constant 8000 : i32
      %dma_wait3A_87 = tpu.memref_slice %arg12[%dma_wait3A_86] : memref<12000xf32, #tpu.memory_space<vmem>> -> memref<4000xf32, #tpu.memory_space<vmem>>
      tpu.wait_dma2 semaphore(%arg18 : memref<!tpu.dma_semaphore, #tpu.memory_space<semaphore_mem>>) src(%dma_wait3A_87 : memref<4000xf32, #tpu.memory_space<vmem>>) dst(%dma_wait3A_85 : memref<4000xf32, #tpu.memory_space<hbm>>)
      %mul3A_88 = arith.constant 4000 : i32
      %mul3A_89 = arith.muli %add3A_48, %mul3A_88 : i32
      %add3A_90 = arith.constant 0 : i32
      %add3A_91 = arith.addi %add3A_90, %mul3A_89 : i32
      "tpu.region"() ({
        %run_scoped3A = tpu.sem_alloc : memref<!tpu.dma_semaphore, #tpu.memory_space<semaphore_mem>>
        %dma_start3A_133 = arith.constant 0 : i32
        %dma_start3A_134 = tpu.memref_slice %arg6[%dma_start3A_133] : memref<12000xi32, #tpu.memory_space<vmem>> -> memref<4000xi32, #tpu.memory_space<vmem>>
        %dma_start3A_135 = tpu.memref_slice %arg2[%add3A_91] : memref<3000000xi32, #tpu.memory_space<hbm>> -> memref<4000xi32, #tpu.memory_space<hbm>>
        %dma_start3A_136 = arith.constant 0 : i32
        %dma_start3A_137 = tpu.memref_slice %arg6[%dma_start3A_136] : memref<12000xi32, #tpu.memory_space<vmem>> -> memref<4000xi32, #tpu.memory_space<vmem>>
        %dma_start3A_138 = tpu.memref_slice %arg2[%add3A_91] : memref<3000000xi32, #tpu.memory_space<hbm>> -> memref<4000xi32, #tpu.memory_space<hbm>>
        tpu.enqueue_dma source(%dma_start3A_138 : memref<4000xi32, #tpu.memory_space<hbm>>) target(%dma_start3A_137 : memref<4000xi32, #tpu.memory_space<vmem>>) target_semaphore(%run_scoped3A : memref<!tpu.dma_semaphore, #tpu.memory_space<semaphore_mem>>)
        %dma_wait3A_139 = arith.constant 0 : i32
        %dma_wait3A_140 = tpu.memref_slice %arg6[%dma_wait3A_139] : memref<12000xi32, #tpu.memory_space<vmem>> -> memref<4000xi32, #tpu.memory_space<vmem>>
        %dma_wait3A_141 = tpu.memref_slice %arg2[%add3A_91] : memref<3000000xi32, #tpu.memory_space<hbm>> -> memref<4000xi32, #tpu.memory_space<hbm>>
        %dma_wait3A_142 = arith.constant 0 : i32
        %dma_wait3A_143 = tpu.memref_slice %arg6[%dma_wait3A_142] : memref<12000xi32, #tpu.memory_space<vmem>> -> memref<4000xi32, #tpu.memory_space<vmem>>
        %dma_wait3A_144 = tpu.memref_slice %arg2[%add3A_91] : memref<3000000xi32, #tpu.memory_space<hbm>> -> memref<4000xi32, #tpu.memory_space<hbm>>
        tpu.wait_dma2 semaphore(%run_scoped3A : memref<!tpu.dma_semaphore, #tpu.memory_space<semaphore_mem>>) src(%dma_wait3A_144 : memref<4000xi32, #tpu.memory_space<hbm>>) dst(%dma_wait3A_143 : memref<4000xi32, #tpu.memory_space<vmem>>)
        tpu.yield
      }) : () -> ()
      %add3A_92 = arith.constant 1000000 : i32
      %add3A_93 = arith.addi %add3A_92, %mul3A_89 : i32
      "tpu.region"() ({
        %run_scoped3A = tpu.sem_alloc : memref<!tpu.dma_semaphore, #tpu.memory_space<semaphore_mem>>
        %dma_start3A_133 = arith.constant 4000 : i32
        %dma_start3A_134 = tpu.memref_slice %arg6[%dma_start3A_133] : memref<12000xi32, #tpu.memory_space<vmem>> -> memref<4000xi32, #tpu.memory_space<vmem>>
        %dma_start3A_135 = tpu.memref_slice %arg2[%add3A_93] : memref<3000000xi32, #tpu.memory_space<hbm>> -> memref<4000xi32, #tpu.memory_space<hbm>>
        %dma_start3A_136 = arith.constant 4000 : i32
        %dma_start3A_137 = tpu.memref_slice %arg6[%dma_start3A_136] : memref<12000xi32, #tpu.memory_space<vmem>> -> memref<4000xi32, #tpu.memory_space<vmem>>
        %dma_start3A_138 = tpu.memref_slice %arg2[%add3A_93] : memref<3000000xi32, #tpu.memory_space<hbm>> -> memref<4000xi32, #tpu.memory_space<hbm>>
        tpu.enqueue_dma source(%dma_start3A_138 : memref<4000xi32, #tpu.memory_space<hbm>>) target(%dma_start3A_137 : memref<4000xi32, #tpu.memory_space<vmem>>) target_semaphore(%run_scoped3A : memref<!tpu.dma_semaphore, #tpu.memory_space<semaphore_mem>>)
        %dma_wait3A_139 = arith.constant 4000 : i32
        %dma_wait3A_140 = tpu.memref_slice %arg6[%dma_wait3A_139] : memref<12000xi32, #tpu.memory_space<vmem>> -> memref<4000xi32, #tpu.memory_space<vmem>>
        %dma_wait3A_141 = tpu.memref_slice %arg2[%add3A_93] : memref<3000000xi32, #tpu.memory_space<hbm>> -> memref<4000xi32, #tpu.memory_space<hbm>>
        %dma_wait3A_142 = arith.constant 4000 : i32
        %dma_wait3A_143 = tpu.memref_slice %arg6[%dma_wait3A_142] : memref<12000xi32, #tpu.memory_space<vmem>> -> memref<4000xi32, #tpu.memory_space<vmem>>
        %dma_wait3A_144 = tpu.memref_slice %arg2[%add3A_93] : memref<3000000xi32, #tpu.memory_space<hbm>> -> memref<4000xi32, #tpu.memory_space<hbm>>
        tpu.wait_dma2 semaphore(%run_scoped3A : memref<!tpu.dma_semaphore, #tpu.memory_space<semaphore_mem>>) src(%dma_wait3A_144 : memref<4000xi32, #tpu.memory_space<hbm>>) dst(%dma_wait3A_143 : memref<4000xi32, #tpu.memory_space<vmem>>)
        tpu.yield
      }) : () -> ()
      %add3A_94 = arith.constant 2000000 : i32
      %add3A_95 = arith.addi %add3A_94, %mul3A_89 : i32
      "tpu.region"() ({
        %run_scoped3A = tpu.sem_alloc : memref<!tpu.dma_semaphore, #tpu.memory_space<semaphore_mem>>
        %dma_start3A_133 = arith.constant 8000 : i32
        %dma_start3A_134 = tpu.memref_slice %arg6[%dma_start3A_133] : memref<12000xi32, #tpu.memory_space<vmem>> -> memref<4000xi32, #tpu.memory_space<vmem>>
        %dma_start3A_135 = tpu.memref_slice %arg2[%add3A_95] : memref<3000000xi32, #tpu.memory_space<hbm>> -> memref<4000xi32, #tpu.memory_space<hbm>>
        %dma_start3A_136 = arith.constant 8000 : i32
        %dma_start3A_137 = tpu.memref_slice %arg6[%dma_start3A_136] : memref<12000xi32, #tpu.memory_space<vmem>> -> memref<4000xi32, #tpu.memory_space<vmem>>
        %dma_start3A_138 = tpu.memref_slice %arg2[%add3A_95] : memref<3000000xi32, #tpu.memory_space<hbm>> -> memref<4000xi32, #tpu.memory_space<hbm>>
        tpu.enqueue_dma source(%dma_start3A_138 : memref<4000xi32, #tpu.memory_space<hbm>>) target(%dma_start3A_137 : memref<4000xi32, #tpu.memory_space<vmem>>) target_semaphore(%run_scoped3A : memref<!tpu.dma_semaphore, #tpu.memory_space<semaphore_mem>>)
        %dma_wait3A_139 = arith.constant 8000 : i32
        %dma_wait3A_140 = tpu.memref_slice %arg6[%dma_wait3A_139] : memref<12000xi32, #tpu.memory_space<vmem>> -> memref<4000xi32, #tpu.memory_space<vmem>>
        %dma_wait3A_141 = tpu.memref_slice %arg2[%add3A_95] : memref<3000000xi32, #tpu.memory_space<hbm>> -> memref<4000xi32, #tpu.memory_space<hbm>>
        %dma_wait3A_142 = arith.constant 8000 : i32
        %dma_wait3A_143 = tpu.memref_slice %arg6[%dma_wait3A_142] : memref<12000xi32, #tpu.memory_space<vmem>> -> memref<4000xi32, #tpu.memory_space<vmem>>
        %dma_wait3A_144 = tpu.memref_slice %arg2[%add3A_95] : memref<3000000xi32, #tpu.memory_space<hbm>> -> memref<4000xi32, #tpu.memory_space<hbm>>
        tpu.wait_dma2 semaphore(%run_scoped3A : memref<!tpu.dma_semaphore, #tpu.memory_space<semaphore_mem>>) src(%dma_wait3A_144 : memref<4000xi32, #tpu.memory_space<hbm>>) dst(%dma_wait3A_143 : memref<4000xi32, #tpu.memory_space<vmem>>)
        tpu.yield
      }) : () -> ()
      %scan3A = arith.constant 0 : i32
      %scan3A_96 = arith.constant 0 : i32
      %scan3A_97 = arith.constant 250 : i32
      %scan3A_98 = arith.addi %scan3A_96, %scan3A_97 : i32
      %scan3A_99 = arith.constant 1 : i32
      %scan3A_100 = scf.for %scan3A_133 = %scan3A_96 to %scan3A_98 step %scan3A_99 iter_args(%scan3A_134 = %scan3A) -> (i32)  : i32 {
        %mul3A_135 = arith.constant 16 : i32
        %mul3A_136 = arith.muli %scan3A_133, %mul3A_135 : i32
        %get3A = arith.index_cast %mul3A_136 : i32 to index
        %get3A_137 = tpu.vector_load %arg6[%get3A] {strides = array<i32>} : memref<12000xi32, #tpu.memory_space<vmem>>, vector<16xi32>,
        %add3A_138 = arith.constant 4000 : i32
        %add3A_139 = arith.addi %add3A_138, %mul3A_136 : i32
        %get3A_140 = arith.index_cast %add3A_139 : i32 to index
        %get3A_141 = tpu.vector_load %arg6[%get3A_140] {strides = array<i32>} : memref<12000xi32, #tpu.memory_space<vmem>>, vector<16xi32>,
        %add3A_142 = arith.constant 8000 : i32
        %add3A_143 = arith.addi %add3A_142, %mul3A_136 : i32
        %get3A_144 = arith.index_cast %add3A_143 : i32 to index
        %get3A_145 = tpu.vector_load %arg6[%get3A_144] {strides = array<i32>} : memref<12000xi32, #tpu.memory_space<vmem>>, vector<16xi32>,
        %shift_left3A = arith.constant 14 : i32
        %shift_left3A_146 = vector.broadcast %shift_left3A : i32 to vector<16xi32>
        %shift_left3A_147 = arith.shli %get3A_137, %shift_left3A_146 : vector<16xi32>
        %shift_left3A_148 = arith.constant 7 : i32
        %shift_left3A_149 = vector.broadcast %shift_left3A_148 : i32 to vector<16xi32>
        %shift_left3A_150 = arith.shli %get3A_141, %shift_left3A_149 : vector<16xi32>
        %or3A = arith.ori %shift_left3A_147, %shift_left3A_150 : vector<16xi32>
        %or3A_151 = arith.ori %or3A, %get3A_145 : vector<16xi32>
        %swap3A = arith.index_cast %mul3A_136 : i32 to index
        %swap3A_152 = tpu.vector_load %arg9[%swap3A] {strides = array<i32>} : memref<12000xi32, #tpu.memory_space<vmem>>, vector<16xi32>,
        tpu.vector_store %arg9[%swap3A], %or3A_151 {strides = array<i32>} : memref<12000xi32, #tpu.memory_space<vmem>>, vector<16xi32>,
        %add3A_153 = arith.constant 2097152 : i32
        %add3A_154 = vector.broadcast %add3A_153 : i32 to vector<16xi32>
        %add3A_155 = arith.addi %or3A_151, %add3A_154 : vector<16xi32>
        %add3A_156 = arith.constant 4000 : i32
        %add3A_157 = arith.addi %add3A_156, %mul3A_136 : i32
        %swap3A_158 = arith.index_cast %add3A_157 : i32 to index
        %swap3A_159 = tpu.vector_load %arg9[%swap3A_158] {strides = array<i32>} : memref<12000xi32, #tpu.memory_space<vmem>>, vector<16xi32>,
        tpu.vector_store %arg9[%swap3A_158], %add3A_155 {strides = array<i32>} : memref<12000xi32, #tpu.memory_space<vmem>>, vector<16xi32>,
        %add3A_160 = arith.constant 4194304 : i32
        %add3A_161 = vector.broadcast %add3A_160 : i32 to vector<16xi32>
        %add3A_162 = arith.addi %or3A_151, %add3A_161 : vector<16xi32>
        %add3A_163 = arith.constant 8000 : i32
        %add3A_164 = arith.addi %add3A_163, %mul3A_136 : i32
        %swap3A_165 = arith.index_cast %add3A_164 : i32 to index
        %swap3A_166 = tpu.vector_load %arg9[%swap3A_165] {strides = array<i32>} : memref<12000xi32, #tpu.memory_space<vmem>>, vector<16xi32>,
        tpu.vector_store %arg9[%swap3A_165], %add3A_162 {strides = array<i32>} : memref<12000xi32, #tpu.memory_space<vmem>>, vector<16xi32>,
        %scan3A_167 = arith.constant 0 : i32
        scf.yield %scan3A_167 : i32
      }
      %scan3A_101 = arith.constant 250 : i32
      %dma_start3A = arith.constant 0 : i32
      %dma_start3A_102 = tpu.memref_slice %arg3[%dma_start3A] : memref<6291456xf32, #tpu.memory_space<hbm>> -> memref<6291456xf32, #tpu.memory_space<hbm>>
      tpu.enqueue_indirect_dma source(%dma_start3A_102 : memref<6291456xf32, #tpu.memory_space<hbm>>) target(%arg12 : memref<12000xf32, #tpu.memory_space<vmem>>) offsets(%arg9 : memref<12000xi32, #tpu.memory_space<vmem>>) semaphore(%arg15 : memref<!tpu.dma_semaphore, #tpu.memory_space<semaphore_mem>>)
      %dma_wait3A_103 = arith.constant 0 : i32
      %dma_wait3A_104 = tpu.memref_slice %arg3[%dma_wait3A_103] : memref<6291456xf32, #tpu.memory_space<hbm>> -> memref<6291456xf32, #tpu.memory_space<hbm>>
      tpu.wait_indirect_dma semaphore(%arg16 : memref<!tpu.dma_semaphore, #tpu.memory_space<semaphore_mem>>) src(%dma_wait3A_104 : memref<6291456xf32, #tpu.memory_space<hbm>>) dst(%arg13 : memref<12000xf32, #tpu.memory_space<vmem>>)
      %add3A_105 = arith.constant 160 : i32
      %add3A_106 = arith.addi %add3A, %add3A_105 : i32
      %mul3A_107 = arith.constant 4000 : i32
      %mul3A_108 = arith.muli %add3A_106, %mul3A_107 : i32
      %add3A_109 = arith.constant 0 : i32
      %add3A_110 = arith.addi %add3A_109, %mul3A_108 : i32
      %dma_start3A_111 = arith.constant 0 : i32
      %dma_start3A_112 = tpu.memref_slice %arg13[%dma_start3A_111] : memref<12000xf32, #tpu.memory_space<vmem>> -> memref<4000xf32, #tpu.memory_space<vmem>>
      %dma_start3A_113 = tpu.memref_slice %arg4[%add3A_110] : memref<3000000xf32, #tpu.memory_space<hbm>> -> memref<4000xf32, #tpu.memory_space<hbm>>
      %dma_start3A_114 = tpu.memref_slice %arg4[%add3A_110] : memref<3000000xf32, #tpu.memory_space<hbm>> -> memref<4000xf32, #tpu.memory_space<hbm>>
      %dma_start3A_115 = arith.constant 0 : i32
      %dma_start3A_116 = tpu.memref_slice %arg13[%dma_start3A_115] : memref<12000xf32, #tpu.memory_space<vmem>> -> memref<4000xf32, #tpu.memory_space<vmem>>
      tpu.enqueue_dma source(%dma_start3A_116 : memref<4000xf32, #tpu.memory_space<vmem>>) target(%dma_start3A_114 : memref<4000xf32, #tpu.memory_space<hbm>>) target_semaphore(%arg19 : memref<!tpu.dma_semaphore, #tpu.memory_space<semaphore_mem>>)
      %add3A_117 = arith.constant 1000000 : i32
      %add3A_118 = arith.addi %add3A_117, %mul3A_108 : i32
      %dma_start3A_119 = arith.constant 4000 : i32
      %dma_start3A_120 = tpu.memref_slice %arg13[%dma_start3A_119] : memref<12000xf32, #tpu.memory_space<vmem>> -> memref<4000xf32, #tpu.memory_space<vmem>>
      %dma_start3A_121 = tpu.memref_slice %arg4[%add3A_118] : memref<3000000xf32, #tpu.memory_space<hbm>> -> memref<4000xf32, #tpu.memory_space<hbm>>
      %dma_start3A_122 = tpu.memref_slice %arg4[%add3A_118] : memref<3000000xf32, #tpu.memory_space<hbm>> -> memref<4000xf32, #tpu.memory_space<hbm>>
      %dma_start3A_123 = arith.constant 4000 : i32
      %dma_start3A_124 = tpu.memref_slice %arg13[%dma_start3A_123] : memref<12000xf32, #tpu.memory_space<vmem>> -> memref<4000xf32, #tpu.memory_space<vmem>>
      tpu.enqueue_dma source(%dma_start3A_124 : memref<4000xf32, #tpu.memory_space<vmem>>) target(%dma_start3A_122 : memref<4000xf32, #tpu.memory_space<hbm>>) target_semaphore(%arg19 : memref<!tpu.dma_semaphore, #tpu.memory_space<semaphore_mem>>)
      %add3A_125 = arith.constant 2000000 : i32
      %add3A_126 = arith.addi %add3A_125, %mul3A_108 : i32
      %dma_start3A_127 = arith.constant 8000 : i32
      %dma_start3A_128 = tpu.memref_slice %arg13[%dma_start3A_127] : memref<12000xf32, #tpu.memory_space<vmem>> -> memref<4000xf32, #tpu.memory_space<vmem>>
      %dma_start3A_129 = tpu.memref_slice %arg4[%add3A_126] : memref<3000000xf32, #tpu.memory_space<hbm>> -> memref<4000xf32, #tpu.memory_space<hbm>>
      %dma_start3A_130 = tpu.memref_slice %arg4[%add3A_126] : memref<3000000xf32, #tpu.memory_space<hbm>> -> memref<4000xf32, #tpu.memory_space<hbm>>
      %dma_start3A_131 = arith.constant 8000 : i32
      %dma_start3A_132 = tpu.memref_slice %arg13[%dma_start3A_131] : memref<12000xf32, #tpu.memory_space<vmem>> -> memref<4000xf32, #tpu.memory_space<vmem>>
      tpu.enqueue_dma source(%dma_start3A_132 : memref<4000xf32, #tpu.memory_space<vmem>>) target(%dma_start3A_130 : memref<4000xf32, #tpu.memory_space<hbm>>) target_semaphore(%arg19 : memref<!tpu.dma_semaphore, #tpu.memory_space<semaphore_mem>>)
    } else {
    }
    %add3A_54 = arith.constant 224 : i32
    %add3A_55 = arith.addi %add3A, %add3A_54 : i32
    %lt3A_56 = arith.constant 250 : i32
    %lt3A_57 = arith.cmpi slt, %add3A_55, %lt3A_56 : i32
    %convert_element_type3A_58 = arith.extui %lt3A_57 : i1 to i32
    %cond3A_59 = arith.constant 0 : i32
    %cond3A_60 = arith.cmpi ne, %convert_element_type3A_58, %cond3A_59 : i32
    scf.if %cond3A_60 {
      %dma_wait3A = arith.constant 0 : i32
      %dma_wait3A_65 = tpu.memref_slice %arg3[%dma_wait3A] : memref<6291456xf32, #tpu.memory_space<hbm>> -> memref<6291456xf32, #tpu.memory_space<hbm>>
      tpu.wait_indirect_dma semaphore(%arg14 : memref<!tpu.dma_semaphore, #tpu.memory_space<semaphore_mem>>) src(%dma_wait3A_65 : memref<6291456xf32, #tpu.memory_space<hbm>>) dst(%arg11 : memref<12000xf32, #tpu.memory_space<vmem>>)
      %add3A_66 = arith.constant 192 : i32
      %add3A_67 = arith.addi %add3A, %add3A_66 : i32
      %mul3A_68 = arith.constant 4000 : i32
      %mul3A_69 = arith.muli %add3A_67, %mul3A_68 : i32
      %add3A_70 = arith.constant 0 : i32
      %add3A_71 = arith.addi %add3A_70, %mul3A_69 : i32
      %dma_start3A = arith.constant 0 : i32
      %dma_start3A_72 = tpu.memref_slice %arg11[%dma_start3A] : memref<12000xf32, #tpu.memory_space<vmem>> -> memref<4000xf32, #tpu.memory_space<vmem>>
      %dma_start3A_73 = tpu.memref_slice %arg4[%add3A_71] : memref<3000000xf32, #tpu.memory_space<hbm>> -> memref<4000xf32, #tpu.memory_space<hbm>>
      %dma_start3A_74 = tpu.memref_slice %arg4[%add3A_71] : memref<3000000xf32, #tpu.memory_space<hbm>> -> memref<4000xf32, #tpu.memory_space<hbm>>
      %dma_start3A_75 = arith.constant 0 : i32
      %dma_start3A_76 = tpu.memref_slice %arg11[%dma_start3A_75] : memref<12000xf32, #tpu.memory_space<vmem>> -> memref<4000xf32, #tpu.memory_space<vmem>>
      tpu.enqueue_dma source(%dma_start3A_76 : memref<4000xf32, #tpu.memory_space<vmem>>) target(%dma_start3A_74 : memref<4000xf32, #tpu.memory_space<hbm>>) target_semaphore(%arg17 : memref<!tpu.dma_semaphore, #tpu.memory_space<semaphore_mem>>)
      %add3A_77 = arith.constant 1000000 : i32
      %add3A_78 = arith.addi %add3A_77, %mul3A_69 : i32
      %dma_start3A_79 = arith.constant 4000 : i32
      %dma_start3A_80 = tpu.memref_slice %arg11[%dma_start3A_79] : memref<12000xf32, #tpu.memory_space<vmem>> -> memref<4000xf32, #tpu.memory_space<vmem>>
      %dma_start3A_81 = tpu.memref_slice %arg4[%add3A_78] : memref<3000000xf32, #tpu.memory_space<hbm>> -> memref<4000xf32, #tpu.memory_space<hbm>>
      %dma_start3A_82 = tpu.memref_slice %arg4[%add3A_78] : memref<3000000xf32, #tpu.memory_space<hbm>> -> memref<4000xf32, #tpu.memory_space<hbm>>
      %dma_start3A_83 = arith.constant 4000 : i32
      %dma_start3A_84 = tpu.memref_slice %arg11[%dma_start3A_83] : memref<12000xf32, #tpu.memory_space<vmem>> -> memref<4000xf32, #tpu.memory_space<vmem>>
      tpu.enqueue_dma source(%dma_start3A_84 : memref<4000xf32, #tpu.memory_space<vmem>>) target(%dma_start3A_82 : memref<4000xf32, #tpu.memory_space<hbm>>) target_semaphore(%arg17 : memref<!tpu.dma_semaphore, #tpu.memory_space<semaphore_mem>>)
      %add3A_85 = arith.constant 2000000 : i32
      %add3A_86 = arith.addi %add3A_85, %mul3A_69 : i32
      %dma_start3A_87 = arith.constant 8000 : i32
      %dma_start3A_88 = tpu.memref_slice %arg11[%dma_start3A_87] : memref<12000xf32, #tpu.memory_space<vmem>> -> memref<4000xf32, #tpu.memory_space<vmem>>
      %dma_start3A_89 = tpu.memref_slice %arg4[%add3A_86] : memref<3000000xf32, #tpu.memory_space<hbm>> -> memref<4000xf32, #tpu.memory_space<hbm>>
      %dma_start3A_90 = tpu.memref_slice %arg4[%add3A_86] : memref<3000000xf32, #tpu.memory_space<hbm>> -> memref<4000xf32, #tpu.memory_space<hbm>>
      %dma_start3A_91 = arith.constant 8000 : i32
      %dma_start3A_92 = tpu.memref_slice %arg11[%dma_start3A_91] : memref<12000xf32, #tpu.memory_space<vmem>> -> memref<4000xf32, #tpu.memory_space<vmem>>
      tpu.enqueue_dma source(%dma_start3A_92 : memref<4000xf32, #tpu.memory_space<vmem>>) target(%dma_start3A_90 : memref<4000xf32, #tpu.memory_space<hbm>>) target_semaphore(%arg17 : memref<!tpu.dma_semaphore, #tpu.memory_space<semaphore_mem>>)
      %dma_wait3A_93 = arith.constant 0 : i32
      %dma_wait3A_94 = tpu.memref_slice %arg3[%dma_wait3A_93] : memref<6291456xf32, #tpu.memory_space<hbm>> -> memref<6291456xf32, #tpu.memory_space<hbm>>
      tpu.wait_indirect_dma semaphore(%arg15 : memref<!tpu.dma_semaphore, #tpu.memory_space<semaphore_mem>>) src(%dma_wait3A_94 : memref<6291456xf32, #tpu.memory_space<hbm>>) dst(%arg12 : memref<12000xf32, #tpu.memory_space<vmem>>)
      %add3A_95 = arith.constant 224 : i32
      %add3A_96 = arith.addi %add3A, %add3A_95 : i32
      %mul3A_97 = arith.constant 4000 : i32
      %mul3A_98 = arith.muli %add3A_96, %mul3A_97 : i32
      %add3A_99 = arith.constant 0 : i32
      %add3A_100 = arith.addi %add3A_99, %mul3A_98 : i32
      %dma_start3A_101 = arith.constant 0 : i32
      %dma_start3A_102 = tpu.memref_slice %arg12[%dma_start3A_101] : memref<12000xf32, #tpu.memory_space<vmem>> -> memref<4000xf32, #tpu.memory_space<vmem>>
      %dma_start3A_103 = tpu.memref_slice %arg4[%add3A_100] : memref<3000000xf32, #tpu.memory_space<hbm>> -> memref<4000xf32, #tpu.memory_space<hbm>>
      %dma_start3A_104 = tpu.memref_slice %arg4[%add3A_100] : memref<3000000xf32, #tpu.memory_space<hbm>> -> memref<4000xf32, #tpu.memory_space<hbm>>
      %dma_start3A_105 = arith.constant 0 : i32
      %dma_start3A_106 = tpu.memref_slice %arg12[%dma_start3A_105] : memref<12000xf32, #tpu.memory_space<vmem>> -> memref<4000xf32, #tpu.memory_space<vmem>>
      tpu.enqueue_dma source(%dma_start3A_106 : memref<4000xf32, #tpu.memory_space<vmem>>) target(%dma_start3A_104 : memref<4000xf32, #tpu.memory_space<hbm>>) target_semaphore(%arg18 : memref<!tpu.dma_semaphore, #tpu.memory_space<semaphore_mem>>)
      %add3A_107 = arith.constant 1000000 : i32
      %add3A_108 = arith.addi %add3A_107, %mul3A_98 : i32
      %dma_start3A_109 = arith.constant 4000 : i32
      %dma_start3A_110 = tpu.memref_slice %arg12[%dma_start3A_109] : memref<12000xf32, #tpu.memory_space<vmem>> -> memref<4000xf32, #tpu.memory_space<vmem>>
      %dma_start3A_111 = tpu.memref_slice %arg4[%add3A_108] : memref<3000000xf32, #tpu.memory_space<hbm>> -> memref<4000xf32, #tpu.memory_space<hbm>>
      %dma_start3A_112 = tpu.memref_slice %arg4[%add3A_108] : memref<3000000xf32, #tpu.memory_space<hbm>> -> memref<4000xf32, #tpu.memory_space<hbm>>
      %dma_start3A_113 = arith.constant 4000 : i32
      %dma_start3A_114 = tpu.memref_slice %arg12[%dma_start3A_113] : memref<12000xf32, #tpu.memory_space<vmem>> -> memref<4000xf32, #tpu.memory_space<vmem>>
      tpu.enqueue_dma source(%dma_start3A_114 : memref<4000xf32, #tpu.memory_space<vmem>>) target(%dma_start3A_112 : memref<4000xf32, #tpu.memory_space<hbm>>) target_semaphore(%arg18 : memref<!tpu.dma_semaphore, #tpu.memory_space<semaphore_mem>>)
      %add3A_115 = arith.constant 2000000 : i32
      %add3A_116 = arith.addi %add3A_115, %mul3A_98 : i32
      %dma_start3A_117 = arith.constant 8000 : i32
      %dma_start3A_118 = tpu.memref_slice %arg12[%dma_start3A_117] : memref<12000xf32, #tpu.memory_space<vmem>> -> memref<4000xf32, #tpu.memory_space<vmem>>
      %dma_start3A_119 = tpu.memref_slice %arg4[%add3A_116] : memref<3000000xf32, #tpu.memory_space<hbm>> -> memref<4000xf32, #tpu.memory_space<hbm>>
      %dma_start3A_120 = tpu.memref_slice %arg4[%add3A_116] : memref<3000000xf32, #tpu.memory_space<hbm>> -> memref<4000xf32, #tpu.memory_space<hbm>>
      %dma_start3A_121 = arith.constant 8000 : i32
      %dma_start3A_122 = tpu.memref_slice %arg12[%dma_start3A_121] : memref<12000xf32, #tpu.memory_space<vmem>> -> memref<4000xf32, #tpu.memory_space<vmem>>
      tpu.enqueue_dma source(%dma_start3A_122 : memref<4000xf32, #tpu.memory_space<vmem>>) target(%dma_start3A_120 : memref<4000xf32, #tpu.memory_space<hbm>>) target_semaphore(%arg18 : memref<!tpu.dma_semaphore, #tpu.memory_space<semaphore_mem>>)
      %dma_wait3A_123 = arith.constant 0 : i32
      %dma_wait3A_124 = tpu.memref_slice %arg11[%dma_wait3A_123] : memref<12000xf32, #tpu.memory_space<vmem>> -> memref<4000xf32, #tpu.memory_space<vmem>>
      %dma_wait3A_125 = arith.constant 0 : i32
      %dma_wait3A_126 = tpu.memref_slice %arg4[%dma_wait3A_125] : memref<3000000xf32, #tpu.memory_space<hbm>> -> memref<4000xf32, #tpu.memory_space<hbm>>
      %dma_wait3A_127 = arith.constant 0 : i32
      %dma_wait3A_128 = tpu.memref_slice %arg4[%dma_wait3A_127] : memref<3000000xf32, #tpu.memory_space<hbm>> -> memref<4000xf32, #tpu.memory_space<hbm>>
      %dma_wait3A_129 = arith.constant 0 : i32
      %dma_wait3A_130 = tpu.memref_slice %arg11[%dma_wait3A_129] : memref<12000xf32, #tpu.memory_space<vmem>> -> memref<4000xf32, #tpu.memory_space<vmem>>
      tpu.wait_dma2 semaphore(%arg17 : memref<!tpu.dma_semaphore, #tpu.memory_space<semaphore_mem>>) src(%dma_wait3A_130 : memref<4000xf32, #tpu.memory_space<vmem>>) dst(%dma_wait3A_128 : memref<4000xf32, #tpu.memory_space<hbm>>)
      %dma_wait3A_131 = arith.constant 4000 : i32
      %dma_wait3A_132 = tpu.memref_slice %arg11[%dma_wait3A_131] : memref<12000xf32, #tpu.memory_space<vmem>> -> memref<4000xf32, #tpu.memory_space<vmem>>
      %dma_wait3A_133 = arith.constant 0 : i32
      %dma_wait3A_134 = tpu.memref_slice %arg4[%dma_wait3A_133] : memref<3000000xf32, #tpu.memory_space<hbm>> -> memref<4000xf32, #tpu.memory_space<hbm>>
      %dma_wait3A_135 = arith.constant 0 : i32
      %dma_wait3A_136 = tpu.memref_slice %arg4[%dma_wait3A_135] : memref<3000000xf32, #tpu.memory_space<hbm>> -> memref<4000xf32, #tpu.memory_space<hbm>>
      %dma_wait3A_137 = arith.constant 4000 : i32
      %dma_wait3A_138 = tpu.memref_slice %arg11[%dma_wait3A_137] : memref<12000xf32, #tpu.memory_space<vmem>> -> memref<4000xf32, #tpu.memory_space<vmem>>
      tpu.wait_dma2 semaphore(%arg17 : memref<!tpu.dma_semaphore, #tpu.memory_space<semaphore_mem>>) src(%dma_wait3A_138 : memref<4000xf32, #tpu.memory_space<vmem>>) dst(%dma_wait3A_136 : memref<4000xf32, #tpu.memory_space<hbm>>)
      %dma_wait3A_139 = arith.constant 8000 : i32
      %dma_wait3A_140 = tpu.memref_slice %arg11[%dma_wait3A_139] : memref<12000xf32, #tpu.memory_space<vmem>> -> memref<4000xf32, #tpu.memory_space<vmem>>
      %dma_wait3A_141 = arith.constant 0 : i32
      %dma_wait3A_142 = tpu.memref_slice %arg4[%dma_wait3A_141] : memref<3000000xf32, #tpu.memory_space<hbm>> -> memref<4000xf32, #tpu.memory_space<hbm>>
      %dma_wait3A_143 = arith.constant 0 : i32
      %dma_wait3A_144 = tpu.memref_slice %arg4[%dma_wait3A_143] : memref<3000000xf32, #tpu.memory_space<hbm>> -> memref<4000xf32, #tpu.memory_space<hbm>>
      %dma_wait3A_145 = arith.constant 8000 : i32
      %dma_wait3A_146 = tpu.memref_slice %arg11[%dma_wait3A_145] : memref<12000xf32, #tpu.memory_space<vmem>> -> memref<4000xf32, #tpu.memory_space<vmem>>
      tpu.wait_dma2 semaphore(%arg17 : memref<!tpu.dma_semaphore, #tpu.memory_space<semaphore_mem>>) src(%dma_wait3A_146 : memref<4000xf32, #tpu.memory_space<vmem>>) dst(%dma_wait3A_144 : memref<4000xf32, #tpu.memory_space<hbm>>)
      %dma_wait3A_147 = arith.constant 0 : i32
      %dma_wait3A_148 = tpu.memref_slice %arg12[%dma_wait3A_147] : memref<12000xf32, #tpu.memory_space<vmem>> -> memref<4000xf32, #tpu.memory_space<vmem>>
      %dma_wait3A_149 = arith.constant 0 : i32
      %dma_wait3A_150 = tpu.memref_slice %arg4[%dma_wait3A_149] : memref<3000000xf32, #tpu.memory_space<hbm>> -> memref<4000xf32, #tpu.memory_space<hbm>>
      %dma_wait3A_151 = arith.constant 0 : i32
      %dma_wait3A_152 = tpu.memref_slice %arg4[%dma_wait3A_151] : memref<3000000xf32, #tpu.memory_space<hbm>> -> memref<4000xf32, #tpu.memory_space<hbm>>
      %dma_wait3A_153 = arith.constant 0 : i32
      %dma_wait3A_154 = tpu.memref_slice %arg12[%dma_wait3A_153] : memref<12000xf32, #tpu.memory_space<vmem>> -> memref<4000xf32, #tpu.memory_space<vmem>>
      tpu.wait_dma2 semaphore(%arg18 : memref<!tpu.dma_semaphore, #tpu.memory_space<semaphore_mem>>) src(%dma_wait3A_154 : memref<4000xf32, #tpu.memory_space<vmem>>) dst(%dma_wait3A_152 : memref<4000xf32, #tpu.memory_space<hbm>>)
      %dma_wait3A_155 = arith.constant 4000 : i32
      %dma_wait3A_156 = tpu.memref_slice %arg12[%dma_wait3A_155] : memref<12000xf32, #tpu.memory_space<vmem>> -> memref<4000xf32, #tpu.memory_space<vmem>>
      %dma_wait3A_157 = arith.constant 0 : i32
      %dma_wait3A_158 = tpu.memref_slice %arg4[%dma_wait3A_157] : memref<3000000xf32, #tpu.memory_space<hbm>> -> memref<4000xf32, #tpu.memory_space<hbm>>
      %dma_wait3A_159 = arith.constant 0 : i32
      %dma_wait3A_160 = tpu.memref_slice %arg4[%dma_wait3A_159] : memref<3000000xf32, #tpu.memory_space<hbm>> -> memref<4000xf32, #tpu.memory_space<hbm>>
      %dma_wait3A_161 = arith.constant 4000 : i32
      %dma_wait3A_162 = tpu.memref_slice %arg12[%dma_wait3A_161] : memref<12000xf32, #tpu.memory_space<vmem>> -> memref<4000xf32, #tpu.memory_space<vmem>>
      tpu.wait_dma2 semaphore(%arg18 : memref<!tpu.dma_semaphore, #tpu.memory_space<semaphore_mem>>) src(%dma_wait3A_162 : memref<4000xf32, #tpu.memory_space<vmem>>) dst(%dma_wait3A_160 : memref<4000xf32, #tpu.memory_space<hbm>>)
      %dma_wait3A_163 = arith.constant 8000 : i32
      %dma_wait3A_164 = tpu.memref_slice %arg12[%dma_wait3A_163] : memref<12000xf32, #tpu.memory_space<vmem>> -> memref<4000xf32, #tpu.memory_space<vmem>>
      %dma_wait3A_165 = arith.constant 0 : i32
      %dma_wait3A_166 = tpu.memref_slice %arg4[%dma_wait3A_165] : memref<3000000xf32, #tpu.memory_space<hbm>> -> memref<4000xf32, #tpu.memory_space<hbm>>
      %dma_wait3A_167 = arith.constant 0 : i32
      %dma_wait3A_168 = tpu.memref_slice %arg4[%dma_wait3A_167] : memref<3000000xf32, #tpu.memory_space<hbm>> -> memref<4000xf32, #tpu.memory_space<hbm>>
      %dma_wait3A_169 = arith.constant 8000 : i32
      %dma_wait3A_170 = tpu.memref_slice %arg12[%dma_wait3A_169] : memref<12000xf32, #tpu.memory_space<vmem>> -> memref<4000xf32, #tpu.memory_space<vmem>>
      tpu.wait_dma2 semaphore(%arg18 : memref<!tpu.dma_semaphore, #tpu.memory_space<semaphore_mem>>) src(%dma_wait3A_170 : memref<4000xf32, #tpu.memory_space<vmem>>) dst(%dma_wait3A_168 : memref<4000xf32, #tpu.memory_space<hbm>>)
      %dma_wait3A_171 = arith.constant 0 : i32
      %dma_wait3A_172 = tpu.memref_slice %arg13[%dma_wait3A_171] : memref<12000xf32, #tpu.memory_space<vmem>> -> memref<4000xf32, #tpu.memory_space<vmem>>
      %dma_wait3A_173 = arith.constant 0 : i32
      %dma_wait3A_174 = tpu.memref_slice %arg4[%dma_wait3A_173] : memref<3000000xf32, #tpu.memory_space<hbm>> -> memref<4000xf32, #tpu.memory_space<hbm>>
      %dma_wait3A_175 = arith.constant 0 : i32
      %dma_wait3A_176 = tpu.memref_slice %arg4[%dma_wait3A_175] : memref<3000000xf32, #tpu.memory_space<hbm>> -> memref<4000xf32, #tpu.memory_space<hbm>>
      %dma_wait3A_177 = arith.constant 0 : i32
      %dma_wait3A_178 = tpu.memref_slice %arg13[%dma_wait3A_177] : memref<12000xf32, #tpu.memory_space<vmem>> -> memref<4000xf32, #tpu.memory_space<vmem>>
      tpu.wait_dma2 semaphore(%arg19 : memref<!tpu.dma_semaphore, #tpu.memory_space<semaphore_mem>>) src(%dma_wait3A_178 : memref<4000xf32, #tpu.memory_space<vmem>>) dst(%dma_wait3A_176 : memref<4000xf32, #tpu.memory_space<hbm>>)
      %dma_wait3A_179 = arith.constant 4000 : i32
      %dma_wait3A_180 = tpu.memref_slice %arg13[%dma_wait3A_179] : memref<12000xf32, #tpu.memory_space<vmem>> -> memref<4000xf32, #tpu.memory_space<vmem>>
      %dma_wait3A_181 = arith.constant 0 : i32
      %dma_wait3A_182 = tpu.memref_slice %arg4[%dma_wait3A_181] : memref<3000000xf32, #tpu.memory_space<hbm>> -> memref<4000xf32, #tpu.memory_space<hbm>>
      %dma_wait3A_183 = arith.constant 0 : i32
      %dma_wait3A_184 = tpu.memref_slice %arg4[%dma_wait3A_183] : memref<3000000xf32, #tpu.memory_space<hbm>> -> memref<4000xf32, #tpu.memory_space<hbm>>
      %dma_wait3A_185 = arith.constant 4000 : i32
      %dma_wait3A_186 = tpu.memref_slice %arg13[%dma_wait3A_185] : memref<12000xf32, #tpu.memory_space<vmem>> -> memref<4000xf32, #tpu.memory_space<vmem>>
      tpu.wait_dma2 semaphore(%arg19 : memref<!tpu.dma_semaphore, #tpu.memory_space<semaphore_mem>>) src(%dma_wait3A_186 : memref<4000xf32, #tpu.memory_space<vmem>>) dst(%dma_wait3A_184 : memref<4000xf32, #tpu.memory_space<hbm>>)
      %dma_wait3A_187 = arith.constant 8000 : i32
      %dma_wait3A_188 = tpu.memref_slice %arg13[%dma_wait3A_187] : memref<12000xf32, #tpu.memory_space<vmem>> -> memref<4000xf32, #tpu.memory_space<vmem>>
      %dma_wait3A_189 = arith.constant 0 : i32
      %dma_wait3A_190 = tpu.memref_slice %arg4[%dma_wait3A_189] : memref<3000000xf32, #tpu.memory_space<hbm>> -> memref<4000xf32, #tpu.memory_space<hbm>>
      %dma_wait3A_191 = arith.constant 0 : i32
      %dma_wait3A_192 = tpu.memref_slice %arg4[%dma_wait3A_191] : memref<3000000xf32, #tpu.memory_space<hbm>> -> memref<4000xf32, #tpu.memory_space<hbm>>
      %dma_wait3A_193 = arith.constant 8000 : i32
      %dma_wait3A_194 = tpu.memref_slice %arg13[%dma_wait3A_193] : memref<12000xf32, #tpu.memory_space<vmem>> -> memref<4000xf32, #tpu.memory_space<vmem>>
      tpu.wait_dma2 semaphore(%arg19 : memref<!tpu.dma_semaphore, #tpu.memory_space<semaphore_mem>>) src(%dma_wait3A_194 : memref<4000xf32, #tpu.memory_space<vmem>>) dst(%dma_wait3A_192 : memref<4000xf32, #tpu.memory_space<hbm>>)
    } else {
    }
    %ge3A = arith.constant 250 : i32
    %ge3A_61 = arith.cmpi sge, %add3A_55, %ge3A : i32
    %convert_element_type3A_62 = arith.extui %ge3A_61 : i1 to i32
    %cond3A_63 = arith.constant 0 : i32
    %cond3A_64 = arith.cmpi ne, %convert_element_type3A_62, %cond3A_63 : i32
    scf.if %cond3A_64 {
      %dma_wait3A = arith.constant 0 : i32
      %dma_wait3A_65 = tpu.memref_slice %arg3[%dma_wait3A] : memref<6291456xf32, #tpu.memory_space<hbm>> -> memref<6291456xf32, #tpu.memory_space<hbm>>
      tpu.wait_indirect_dma semaphore(%arg16 : memref<!tpu.dma_semaphore, #tpu.memory_space<semaphore_mem>>) src(%dma_wait3A_65 : memref<6291456xf32, #tpu.memory_space<hbm>>) dst(%arg13 : memref<12000xf32, #tpu.memory_space<vmem>>)
      %add3A_66 = arith.constant 160 : i32
      %add3A_67 = arith.addi %add3A, %add3A_66 : i32
      %mul3A_68 = arith.constant 4000 : i32
      %mul3A_69 = arith.muli %add3A_67, %mul3A_68 : i32
      %add3A_70 = arith.constant 0 : i32
      %add3A_71 = arith.addi %add3A_70, %mul3A_69 : i32
      %dma_start3A = arith.constant 0 : i32
      %dma_start3A_72 = tpu.memref_slice %arg13[%dma_start3A] : memref<12000xf32, #tpu.memory_space<vmem>> -> memref<4000xf32, #tpu.memory_space<vmem>>
      %dma_start3A_73 = tpu.memref_slice %arg4[%add3A_71] : memref<3000000xf32, #tpu.memory_space<hbm>> -> memref<4000xf32, #tpu.memory_space<hbm>>
      %dma_start3A_74 = tpu.memref_slice %arg4[%add3A_71] : memref<3000000xf32, #tpu.memory_space<hbm>> -> memref<4000xf32, #tpu.memory_space<hbm>>
      %dma_start3A_75 = arith.constant 0 : i32
      %dma_start3A_76 = tpu.memref_slice %arg13[%dma_start3A_75] : memref<12000xf32, #tpu.memory_space<vmem>> -> memref<4000xf32, #tpu.memory_space<vmem>>
      tpu.enqueue_dma source(%dma_start3A_76 : memref<4000xf32, #tpu.memory_space<vmem>>) target(%dma_start3A_74 : memref<4000xf32, #tpu.memory_space<hbm>>) target_semaphore(%arg19 : memref<!tpu.dma_semaphore, #tpu.memory_space<semaphore_mem>>)
      %add3A_77 = arith.constant 1000000 : i32
      %add3A_78 = arith.addi %add3A_77, %mul3A_69 : i32
      %dma_start3A_79 = arith.constant 4000 : i32
      %dma_start3A_80 = tpu.memref_slice %arg13[%dma_start3A_79] : memref<12000xf32, #tpu.memory_space<vmem>> -> memref<4000xf32, #tpu.memory_space<vmem>>
      %dma_start3A_81 = tpu.memref_slice %arg4[%add3A_78] : memref<3000000xf32, #tpu.memory_space<hbm>> -> memref<4000xf32, #tpu.memory_space<hbm>>
      %dma_start3A_82 = tpu.memref_slice %arg4[%add3A_78] : memref<3000000xf32, #tpu.memory_space<hbm>> -> memref<4000xf32, #tpu.memory_space<hbm>>
      %dma_start3A_83 = arith.constant 4000 : i32
      %dma_start3A_84 = tpu.memref_slice %arg13[%dma_start3A_83] : memref<12000xf32, #tpu.memory_space<vmem>> -> memref<4000xf32, #tpu.memory_space<vmem>>
      tpu.enqueue_dma source(%dma_start3A_84 : memref<4000xf32, #tpu.memory_space<vmem>>) target(%dma_start3A_82 : memref<4000xf32, #tpu.memory_space<hbm>>) target_semaphore(%arg19 : memref<!tpu.dma_semaphore, #tpu.memory_space<semaphore_mem>>)
      %add3A_85 = arith.constant 2000000 : i32
      %add3A_86 = arith.addi %add3A_85, %mul3A_69 : i32
      %dma_start3A_87 = arith.constant 8000 : i32
      %dma_start3A_88 = tpu.memref_slice %arg13[%dma_start3A_87] : memref<12000xf32, #tpu.memory_space<vmem>> -> memref<4000xf32, #tpu.memory_space<vmem>>
      %dma_start3A_89 = tpu.memref_slice %arg4[%add3A_86] : memref<3000000xf32, #tpu.memory_space<hbm>> -> memref<4000xf32, #tpu.memory_space<hbm>>
      %dma_start3A_90 = tpu.memref_slice %arg4[%add3A_86] : memref<3000000xf32, #tpu.memory_space<hbm>> -> memref<4000xf32, #tpu.memory_space<hbm>>
      %dma_start3A_91 = arith.constant 8000 : i32
      %dma_start3A_92 = tpu.memref_slice %arg13[%dma_start3A_91] : memref<12000xf32, #tpu.memory_space<vmem>> -> memref<4000xf32, #tpu.memory_space<vmem>>
      tpu.enqueue_dma source(%dma_start3A_92 : memref<4000xf32, #tpu.memory_space<vmem>>) target(%dma_start3A_90 : memref<4000xf32, #tpu.memory_space<hbm>>) target_semaphore(%arg19 : memref<!tpu.dma_semaphore, #tpu.memory_space<semaphore_mem>>)
      %dma_wait3A_93 = arith.constant 0 : i32
      %dma_wait3A_94 = tpu.memref_slice %arg3[%dma_wait3A_93] : memref<6291456xf32, #tpu.memory_space<hbm>> -> memref<6291456xf32, #tpu.memory_space<hbm>>
      tpu.wait_indirect_dma semaphore(%arg14 : memref<!tpu.dma_semaphore, #tpu.memory_space<semaphore_mem>>) src(%dma_wait3A_94 : memref<6291456xf32, #tpu.memory_space<hbm>>) dst(%arg11 : memref<12000xf32, #tpu.memory_space<vmem>>)
      %add3A_95 = arith.constant 192 : i32
      %add3A_96 = arith.addi %add3A, %add3A_95 : i32
      %mul3A_97 = arith.constant 4000 : i32
      %mul3A_98 = arith.muli %add3A_96, %mul3A_97 : i32
      %add3A_99 = arith.constant 0 : i32
      %add3A_100 = arith.addi %add3A_99, %mul3A_98 : i32
      %dma_start3A_101 = arith.constant 0 : i32
      %dma_start3A_102 = tpu.memref_slice %arg11[%dma_start3A_101] : memref<12000xf32, #tpu.memory_space<vmem>> -> memref<4000xf32, #tpu.memory_space<vmem>>
      %dma_start3A_103 = tpu.memref_slice %arg4[%add3A_100] : memref<3000000xf32, #tpu.memory_space<hbm>> -> memref<4000xf32, #tpu.memory_space<hbm>>
      %dma_start3A_104 = tpu.memref_slice %arg4[%add3A_100] : memref<3000000xf32, #tpu.memory_space<hbm>> -> memref<4000xf32, #tpu.memory_space<hbm>>
      %dma_start3A_105 = arith.constant 0 : i32
      %dma_start3A_106 = tpu.memref_slice %arg11[%dma_start3A_105] : memref<12000xf32, #tpu.memory_space<vmem>> -> memref<4000xf32, #tpu.memory_space<vmem>>
      tpu.enqueue_dma source(%dma_start3A_106 : memref<4000xf32, #tpu.memory_space<vmem>>) target(%dma_start3A_104 : memref<4000xf32, #tpu.memory_space<hbm>>) target_semaphore(%arg17 : memref<!tpu.dma_semaphore, #tpu.memory_space<semaphore_mem>>)
      %add3A_107 = arith.constant 1000000 : i32
      %add3A_108 = arith.addi %add3A_107, %mul3A_98 : i32
      %dma_start3A_109 = arith.constant 4000 : i32
      %dma_start3A_110 = tpu.memref_slice %arg11[%dma_start3A_109] : memref<12000xf32, #tpu.memory_space<vmem>> -> memref<4000xf32, #tpu.memory_space<vmem>>
      %dma_start3A_111 = tpu.memref_slice %arg4[%add3A_108] : memref<3000000xf32, #tpu.memory_space<hbm>> -> memref<4000xf32, #tpu.memory_space<hbm>>
      %dma_start3A_112 = tpu.memref_slice %arg4[%add3A_108] : memref<3000000xf32, #tpu.memory_space<hbm>> -> memref<4000xf32, #tpu.memory_space<hbm>>
      %dma_start3A_113 = arith.constant 4000 : i32
      %dma_start3A_114 = tpu.memref_slice %arg11[%dma_start3A_113] : memref<12000xf32, #tpu.memory_space<vmem>> -> memref<4000xf32, #tpu.memory_space<vmem>>
      tpu.enqueue_dma source(%dma_start3A_114 : memref<4000xf32, #tpu.memory_space<vmem>>) target(%dma_start3A_112 : memref<4000xf32, #tpu.memory_space<hbm>>) target_semaphore(%arg17 : memref<!tpu.dma_semaphore, #tpu.memory_space<semaphore_mem>>)
      %add3A_115 = arith.constant 2000000 : i32
      %add3A_116 = arith.addi %add3A_115, %mul3A_98 : i32
      %dma_start3A_117 = arith.constant 8000 : i32
      %dma_start3A_118 = tpu.memref_slice %arg11[%dma_start3A_117] : memref<12000xf32, #tpu.memory_space<vmem>> -> memref<4000xf32, #tpu.memory_space<vmem>>
      %dma_start3A_119 = tpu.memref_slice %arg4[%add3A_116] : memref<3000000xf32, #tpu.memory_space<hbm>> -> memref<4000xf32, #tpu.memory_space<hbm>>
      %dma_start3A_120 = tpu.memref_slice %arg4[%add3A_116] : memref<3000000xf32, #tpu.memory_space<hbm>> -> memref<4000xf32, #tpu.memory_space<hbm>>
      %dma_start3A_121 = arith.constant 8000 : i32
      %dma_start3A_122 = tpu.memref_slice %arg11[%dma_start3A_121] : memref<12000xf32, #tpu.memory_space<vmem>> -> memref<4000xf32, #tpu.memory_space<vmem>>
      tpu.enqueue_dma source(%dma_start3A_122 : memref<4000xf32, #tpu.memory_space<vmem>>) target(%dma_start3A_120 : memref<4000xf32, #tpu.memory_space<hbm>>) target_semaphore(%arg17 : memref<!tpu.dma_semaphore, #tpu.memory_space<semaphore_mem>>)
      %dma_wait3A_123 = arith.constant 0 : i32
      %dma_wait3A_124 = tpu.memref_slice %arg11[%dma_wait3A_123] : memref<12000xf32, #tpu.memory_space<vmem>> -> memref<4000xf32, #tpu.memory_space<vmem>>
      %dma_wait3A_125 = arith.constant 0 : i32
      %dma_wait3A_126 = tpu.memref_slice %arg4[%dma_wait3A_125] : memref<3000000xf32, #tpu.memory_space<hbm>> -> memref<4000xf32, #tpu.memory_space<hbm>>
      %dma_wait3A_127 = arith.constant 0 : i32
      %dma_wait3A_128 = tpu.memref_slice %arg4[%dma_wait3A_127] : memref<3000000xf32, #tpu.memory_space<hbm>> -> memref<4000xf32, #tpu.memory_space<hbm>>
      %dma_wait3A_129 = arith.constant 0 : i32
      %dma_wait3A_130 = tpu.memref_slice %arg11[%dma_wait3A_129] : memref<12000xf32, #tpu.memory_space<vmem>> -> memref<4000xf32, #tpu.memory_space<vmem>>
      tpu.wait_dma2 semaphore(%arg17 : memref<!tpu.dma_semaphore, #tpu.memory_space<semaphore_mem>>) src(%dma_wait3A_130 : memref<4000xf32, #tpu.memory_space<vmem>>) dst(%dma_wait3A_128 : memref<4000xf32, #tpu.memory_space<hbm>>)
      %dma_wait3A_131 = arith.constant 4000 : i32
      %dma_wait3A_132 = tpu.memref_slice %arg11[%dma_wait3A_131] : memref<12000xf32, #tpu.memory_space<vmem>> -> memref<4000xf32, #tpu.memory_space<vmem>>
      %dma_wait3A_133 = arith.constant 0 : i32
      %dma_wait3A_134 = tpu.memref_slice %arg4[%dma_wait3A_133] : memref<3000000xf32, #tpu.memory_space<hbm>> -> memref<4000xf32, #tpu.memory_space<hbm>>
      %dma_wait3A_135 = arith.constant 0 : i32
      %dma_wait3A_136 = tpu.memref_slice %arg4[%dma_wait3A_135] : memref<3000000xf32, #tpu.memory_space<hbm>> -> memref<4000xf32, #tpu.memory_space<hbm>>
      %dma_wait3A_137 = arith.constant 4000 : i32
      %dma_wait3A_138 = tpu.memref_slice %arg11[%dma_wait3A_137] : memref<12000xf32, #tpu.memory_space<vmem>> -> memref<4000xf32, #tpu.memory_space<vmem>>
      tpu.wait_dma2 semaphore(%arg17 : memref<!tpu.dma_semaphore, #tpu.memory_space<semaphore_mem>>) src(%dma_wait3A_138 : memref<4000xf32, #tpu.memory_space<vmem>>) dst(%dma_wait3A_136 : memref<4000xf32, #tpu.memory_space<hbm>>)
      %dma_wait3A_139 = arith.constant 8000 : i32
      %dma_wait3A_140 = tpu.memref_slice %arg11[%dma_wait3A_139] : memref<12000xf32, #tpu.memory_space<vmem>> -> memref<4000xf32, #tpu.memory_space<vmem>>
      %dma_wait3A_141 = arith.constant 0 : i32
      %dma_wait3A_142 = tpu.memref_slice %arg4[%dma_wait3A_141] : memref<3000000xf32, #tpu.memory_space<hbm>> -> memref<4000xf32, #tpu.memory_space<hbm>>
      %dma_wait3A_143 = arith.constant 0 : i32
      %dma_wait3A_144 = tpu.memref_slice %arg4[%dma_wait3A_143] : memref<3000000xf32, #tpu.memory_space<hbm>> -> memref<4000xf32, #tpu.memory_space<hbm>>
      %dma_wait3A_145 = arith.constant 8000 : i32
      %dma_wait3A_146 = tpu.memref_slice %arg11[%dma_wait3A_145] : memref<12000xf32, #tpu.memory_space<vmem>> -> memref<4000xf32, #tpu.memory_space<vmem>>
      tpu.wait_dma2 semaphore(%arg17 : memref<!tpu.dma_semaphore, #tpu.memory_space<semaphore_mem>>) src(%dma_wait3A_146 : memref<4000xf32, #tpu.memory_space<vmem>>) dst(%dma_wait3A_144 : memref<4000xf32, #tpu.memory_space<hbm>>)
      %dma_wait3A_147 = arith.constant 0 : i32
      %dma_wait3A_148 = tpu.memref_slice %arg12[%dma_wait3A_147] : memref<12000xf32, #tpu.memory_space<vmem>> -> memref<4000xf32, #tpu.memory_space<vmem>>
      %dma_wait3A_149 = arith.constant 0 : i32
      %dma_wait3A_150 = tpu.memref_slice %arg4[%dma_wait3A_149] : memref<3000000xf32, #tpu.memory_space<hbm>> -> memref<4000xf32, #tpu.memory_space<hbm>>
      %dma_wait3A_151 = arith.constant 0 : i32
      %dma_wait3A_152 = tpu.memref_slice %arg4[%dma_wait3A_151] : memref<3000000xf32, #tpu.memory_space<hbm>> -> memref<4000xf32, #tpu.memory_space<hbm>>
      %dma_wait3A_153 = arith.constant 0 : i32
      %dma_wait3A_154 = tpu.memref_slice %arg12[%dma_wait3A_153] : memref<12000xf32, #tpu.memory_space<vmem>> -> memref<4000xf32, #tpu.memory_space<vmem>>
      tpu.wait_dma2 semaphore(%arg18 : memref<!tpu.dma_semaphore, #tpu.memory_space<semaphore_mem>>) src(%dma_wait3A_154 : memref<4000xf32, #tpu.memory_space<vmem>>) dst(%dma_wait3A_152 : memref<4000xf32, #tpu.memory_space<hbm>>)
      %dma_wait3A_155 = arith.constant 4000 : i32
      %dma_wait3A_156 = tpu.memref_slice %arg12[%dma_wait3A_155] : memref<12000xf32, #tpu.memory_space<vmem>> -> memref<4000xf32, #tpu.memory_space<vmem>>
      %dma_wait3A_157 = arith.constant 0 : i32
      %dma_wait3A_158 = tpu.memref_slice %arg4[%dma_wait3A_157] : memref<3000000xf32, #tpu.memory_space<hbm>> -> memref<4000xf32, #tpu.memory_space<hbm>>
      %dma_wait3A_159 = arith.constant 0 : i32
      %dma_wait3A_160 = tpu.memref_slice %arg4[%dma_wait3A_159] : memref<3000000xf32, #tpu.memory_space<hbm>> -> memref<4000xf32, #tpu.memory_space<hbm>>
      %dma_wait3A_161 = arith.constant 4000 : i32
      %dma_wait3A_162 = tpu.memref_slice %arg12[%dma_wait3A_161] : memref<12000xf32, #tpu.memory_space<vmem>> -> memref<4000xf32, #tpu.memory_space<vmem>>
      tpu.wait_dma2 semaphore(%arg18 : memref<!tpu.dma_semaphore, #tpu.memory_space<semaphore_mem>>) src(%dma_wait3A_162 : memref<4000xf32, #tpu.memory_space<vmem>>) dst(%dma_wait3A_160 : memref<4000xf32, #tpu.memory_space<hbm>>)
      %dma_wait3A_163 = arith.constant 8000 : i32
      %dma_wait3A_164 = tpu.memref_slice %arg12[%dma_wait3A_163] : memref<12000xf32, #tpu.memory_space<vmem>> -> memref<4000xf32, #tpu.memory_space<vmem>>
      %dma_wait3A_165 = arith.constant 0 : i32
      %dma_wait3A_166 = tpu.memref_slice %arg4[%dma_wait3A_165] : memref<3000000xf32, #tpu.memory_space<hbm>> -> memref<4000xf32, #tpu.memory_space<hbm>>
      %dma_wait3A_167 = arith.constant 0 : i32
      %dma_wait3A_168 = tpu.memref_slice %arg4[%dma_wait3A_167] : memref<3000000xf32, #tpu.memory_space<hbm>> -> memref<4000xf32, #tpu.memory_space<hbm>>
      %dma_wait3A_169 = arith.constant 8000 : i32
      %dma_wait3A_170 = tpu.memref_slice %arg12[%dma_wait3A_169] : memref<12000xf32, #tpu.memory_space<vmem>> -> memref<4000xf32, #tpu.memory_space<vmem>>
      tpu.wait_dma2 semaphore(%arg18 : memref<!tpu.dma_semaphore, #tpu.memory_space<semaphore_mem>>) src(%dma_wait3A_170 : memref<4000xf32, #tpu.memory_space<vmem>>) dst(%dma_wait3A_168 : memref<4000xf32, #tpu.memory_space<hbm>>)
      %dma_wait3A_171 = arith.constant 0 : i32
      %dma_wait3A_172 = tpu.memref_slice %arg13[%dma_wait3A_171] : memref<12000xf32, #tpu.memory_space<vmem>> -> memref<4000xf32, #tpu.memory_space<vmem>>
      %dma_wait3A_173 = arith.constant 0 : i32
      %dma_wait3A_174 = tpu.memref_slice %arg4[%dma_wait3A_173] : memref<3000000xf32, #tpu.memory_space<hbm>> -> memref<4000xf32, #tpu.memory_space<hbm>>
      %dma_wait3A_175 = arith.constant 0 : i32
      %dma_wait3A_176 = tpu.memref_slice %arg4[%dma_wait3A_175] : memref<3000000xf32, #tpu.memory_space<hbm>> -> memref<4000xf32, #tpu.memory_space<hbm>>
      %dma_wait3A_177 = arith.constant 0 : i32
      %dma_wait3A_178 = tpu.memref_slice %arg13[%dma_wait3A_177] : memref<12000xf32, #tpu.memory_space<vmem>> -> memref<4000xf32, #tpu.memory_space<vmem>>
      tpu.wait_dma2 semaphore(%arg19 : memref<!tpu.dma_semaphore, #tpu.memory_space<semaphore_mem>>) src(%dma_wait3A_178 : memref<4000xf32, #tpu.memory_space<vmem>>) dst(%dma_wait3A_176 : memref<4000xf32, #tpu.memory_space<hbm>>)
      %dma_wait3A_179 = arith.constant 4000 : i32
      %dma_wait3A_180 = tpu.memref_slice %arg13[%dma_wait3A_179] : memref<12000xf32, #tpu.memory_space<vmem>> -> memref<4000xf32, #tpu.memory_space<vmem>>
      %dma_wait3A_181 = arith.constant 0 : i32
      %dma_wait3A_182 = tpu.memref_slice %arg4[%dma_wait3A_181] : memref<3000000xf32, #tpu.memory_space<hbm>> -> memref<4000xf32, #tpu.memory_space<hbm>>
      %dma_wait3A_183 = arith.constant 0 : i32
      %dma_wait3A_184 = tpu.memref_slice %arg4[%dma_wait3A_183] : memref<3000000xf32, #tpu.memory_space<hbm>> -> memref<4000xf32, #tpu.memory_space<hbm>>
      %dma_wait3A_185 = arith.constant 4000 : i32
      %dma_wait3A_186 = tpu.memref_slice %arg13[%dma_wait3A_185] : memref<12000xf32, #tpu.memory_space<vmem>> -> memref<4000xf32, #tpu.memory_space<vmem>>
      tpu.wait_dma2 semaphore(%arg19 : memref<!tpu.dma_semaphore, #tpu.memory_space<semaphore_mem>>) src(%dma_wait3A_186 : memref<4000xf32, #tpu.memory_space<vmem>>) dst(%dma_wait3A_184 : memref<4000xf32, #tpu.memory_space<hbm>>)
      %dma_wait3A_187 = arith.constant 8000 : i32
      %dma_wait3A_188 = tpu.memref_slice %arg13[%dma_wait3A_187] : memref<12000xf32, #tpu.memory_space<vmem>> -> memref<4000xf32, #tpu.memory_space<vmem>>
      %dma_wait3A_189 = arith.constant 0 : i32
      %dma_wait3A_190 = tpu.memref_slice %arg4[%dma_wait3A_189] : memref<3000000xf32, #tpu.memory_space<hbm>> -> memref<4000xf32, #tpu.memory_space<hbm>>
      %dma_wait3A_191 = arith.constant 0 : i32
      %dma_wait3A_192 = tpu.memref_slice %arg4[%dma_wait3A_191] : memref<3000000xf32, #tpu.memory_space<hbm>> -> memref<4000xf32, #tpu.memory_space<hbm>>
      %dma_wait3A_193 = arith.constant 8000 : i32
      %dma_wait3A_194 = tpu.memref_slice %arg13[%dma_wait3A_193] : memref<12000xf32, #tpu.memory_space<vmem>> -> memref<4000xf32, #tpu.memory_space<vmem>>
      tpu.wait_dma2 semaphore(%arg19 : memref<!tpu.dma_semaphore, #tpu.memory_space<semaphore_mem>>) src(%dma_wait3A_194 : memref<4000xf32, #tpu.memory_space<vmem>>) dst(%dma_wait3A_192 : memref<4000xf32, #tpu.memory_space<hbm>>)
    } else {
    }
    return
  }
}

</mosaic_0001>

<sc_bundles>
// kernel: kernel.3.cloned.1.call-start
scs
__scs_entry_jumppad:
0x0: {  	(pc) =	sbr.rel $0x88, $3  }
0x1: {  	(tag) =	ssettag $0x0;
	lr =	simm.s32 $0x1  }
0x2: {  	[smem:$0x3F9F] =	sst lr;
	_ =	strace $0xD0000000  }
0x3: {  	_ = 	snop  }
0x4: {  	_ = 	snop  }
0x5: {  	_ = 	snop  }
0x6: {  	_ = 	snop  }
0x7: {  	_ = 	snop  }
__scs_overlays_trampoline_lowered:
0x8: {  	[smem:$0x3FAE] =	sst s0  }
0x9: {  	[smem:$0x3FAF] =	sst s1  }
0xa: {  	[smem:$0x3FB0] =	sst s2  }
0xb: {  	[smem:$0x3FB1] =	sst s3  }
0xc: {  	[smem:$0x3FB2] =	sst s4  }
0xd: {  	[smem:$0x3FB3] =	sst s5  }
0xe: {  	[smem:$0x3FB4] =	sst s6  }
0xf: {  	[smem:$0x3FB5] =	sst s7  }
0x10: {  	[smem:$0x3FB6] =	sst s8  }
0x11: {  	[smem:$0x3FB7] =	sst s9;
	s0 =	simm.s32 @!p0 $0x0  }
0x12: {  	s1 =	sld [smem:$0x3F9D];
	s0 =	simm.s32 @p0 $0x1  }
0x13: {  	[smem:$0x3FB8] =	sst s0;
	s0 =	simm.s32 @!p1 $0x0  }
0x14: {  	s2 =	sld [smem:$0x3F9C];
	s0 =	simm.s32 @p1 $0x1  }
0x15: {  	[smem:$0x3FB9] =	sst s0;
	s0 =	simm.s32 @!p2 $0x0  }
0x16: {  	s3 =	sld [smem:$0x3FDB];
	s0 =	simm.s32 @p2 $0x1  }
0x17: {  	s4 =	simm.s32 $0x1BF5;
	[smem:$0x3FBB] =	sst s0  }
0x18: {  	s0 =	sld [smem:$0x3F9E];
	_ =	swait.ge [sflag:s4], $0x0  }
0x19: {  	s7 =	sld [smem:$0x3F9F]  }
0x1a: {  	s8 =	sadd.s32 $0xFFFFE003, lr  }
0x1b: {  	s9 =	sadd.s32 $0xFFFFFEF7, lr;
	s5 =	simm.s32 $0xFFFFFFFF;
	p2 =	slt.u32 s8, $0xFFFFF086  }
0x1c: {  	p1 =	slt.u32 s9, $0xF7A;
	s5 =	simm.s32 @!p2 $0x0  }
0x1d: {  	s5 =	simm.s32 @p1 $0x1;
	p0 =	seq.s32 s7, s2  }
0x1e: {  	s7 =	smul.u32 @!p0 $0xF7A, s2;
	p2 =	seq.s32 @!p0 s5, $0x0  }
0x1f: {  	s9 =	smul.u32 $0xF7A, s1;
	s8 =	simm.s32 @!p0 $0x1BF5;
	p2 =	por !p2, p0  }
0x20: {  	[sflag:s8] =	ssyncset.s32 @!p0 $0xFFFFF086;
	s6 =	sadd.s32 @!p0 s3, s7;
	s7 =	simm.s32 @!p0 $0x108  }
0x21: {  	s3 =	sadd.s32 s3, s9;
	s6 =	sadd.s32 @!p0 $0x88, s6;
	s7 =	simm.s32 @p2 $0x1082  }
0x22: {  	[simem:s7], [sflag:s8] =	dma.local @!p0 [hbm:s6], $0xF7A  }
0x23: {  	s9 =	sor.u32 $0xD0000000, s2;
	s6 =	simm.s32 $0x108;
	_ =	swait.ge @!p0 [sflag:s8], $0x0  }
0x24: {  	s3 =	sadd.s32 $0x88, s3;
	s6 =	simm.s32 @!p1 $0x1082;
	[sflag:s4] =	ssyncset.s32 $0xFFFFF086  }
0x25: {  	[simem:s6], [sflag:s4] =	dma.local [hbm:s3], $0xF7A  }
0x26: {  	[smem:$0x3F9F] =	sst s1;
	(tag) =	ssettag s2;
	_ =	strace s9  }
0x27: {  	s1 =	sld [smem:$0x3FAF]  }
0x28: {  	s2 =	sld [smem:$0x3FB0]  }
0x29: {  	s4 =	sld [smem:$0x3FB2]  }
0x2a: {  	p0 =	seq.s32 s5, $0x0;
	s5 =	sld [smem:$0x3FB3]  }
0x2b: {  	s6 =	sld [smem:$0x3FB4]  }
0x2c: {  	s7 =	sld [smem:$0x3FB5]  }
0x2d: {  	s3 =	simm.s32 $0x108;
	s8 =	sld [smem:$0x3FB6]  }
0x2e: {  	s3 =	simm.s32 @!p0 $0x1082;
	s9 =	sld [smem:$0x3FB7]  }
0x2f: {  	lr =	sadd.s32 s0, s3;
	s0 =	sld [smem:$0x3FAE]  }
0x30: {  	s3 =	sld [smem:$0x3FB1]  }
0x31: {  	[smem:$0x3FBA] =	sst s10  }
0x32: {  	s10 =	sld [smem:$0x3FB8];
	_ =	sdelay $0x3  }
0x33: {  	p0 =	seq.s32 s10, $0x1;
	s10 =	sld [smem:$0x3FBA];
	_ =	sdelay $0x3  }
0x34: {  	[smem:$0x3FBA] =	sst s10  }
0x35: {  	s10 =	sld [smem:$0x3FB9];
	_ =	sdelay $0x3  }
0x36: {  	p1 =	seq.s32 s10, $0x1;
	s10 =	sld [smem:$0x3FBA];
	_ =	sdelay $0x3  }
0x37: {  	[smem:$0x3FBA] =	sst s10  }
0x38: {  	s10 =	sld [smem:$0x3FBB]  }
0x39: {  	_ = 	snop;
	(pc) =	sbr.ind lr, $3  }
0x3a: {  	_ = 	snop  }
0x3b: {  	_ = 	snop  }
0x3c: {  	p2 =	seq.s32 s10, $0x1;
	s10 =	sld [smem:$0x3FBA]  }
0x3d: {  	_ =	shalt  }
0x3e: {  	_ =	shalt  }
0x3f: {  	_ =	shalt  }
0x40: {  	_ =	shalt  }
0x41: {  	_ =	shalt  }
0x42: {  	_ =	shalt  }
0x43: {  	_ =	shalt  }
0x44: {  	_ =	shalt  }
0x45: {  	_ =	shalt  }
0x46: {  	_ =	shalt  }
0x47: {  	_ =	shalt  }
0x48: {  	_ =	shalt  }
0x49: {  	_ =	shalt  }
0x4a: {  	_ =	shalt  }
0x4b: {  	_ =	shalt  }
0x4c: {  	_ =	shalt  }
0x4d: {  	_ =	shalt  }
0x4e: {  	_ =	shalt  }
0x4f: {  	_ =	shalt  }
0x50: {  	_ =	shalt  }
0x51: {  	_ =	shalt  }
0x52: {  	_ =	shalt  }
0x53: {  	_ =	shalt  }
0x54: {  	_ =	shalt  }
0x55: {  	_ =	shalt  }
0x56: {  	_ =	shalt  }
0x57: {  	_ =	shalt  }
0x58: {  	_ =	shalt  }
0x59: {  	_ =	shalt  }
0x5a: {  	_ =	shalt  }
0x5b: {  	_ =	shalt  }
0x5c: {  	_ =	shalt  }
0x5d: {  	_ =	shalt  }
0x5e: {  	_ =	shalt  }
0x5f: {  	_ =	shalt  }
0x60: {  	_ =	shalt  }
0x61: {  	_ =	shalt  }
0x62: {  	_ =	shalt  }
0x63: {  	_ =	shalt  }
0x64: {  	_ =	shalt  }
0x65: {  	_ =	shalt  }
0x66: {  	_ =	shalt  }
0x67: {  	_ =	shalt  }
0x68: {  	_ =	shalt  }
0x69: {  	_ =	shalt  }
0x6a: {  	_ =	shalt  }
0x6b: {  	_ =	shalt  }
0x6c: {  	_ =	shalt  }
0x6d: {  	_ =	shalt  }
0x6e: {  	_ =	shalt  }
0x6f: {  	_ =	shalt  }
0x70: {  	_ =	shalt  }
0x71: {  	_ =	shalt  }
0x72: {  	_ =	shalt  }
0x73: {  	_ =	shalt  }
0x74: {  	_ =	shalt  }
0x75: {  	_ =	shalt  }
0x76: {  	_ =	shalt  }
0x77: {  	_ =	shalt  }
0x78: {  	_ =	shalt  }
0x79: {  	_ =	shalt  }
0x7a: {  	_ =	shalt  }
0x7b: {  	_ =	shalt  }
0x7c: {  	_ =	shalt  }
0x7d: {  	_ =	shalt  }
0x7e: {  	_ =	shalt  }
0x7f: {  	_ =	shalt  }
0x80: {  	_ =	shalt  }
0x81: {  	_ =	shalt  }
0x82: {  	_ =	shalt  }
0x83: {  	_ =	shalt  }
0x84: {  	_ =	shalt  }
0x85: {  	_ =	shalt  }
0x86: {  	_ =	shalt  }
0x87: {  	_ =	shalt  }
.Lfunc_end0:
.L_simem_size_0:
called_computation_lowered:
.L_overlay_start_0:
0x88: {  	s2 =	sld [smem:$0x3FD9]  }
0x89: {  	s3 =	sld [smem:$0x3FFE];
	_ =	sdelay $0x1  }
0x8a: {  	s1 =	srdreg.scid  }
0x8b: {  	s0 =	sand.u32 $0x1, s1  }
0x8c: {  	s17 =	sshll.u32 s0, $0xA;
	s2 =	sadd.s32 s3, s2  }
0x8d: {  	s2 =	sadd.s32 s2, s17  }
0x8e: {  	[smem:$0x3FC6] =	sst s2  }
0x8f: {  	_ = 	snop  }
0x90: {  	s2 =	sld [smem:$0x3FC8]  }
0x91: {  	s18 =	sld [smem:$0x3FD0];
	(tm) =	ssettm $0x1  }
0x92: {  	s4 =	sld [smem:$0x3FFB];
	_ =	sdelay $0x3  }
0x93: {  	_ =	strace s4  }
0x94: {  	s4 =	sld [smem:$0x3FFC];
	_ =	sdelay $0x3  }
0x95: {  	_ =	strace s4  }
0x96: {  	s4 =	sld [smem:$0x3FFD];
	_ =	sdelay $0x3  }
0x97: {  	_ =	strace s4  }
0x98: {  	_ =	strace $0x8FFFFFFF  }
0x99: {  	s19 =	sld [smem:$0x3FDB];
	_ =	sdelay $0x1  }
0x9a: {  	s5 =	simm.s32 $_scs_section_size  }
0x9b: {  	s6 =	simm.s32 $_size__tile_overlayer_lowered;
	s7 =	simm.s32 $_tile_overlayer_lowered  }
0x9c: {  	s22 =	simm.s32 $0x1BFF;
	s21 =	sshll.u32 s7, $0x1;
	s4 =	sadd.s32 s5, s19  }
0x9d: {  	s8 =	simm.s32 $0x0;
	s20 =	sshll.u32 s6, $0x1;
	s6 =	sadd.s32 s21, s4  }
0x9e: {  	[timem:s8], [sflag:s22] =	dma.local [hbm:s6], s20  }
0x9f: {  	_ =	swait.ge [sflag:s22], s20  }
0xa0: {  	s5 =	ssub.s32 $0x0, s20;
	[sflag:s22] =	ssyncset.done $0x0  }
0xa1: {  	[sflag:s22] =	ssyncadd.s32 s5;
	_ =	sdelay $0x1  }
0xa2: {  	s23 =	simm.s32 $0x1B8B  }
0xa3: {  	_ =	swait.ge [sflag:s23], $0x1  }
0xa4: {  	[sflag:s23] =	ssyncset.done $0x0  }
0xa5: {  	s25 =	simm.s32 $0x1B8E;
	s24 =	sld [smem:$0x3FFE];
	[sflag:s23] =	ssyncadd.s32 $0xFFFFFFFF  }
0xa6: {  	s26 =	simm.s32 $execute0_lowered;
	[smem:$0x3FD2] =	sst s25  }
0xa7: {  	s6 =	sshll.u32 s26, $0x1;
	_ =	strace $0x80000046;
	[dreg:$0x1] =	wrdreg $0xFFFFFFFF  }
0xa8: {  	s28 =	simm.s32 $_size_execute0_lowered;
	s4 =	sadd.s32 s4, s6;
	[dreg:$0x0] =	wrdreg $0x0  }
0xa9: {  	s6 =	sshll.u32 s28, $0x1;
	[dreg:$0x2] =	wrdreg s4  }
0xaa: {  	[dreg:$0x3] =	wrdreg s6  }
0xab: {  	[dreg:$0x4] =	wrdreg $0xC0  }
0xac: {  	_ =	task [dreg:s8], $0x5FFFF  }
0xad: {  	[dreg:$0x1] =	wrdreg $0xFFFFFFFF  }
0xae: {  	[dreg:$0x0] =	wrdreg $0x60  }
0xaf: {  	[dreg:$0x2] =	wrdreg s18  }
0xb0: {  	[dreg:$0x3] =	wrdreg s2  }
0xb1: {  	[dreg:$0x4] =	wrdreg s24  }
0xb2: {  	[dreg:$0x5] =	wrdreg $0x9  }
0xb3: {  	_ =	task.clear_ibuf [dreg:s8], $0x6FFFF;
	_ =	strace $0x90000046  }
0xb4: {  	s29 =	simm.s32 $0x9;
	_ =	strace $0x80000048  }
0xb5: {  	_ =	swait.ge [sflag:s29], $0x1  }
0xb6: {  	[sflag:s29] =	ssyncadd.s32 $0xFFFFFFFF  }
0xb7: {  	_ =	strace $0x90000048  }
0xb8: {  	_ =	sfence  }
0xb9: {  	s30 =	sld [smem:$0x0];
	_ =	sdelay $0x2  }
0xba: {  	s31 =	sshll.u32 s1, $0xD;
	s1 =	sshrl.u32 s1, $0x2  }
0xbb: {  	s3 =	sand.u32 $0x4000, s31;
	s1 =	sadd.s32 s1, s30  }
0xbc: {  	s0 =	sor.u32 s3, s0;
	s1 =	sshll.u32 s1, $0x11  }
0xbd: {  	s0 =	sor.u32 s1, s0  }
0xbe: {  	s0 =	sadd.s32 $0x8F2B, s0  }
0xbf: {  	[sflag:s0] =	ssyncadd.remote.s32 $0x1  }
0xc0: {  	_ =	sfence.sel $0xFFFF  }
0xc1: {  	[dreg:$0x0] =	wrdreg $0xFFFFFFFF;
	(pc) =	sbr.abs _section_cstart, $3  }
0xc2: {  	[dreg:$0x1] =	wrdreg $0xFFFFFFFF  }
0xc3: {  	_ =	task.clear_ibuf [dreg:s8], $0x2FFFF;
	_ =	strace $0x9FFFFFFF  }
0xc4: {  	(tm) =	ssettm $0x7FFFFFFF  }
0xc5: {  	_ =	shalt  }
tec
execute0_lowered:
.L_overlay_start_1:
0x0: {  	(tag) =	ssettag $0x1  }
0x1: {  	s0 =	srdreg.scid;
	s13 =	stileid.u32  }
0x2: {  	s2 =	sand.u32 $0x1, s0;
	s16 =	sshll.u32 s13, $0x1  }
0x3: {  	s1 =	sor.u32 s2, s16  }
0x4: {  	s3 =	smul.u32 $0xFA0, s1  }
0x5: {  	s5 =	rddreg [dreg:$0x2]  }
0x6: {  	s0 =	rddreg [dreg:$0x0];
	s6 =	ssub.s32 $0x2, s2;
	s4 =	sshrl.u32 s3, $0x3  }
0x7: {  	s2 =	sadd.s32 $0x400, s5;
	s1 =	simm.s32 $0x0;
	s18 =	sadd.s32 $0x1E848, s4  }
0x8: {  	[smem:$0x7FF] =	sst s1;
	s20 =	sadd.s32 $0x3D090, s4;
	s19 =	sadd.s32 s0, s18  }
0x9: {  	s21 =	sadd.s32 $0x3E80, s4;
	s7 =	sadd.s32 s0, s20;
	[dreg:$0x4] =	wrdreg s19  }
0xa: {  	s8 =	sadd.s32 $0x226C8, s4;
	s9 =	sadd.s32 s0, s21;
	[dreg:$0x5] =	wrdreg s7  }
0xb: {  	s23 =	sadd.s32 $0x40F10, s4;
	s22 =	sadd.s32 s0, s8;
	[dreg:$0x6] =	wrdreg s9  }
0xc: {  	s24 =	sadd.s32 $0x7D00, s4;
	s10 =	sadd.s32 s0, s23;
	[dreg:$0x7] =	wrdreg s22  }
0xd: {  	s11 =	sadd.s32 $0x26548, s4;
	s12 =	sadd.s32 s0, s24;
	[dreg:$0x8] =	wrdreg s10  }
0xe: {  	s26 =	sadd.s32 $0x44D90, s4;
	s25 =	sadd.s32 s0, s11;
	[dreg:$0x9] =	wrdreg s12  }
0xf: {  	s17 =	sshrl.u32 s6, $0x1;
	s14 =	sadd.s32 s0, s26;
	[dreg:$0xa] =	wrdreg s25  }
0x10: {  	s3 =	ssub.s32 s6, s17;
	s5 =	sadd.s32 s2, s18;
	[dreg:$0xb] =	wrdreg s14  }
0x11: {  	s28 =	sadd.s32 $0xBB80, s4;
	s6 =	sadd.s32 s2, s20;
	[dreg:$0xc] =	wrdreg s5  }
0x12: {  	s30 =	sadd.s32 $0x2A3C8, s4;
	s29 =	sadd.s32 s0, s28;
	[dreg:$0xd] =	wrdreg s6  }
0x13: {  	s15 =	sadd.s32 s0, s30;
	[dreg:$0xe] =	wrdreg s29  }
0x14: {  	s16 =	sadd.s32 s2, s8;
	[dreg:$0xf] =	wrdreg s15  }
0x15: {  	s17 =	sadd.s32 s2, s23;
	[dreg:$0x11] =	wrdreg s16  }
0x16: {  	s18 =	sadd.s32 s2, s24;
	[dreg:$0x12] =	wrdreg s17  }
0x17: {  	s20 =	sadd.s32 s2, s26;
	[dreg:$0x13] =	wrdreg s18  }
0x18: {  	s7 =	sadd.s32 s2, s21;
	[dreg:$0x15] =	wrdreg s20  }
0x19: {  	s31 =	simm.s32 $0xEB00;
	s19 =	sadd.s32 s2, s11;
	[dreg:$0x10] =	wrdreg s7  }
0x1a: {  	p0 =	sgt.u32 s13, $0xC;
	s5 =	sadd.s32 s2, s28;
	[dreg:$0x14] =	wrdreg s19  }
0x1b: {  	s23 =	sadd.s32 $0xFA00, s4;
	s6 =	sadd.s32 s2, s30;
	[dreg:$0x16] =	wrdreg s5  }
0x1c: {  	s8 =	sadd.s32 $0x320C8, s4;
	s24 =	sadd.s32 s0, s23;
	[dreg:$0x17] =	wrdreg s6  }
0x1d: {  	s13 =	simm.s32 $0x6;
	s9 =	sadd.s32 s0, s8;
	[dreg:$0x1a] =	wrdreg s24  }
0x1e: {  	s21 =	sadd.s32 $0x48C10, s4;
	s20 =	sadd.s32 s0, s4;
	[smem:$0x7EB] =	sst s9  }
0x1f: {  	s25 =	sadd.s32 $0x2E248, s4;
	s22 =	sadd.s32 s0, s21;
	[smem:$0x7F5] =	sst s20  }
0x20: {  	s28 =	sadd.s32 $0x4CA90, s4;
	s5 =	sadd.s32 s2, s21;
	[dreg:$0x18] =	wrdreg s22  }
0x21: {  	s30 =	sadd.s32 $0x13880, s4;
	s6 =	sadd.s32 s2, s23;
	[dreg:$0x19] =	wrdreg s5  }
0x22: {  	s10 =	sadd.s32 $0x50910, s4;
	s26 =	sadd.s32 s0, s25;
	[dreg:$0x1b] =	wrdreg s6  }
0x23: {  	s12 =	sadd.s32 $0x17700, s4;
	s29 =	sadd.s32 s0, s28;
	[dreg:$0x1c] =	wrdreg s26  }
0x24: {  	s15 =	sadd.s32 $0x35F48, s4;
	s7 =	sadd.s32 s0, s30;
	[dreg:$0x1e] =	wrdreg s29  }
0x25: {  	s17 =	sadd.s32 $0x54790, s4;
	s11 =	sadd.s32 s0, s10;
	[smem:$0x7E9] =	sst s7  }
0x26: {  	s14 =	sadd.s32 s0, s12;
	s16 =	sadd.s32 s0, s15;
	[smem:$0x7ED] =	sst s11  }
0x27: {  	s18 =	sadd.s32 s0, s17;
	s19 =	sadd.s32 s2, s17;
	[smem:$0x7EF] =	sst s14  }
0x28: {  	s21 =	sadd.s32 s2, s4;
	s23 =	sadd.s32 $0x39DC8, s4;
	[smem:$0x7F1] =	sst s16  }
0x29: {  	s17 =	simm.s32 $0xFA0;
	s20 =	simm.s32 $0x8D00;
	[smem:$0x7F3] =	sst s18  }
0x2a: {  	s9 =	simm.s32 $0x5;
	s5 =	sadd.s32 s2, s25;
	[smem:$0x7F4] =	sst s19  }
0x2b: {  	s6 =	sadd.s32 s2, s28;
	[smem:$0x7F6] =	sst s21;
	s22 =	sadd.s32 $0x1B580, s4  }
0x2c: {  	s4 =	sadd.s32 $0x58610, s4;
	s25 =	sadd.s32 s0, s23;
	s14 =	rddreg [dreg:$0x1]  }
0x2d: {  	s28 =	sadd.s32 s2, s23;
	s16 =	simm.s32 $0x7;
	s18 =	simm.s32 $0x1F40  }
0x2e: {  	s19 =	simm.s32 $0x2EE0;
	s21 =	simm.s32 $0x11A00;
	[dreg:$0x1d] =	wrdreg s5  }
0x2f: {  	s23 =	simm.s32 $0x3EA0;
	s7 =	simm.s32 $0x158A0;
	[dreg:$0x1f] =	wrdreg s6  }
0x30: {  	s11 =	simm.s32 $0x187A0;
	s5 =	sadd.s32 s2, s30;
	[smem:$0x7F8] =	sst s25  }
0x31: {  	s6 =	sadd.s32 s2, s8;
	s24 =	sadd.s32 s0, s22;
	[smem:$0x7FB] =	sst s28  }
0x32: {  	s0 =	sadd.s32 s0, s4;
	s26 =	sadd.s32 s2, s22;
	[smem:$0x7EA] =	sst s5  }
0x33: {  	s29 =	sadd.s32 s2, s4;
	s30 =	smax.u32 s3, $0x1;
	[smem:$0x7EC] =	sst s6  }
0x34: {  	s22 =	simm.s32 $0x2F00;
	s25 =	simm.s32 $0xBC00;
	[smem:$0x7F7] =	sst s24  }
0x35: {  	s3 =	simm.s32 $0x129A0;
	s4 =	simm.s32 $0x13940;
	[smem:$0x7F9] =	sst s0  }
0x36: {  	s8 =	simm.s32 $0x16840;
	s5 =	sadd.s32 s2, s10;
	[smem:$0x7FA] =	sst s26  }
0x37: {  	s6 =	sadd.s32 s2, s12;
	[smem:$0x7FC] =	sst s29;
	s24 =	simm.s32 $0x4E40  }
.Ltmp0:
0x38: {  	s26 =	simm.s32 $0x14900;
	s0 =	simm.s32 $0x17800;
	(pc) =	sbr.rel .LBB2_1-.Ltmp0, $4  }
0x39: {  	s10 =	simm.s32 $0x3;
	s12 =	simm.s32 $0x19740;
	[smem:$0x7EE] =	sst s5  }
0x3a: {  	[smem:$0x7F0] =	sst s6;
	s5 =	sadd.s32 s2, s15;
	s2 =	simm.s32 $0x1  }
0x3b: {  	s6 =	simm.s32 $0x2;
	s15 =	simm.s32 $0x0;
	[smem:$0x7F2] =	sst s5  }
0x3c: {  	s5 =	simm.s32 $0x4;
	_ =	strace $0x80000047;
	[smem:$0x7FD] =	sst s30  }
.LBB2_19:
0x3d: {  	_ =	swait.ge [sflag:s10], $0x2EE0  }
0x3e: {  	s28 =	sld [smem:$0x7EA]  }
0x3f: {  	[sflag:s10] =	ssyncset.done $0x0  }
0x40: {  	s30 =	sld [smem:$0x7EC];
	[sflag:s10] =	ssyncadd.s32 $0xFFFFD120  }
0x41: {  	[hbm4b:s28+s1] =	stream.linear.scatter [tilespmem:s0], [sflag:$0x6], $0xFA0, $0x38;
	[tilespmem:$0x1A700] =	vst v63  }
0x42: {  	s29 =	sld [smem:$0x7EE]  }
0x43: {  	[hbm4b:s30+s1] =	stream.linear.scatter [tilespmem:s11], [sflag:$0x6], $0xFA0, $0x38;
	[tilespmem:$0x1A700] =	vst v63  }
0x44: {  	_ = 	snop  }
0x45: {  	[hbm4b:s29+s1] =	stream.linear.scatter [tilespmem:s12], [sflag:$0x6], $0xFA0, $0x38;
	[tilespmem:$0x1A700] =	vst v63  }
0x46: {  	_ =	swait.ge [sflag:s2], $0x2EE0  }
0x47: {  	s30 =	sld [smem:$0x7F0]  }
0x48: {  	[sflag:s2] =	ssyncset.done $0x0  }
0x49: {  	s29 =	sld [smem:$0x7F2];
	[sflag:s2] =	ssyncadd.s32 $0xFFFFD120  }
0x4a: {  	[hbm4b:s30+s1] =	stream.linear.scatter [tilespmem:s21], [sflag:$0x4], $0xFA0, $0x38;
	[tilespmem:$0x1A700] =	vst v63  }
0x4b: {  	s30 =	sld [smem:$0x7F4]  }
0x4c: {  	[hbm4b:s29+s1] =	stream.linear.scatter [tilespmem:s3], [sflag:$0x4], $0xFA0, $0x38;
	[tilespmem:$0x1A700] =	vst v63  }
0x4d: {  	_ = 	snop  }
0x4e: {  	[hbm4b:s30+s1] =	stream.linear.scatter [tilespmem:s4], [sflag:$0x4], $0xFA0, $0x38;
	[tilespmem:$0x1A700] =	vst v63  }
.LBB2_20:
0x4f: {  	_ =	swait.ge [sflag:s5], $0xFA0  }
0x50: {  	[sflag:s5] =	ssyncset.done $0x0  }
0x51: {  	[sflag:s5] =	ssyncadd.s32 $0xFFFFF060  }
0x52: {  	_ =	swait.ge [sflag:s5], $0xFA0  }
0x53: {  	[sflag:s5] =	ssyncset.done $0x0  }
0x54: {  	[sflag:s5] =	ssyncadd.s32 $0xFFFFF060  }
0x55: {  	_ =	swait.ge [sflag:s5], $0xFA0  }
0x56: {  	[sflag:s5] =	ssyncset.done $0x0  }
0x57: {  	[sflag:s5] =	ssyncadd.s32 $0xFFFFF060  }
0x58: {  	_ =	swait.ge [sflag:s9], $0xFA0  }
0x59: {  	[sflag:s9] =	ssyncset.done $0x0  }
0x5a: {  	[sflag:s9] =	ssyncadd.s32 $0xFFFFF060  }
0x5b: {  	_ =	swait.ge [sflag:s9], $0xFA0  }
0x5c: {  	[sflag:s9] =	ssyncset.done $0x0  }
0x5d: {  	[sflag:s9] =	ssyncadd.s32 $0xFFFFF060  }
0x5e: {  	_ =	swait.ge [sflag:s9], $0xFA0  }
0x5f: {  	[sflag:s9] =	ssyncset.done $0x0  }
0x60: {  	[sflag:s9] =	ssyncadd.s32 $0xFFFFF060  }
0x61: {  	_ =	swait.ge [sflag:s13], $0xFA0  }
0x62: {  	[sflag:s13] =	ssyncset.done $0x0  }
0x63: {  	[sflag:s13] =	ssyncadd.s32 $0xFFFFF060  }
0x64: {  	_ =	swait.ge [sflag:s13], $0xFA0  }
0x65: {  	[sflag:s13] =	ssyncset.done $0x0  }
0x66: {  	[sflag:s13] =	ssyncadd.s32 $0xFFFFF060  }
0x67: {  	_ =	swait.ge [sflag:s13], $0xFA0  }
0x68: {  	s28 =	sld [smem:$0x7FD];
	_ =	sdelay $0x1  }
0x69: {  	s15 =	sadd.s32 $0x1, s15  }
0x6a: {  	p1 =	sne.s32 s15, s28  }
.Ltmp1:
0x6b: {  	_ = 	snop;
	(pc) =	sbr.rel @!p1 .LBB2_21-.Ltmp1, $3  }
0x6c: {  	_ =	sdelay $0x1  }
0x6d: {  	[sflag:s13] =	ssyncset.done $0x0  }
0x6e: {  	[sflag:s13] =	ssyncadd.s32 $0xFFFFF060  }
.LBB2_1:
0x6f: {  	s28 =	sld [smem:$0x7F5];
	_ =	sdelay $0x2  }
0x70: {  	[tilespmem:s1], [sflag:$0x7] =	stream.linear.gather [hbm4b:s28+s1], $0xFA0, $0x38;
	[tilespmem:$0x1A700] =	vst v63  }
0x71: {  	_ =	swait.ge [sflag:s16], $0xFA0  }
0x72: {  	[sflag:s16] =	ssyncset.done $0x0  }
0x73: {  	s28 =	rddreg [dreg:$0x4];
	[sflag:s16] =	ssyncadd.s32 $0xFFFFF060  }
0x74: {  	[tilespmem:s17], [sflag:$0x7] =	stream.linear.gather [hbm4b:s28+s1], $0xFA0, $0x38;
	[tilespmem:$0x1A700] =	vst v63  }
0x75: {  	_ =	swait.ge [sflag:s16], $0xFA0  }
0x76: {  	[sflag:s16] =	ssyncset.done $0x0  }
0x77: {  	s28 =	rddreg [dreg:$0x5];
	[sflag:s16] =	ssyncadd.s32 $0xFFFFF060  }
0x78: {  	[tilespmem:s18], [sflag:$0x7] =	stream.linear.gather [hbm4b:s28+s1], $0xFA0, $0x38;
	[tilespmem:$0x1A700] =	vst v63  }
0x79: {  	_ =	swait.ge [sflag:s16], $0xFA0  }
0x7a: {  	[sflag:s16] =	ssyncset.done $0x0  }
0x7b: {  	s29 =	simm.s32 $0x0;
	[sflag:s16] =	ssyncadd.s32 $0xFFFFF060  }
0x7c: {  	v1 =	vld [tilespmem:s29+$0x0]  }
0x7d: {  	v2 =	vld [tilespmem:s29+$0xFA0];
	_ =	sdelay $0x1  }
0x7e: {  	v3 =	vld [tilespmem:s29+$0x1F40];
	_ =	sdelay $0x1  }
0x7f: {  	s28 =	simm.s32 $0x10  }
0x80: {  	v0 =	vld [tilespmem:s28+$0x0];
	v4 =	vshll.u32 v1, $0xE;
	v2 =	vshll.u32 v2, $0x7  }
0x81: {  	v1 =	vld [tilespmem:s28+$0xFA0];
	v2 =	vor.u32 v4, v2  }
0x82: {  	v3 =	vor.u32 v3, v2  }
0x83: {  	v2 =	vld [tilespmem:s28+$0x1F40];
	[tilespmem:s29+$0x8D00] =	vst v3;
	v4 =	vadd.s32 $0x400000, v3  }
0x84: {  	s30 =	simm.s32 $0x80;
	v3 =	vadd.s32 $0x200000, v3;
	[tilespmem:s29+$0xAC40] =	vst v4  }
.LBB2_2:
0x85: {  	[tilespmem:s29+$0x9CA0] =	vst v3;
	s29 =	smov.u32 s28;
	s28 =	sshra.s32 s30, $0x2;
	p1 =	sne.s32 s30, $0x3E40  }
.Ltmp2:
0x86: {  	s30 =	sadd.s32 $0x40, s30;
	v3 =	vshll.u32 v0, $0xE;
	v0 =	vld [tilespmem:s28+$0x0];
	v4 =	vshll.u32 v1, $0x7;
	(pc) =	sbr.rel @p1 .LBB2_2-.Ltmp2, $4  }
0x87: {  	v1 =	vld [tilespmem:s28+$0xFA0];
	v3 =	vor.u32 v3, v4  }
0x88: {  	v4 =	vor.u32 v2, v3  }
0x89: {  	v2 =	vld [tilespmem:s28+$0x1F40];
	[tilespmem:s29+$0x8D00] =	vst v4;
	v3 =	vadd.s32 $0x200000, v4;
	v4 =	vadd.s32 $0x400000, v4  }
0x8a: {  	[tilespmem:s29+$0xAC40] =	vst v4  }
0x8b: {  	_ = 	snop  }
0x8c: {  	v0 =	vshll.u32 v0, $0xE;
	v1 =	vshll.u32 v1, $0x7  }
0x8d: {  	v0 =	vor.u32 v0, v1  }
0x8e: {  	[tilespmem:s29+$0x9CA0] =	vst v3;
	v0 =	vor.u32 v2, v0  }
0x8f: {  	[tilespmem:s28+$0x8D00] =	vst v0;
	v1 =	vadd.s32 $0x400000, v0  }
0x90: {  	v0 =	vadd.s32 $0x200000, v0;
	[tilespmem:s28+$0xAC40] =	vst v1  }
0x91: {  	[tilespmem:s28+$0x9CA0] =	vst v0  }
0x92: {  	[tilespmem:s21], [sflag:$0x1] =	stream.indirect.gather [hbm4b:s14+s19], $0x1, s20, s19, $0xb8;
	[tilespmem:$0x1A700] =	vst v63  }
0x93: {  	s29 =	rddreg [dreg:$0x6];
	s28 =	simm.s32 $0x0  }
0x94: {  	[tilespmem:s22], [sflag:$0x7] =	stream.linear.gather [hbm4b:s29+s28], $0xFA0, $0x38;
	[tilespmem:$0x1A700] =	vst v63  }
0x95: {  	_ =	swait.ge [sflag:s16], $0xFA0  }
0x96: {  	[sflag:s16] =	ssyncset.done $0x0  }
0x97: {  	s29 =	rddreg [dreg:$0x7];
	[sflag:s16] =	ssyncadd.s32 $0xFFFFF060  }
0x98: {  	[tilespmem:s23], [sflag:$0x7] =	stream.linear.gather [hbm4b:s29+s28], $0xFA0, $0x38;
	[tilespmem:$0x1A700] =	vst v63  }
0x99: {  	_ =	swait.ge [sflag:s16], $0xFA0  }
0x9a: {  	[sflag:s16] =	ssyncset.done $0x0  }
0x9b: {  	s29 =	rddreg [dreg:$0x8];
	[sflag:s16] =	ssyncadd.s32 $0xFFFFF060  }
0x9c: {  	[tilespmem:s24], [sflag:$0x7] =	stream.linear.gather [hbm4b:s29+s28], $0xFA0, $0x38;
	[tilespmem:$0x1A700] =	vst v63  }
0x9d: {  	_ =	swait.ge [sflag:s16], $0xFA0  }
0x9e: {  	[sflag:s16] =	ssyncset.done $0x0  }
0x9f: {  	s29 =	simm.s32 $0x0;
	[sflag:s16] =	ssyncadd.s32 $0xFFFFF060  }
0xa0: {  	v1 =	vld [tilespmem:s29+$0x2F00]  }
0xa1: {  	v2 =	vld [tilespmem:s29+$0x3EA0];
	_ =	sdelay $0x1  }
0xa2: {  	v3 =	vld [tilespmem:s29+$0x4E40];
	_ =	sdelay $0x1  }
0xa3: {  	s28 =	simm.s32 $0x10  }
0xa4: {  	v0 =	vld [tilespmem:s28+$0x2F00];
	v4 =	vshll.u32 v1, $0xE;
	v2 =	vshll.u32 v2, $0x7  }
0xa5: {  	v1 =	vld [tilespmem:s28+$0x3EA0];
	v2 =	vor.u32 v4, v2  }
0xa6: {  	v3 =	vor.u32 v3, v2  }
0xa7: {  	v2 =	vld [tilespmem:s28+$0x4E40];
	[tilespmem:s29+$0xBC00] =	vst v3;
	v4 =	vadd.s32 $0x400000, v3  }
0xa8: {  	s30 =	simm.s32 $0x80;
	v3 =	vadd.s32 $0x200000, v3;
	[tilespmem:s29+$0xDB40] =	vst v4  }
.LBB2_4:
0xa9: {  	[tilespmem:s29+$0xCBA0] =	vst v3;
	s29 =	smov.u32 s28;
	s28 =	sshra.s32 s30, $0x2;
	p1 =	sne.s32 s30, $0x3E40  }
.Ltmp3:
0xaa: {  	s30 =	sadd.s32 $0x40, s30;
	v3 =	vshll.u32 v0, $0xE;
	v0 =	vld [tilespmem:s28+$0x2F00];
	v4 =	vshll.u32 v1, $0x7;
	(pc) =	sbr.rel @p1 .LBB2_4-.Ltmp3, $4  }
0xab: {  	v1 =	vld [tilespmem:s28+$0x3EA0];
	v3 =	vor.u32 v3, v4  }
0xac: {  	v4 =	vor.u32 v2, v3  }
0xad: {  	v2 =	vld [tilespmem:s28+$0x4E40];
	[tilespmem:s29+$0xBC00] =	vst v4;
	v3 =	vadd.s32 $0x200000, v4;
	v4 =	vadd.s32 $0x400000, v4  }
0xae: {  	[tilespmem:s29+$0xDB40] =	vst v4  }
0xaf: {  	_ = 	snop  }
0xb0: {  	v0 =	vshll.u32 v0, $0xE;
	v1 =	vshll.u32 v1, $0x7  }
0xb1: {  	v0 =	vor.u32 v0, v1  }
0xb2: {  	[tilespmem:s29+$0xCBA0] =	vst v3;
	v0 =	vor.u32 v2, v0  }
0xb3: {  	[tilespmem:s28+$0xBC00] =	vst v0;
	v1 =	vadd.s32 $0x400000, v0  }
0xb4: {  	v0 =	vadd.s32 $0x200000, v0;
	[tilespmem:s28+$0xDB40] =	vst v1  }
0xb5: {  	[tilespmem:s28+$0xCBA0] =	vst v0  }
0xb6: {  	[tilespmem:s26], [sflag:$0x2] =	stream.indirect.gather [hbm4b:s14+s19], $0x1, s25, s19, $0xb8;
	[tilespmem:$0x1A700] =	vst v63  }
0xb7: {  	s29 =	rddreg [dreg:$0x9];
	s30 =	simm.s32 $0x5E00;
	s28 =	simm.s32 $0x0  }
0xb8: {  	[tilespmem:s30], [sflag:$0x7] =	stream.linear.gather [hbm4b:s29+s28], $0xFA0, $0x38;
	[tilespmem:$0x1A700] =	vst v63  }
0xb9: {  	_ =	swait.ge [sflag:s16], $0xFA0  }
0xba: {  	[sflag:s16] =	ssyncset.done $0x0  }
0xbb: {  	s30 =	simm.s32 $0x6DA0;
	s29 =	rddreg [dreg:$0xa];
	[sflag:s16] =	ssyncadd.s32 $0xFFFFF060  }
0xbc: {  	[tilespmem:s30], [sflag:$0x7] =	stream.linear.gather [hbm4b:s29+s28], $0xFA0, $0x38;
	[tilespmem:$0x1A700] =	vst v63  }
0xbd: {  	_ =	swait.ge [sflag:s16], $0xFA0  }
0xbe: {  	[sflag:s16] =	ssyncset.done $0x0  }
0xbf: {  	s30 =	simm.s32 $0x7D40;
	s29 =	rddreg [dreg:$0xb];
	[sflag:s16] =	ssyncadd.s32 $0xFFFFF060  }
0xc0: {  	[tilespmem:s30], [sflag:$0x7] =	stream.linear.gather [hbm4b:s29+s28], $0xFA0, $0x38;
	[tilespmem:$0x1A700] =	vst v63  }
0xc1: {  	_ =	swait.ge [sflag:s16], $0xFA0  }
0xc2: {  	[sflag:s16] =	ssyncset.done $0x0  }
0xc3: {  	s29 =	simm.s32 $0x0;
	[sflag:s16] =	ssyncadd.s32 $0xFFFFF060  }
0xc4: {  	v1 =	vld [tilespmem:s29+$0x5E00]  }
0xc5: {  	v2 =	vld [tilespmem:s29+$0x6DA0];
	_ =	sdelay $0x1  }
0xc6: {  	v3 =	vld [tilespmem:s29+$0x7D40];
	_ =	sdelay $0x1  }
0xc7: {  	s28 =	simm.s32 $0x10  }
0xc8: {  	v0 =	vld [tilespmem:s28+$0x5E00];
	v4 =	vshll.u32 v1, $0xE;
	v2 =	vshll.u32 v2, $0x7  }
0xc9: {  	v1 =	vld [tilespmem:s28+$0x6DA0];
	v2 =	vor.u32 v4, v2  }
0xca: {  	v3 =	vor.u32 v3, v2  }
0xcb: {  	v2 =	vld [tilespmem:s28+$0x7D40];
	[tilespmem:s29+$0xEB00] =	vst v3;
	v4 =	vadd.s32 $0x400000, v3  }
0xcc: {  	s30 =	simm.s32 $0x80;
	v3 =	vadd.s32 $0x200000, v3;
	[tilespmem:s29+$0x10A40] =	vst v4  }
.LBB2_6:
0xcd: {  	[tilespmem:s29+$0xFAA0] =	vst v3;
	s29 =	smov.u32 s28;
	s28 =	sshra.s32 s30, $0x2;
	p1 =	sne.s32 s30, $0x3E40  }
.Ltmp4:
0xce: {  	s30 =	sadd.s32 $0x40, s30;
	v3 =	vshll.u32 v0, $0xE;
	v0 =	vld [tilespmem:s28+$0x5E00];
	v4 =	vshll.u32 v1, $0x7;
	(pc) =	sbr.rel @p1 .LBB2_6-.Ltmp4, $4  }
0xcf: {  	v1 =	vld [tilespmem:s28+$0x6DA0];
	v3 =	vor.u32 v3, v4  }
0xd0: {  	v4 =	vor.u32 v2, v3  }
0xd1: {  	v2 =	vld [tilespmem:s28+$0x7D40];
	[tilespmem:s29+$0xEB00] =	vst v4;
	v3 =	vadd.s32 $0x200000, v4;
	v4 =	vadd.s32 $0x400000, v4  }
0xd2: {  	[tilespmem:s29+$0x10A40] =	vst v4  }
0xd3: {  	_ = 	snop  }
0xd4: {  	v0 =	vshll.u32 v0, $0xE;
	v1 =	vshll.u32 v1, $0x7  }
0xd5: {  	v0 =	vor.u32 v0, v1  }
0xd6: {  	[tilespmem:s29+$0xFAA0] =	vst v3;
	v0 =	vor.u32 v2, v0  }
0xd7: {  	[tilespmem:s28+$0xEB00] =	vst v0;
	v1 =	vadd.s32 $0x400000, v0  }
0xd8: {  	v0 =	vadd.s32 $0x200000, v0;
	[tilespmem:s28+$0x10A40] =	vst v1  }
0xd9: {  	[tilespmem:s28+$0xFAA0] =	vst v0  }
0xda: {  	[tilespmem:s0], [sflag:$0x3] =	stream.indirect.gather [hbm4b:s14+s19], $0x1, s31, s19, $0xb8;
	[tilespmem:$0x1A700] =	vst v63  }
0xdb: {  	_ =	swait.ge [sflag:s2], $0x2EE0  }
0xdc: {  	s29 =	sld [smem:$0x7F6]  }
0xdd: {  	[sflag:s2] =	ssyncset.done $0x0  }
0xde: {  	s28 =	simm.s32 $0x0;
	[sflag:s2] =	ssyncadd.s32 $0xFFFFD120  }
0xdf: {  	[hbm4b:s29+s28] =	stream.linear.scatter [tilespmem:s21], [sflag:$0x4], $0xFA0, $0x38;
	[tilespmem:$0x1A700] =	vst v63  }
0xe0: {  	s29 =	rddreg [dreg:$0xc]  }
0xe1: {  	[hbm4b:s29+s28] =	stream.linear.scatter [tilespmem:s3], [sflag:$0x4], $0xFA0, $0x38;
	[tilespmem:$0x1A700] =	vst v63  }
0xe2: {  	s29 =	rddreg [dreg:$0xd]  }
0xe3: {  	[hbm4b:s29+s28] =	stream.linear.scatter [tilespmem:s4], [sflag:$0x4], $0xFA0, $0x38;
	[tilespmem:$0x1A700] =	vst v63  }
0xe4: {  	_ =	swait.ge [sflag:s5], $0xFA0  }
0xe5: {  	[sflag:s5] =	ssyncset.done $0x0  }
0xe6: {  	[sflag:s5] =	ssyncadd.s32 $0xFFFFF060  }
0xe7: {  	_ =	swait.ge [sflag:s5], $0xFA0  }
0xe8: {  	[sflag:s5] =	ssyncset.done $0x0  }
0xe9: {  	[sflag:s5] =	ssyncadd.s32 $0xFFFFF060  }
0xea: {  	_ =	swait.ge [sflag:s5], $0xFA0  }
0xeb: {  	[sflag:s5] =	ssyncset.done $0x0  }
0xec: {  	s29 =	rddreg [dreg:$0xe];
	[sflag:s5] =	ssyncadd.s32 $0xFFFFF060  }
0xed: {  	[tilespmem:s28], [sflag:$0x7] =	stream.linear.gather [hbm4b:s29+s28], $0xFA0, $0x38;
	[tilespmem:$0x1A700] =	vst v63  }
0xee: {  	_ =	swait.ge [sflag:s16], $0xFA0  }
0xef: {  	[sflag:s16] =	ssyncset.done $0x0  }
0xf0: {  	s29 =	rddreg [dreg:$0xf];
	[sflag:s16] =	ssyncadd.s32 $0xFFFFF060  }
0xf1: {  	[tilespmem:s17], [sflag:$0x7] =	stream.linear.gather [hbm4b:s29+s28], $0xFA0, $0x38;
	[tilespmem:$0x1A700] =	vst v63  }
0xf2: {  	_ =	swait.ge [sflag:s16], $0xFA0  }
0xf3: {  	[sflag:s16] =	ssyncset.done $0x0  }
0xf4: {  	s29 =	rddreg [dreg:$0x18];
	[sflag:s16] =	ssyncadd.s32 $0xFFFFF060  }
0xf5: {  	[tilespmem:s18], [sflag:$0x7] =	stream.linear.gather [hbm4b:s29+s28], $0xFA0, $0x38;
	[tilespmem:$0x1A700] =	vst v63  }
0xf6: {  	_ =	swait.ge [sflag:s16], $0xFA0  }
0xf7: {  	[sflag:s16] =	ssyncset.done $0x0  }
0xf8: {  	s29 =	simm.s32 $0x0;
	[sflag:s16] =	ssyncadd.s32 $0xFFFFF060  }
0xf9: {  	v1 =	vld [tilespmem:s29+$0x0]  }
0xfa: {  	v2 =	vld [tilespmem:s29+$0xFA0];
	_ =	sdelay $0x1  }
0xfb: {  	v3 =	vld [tilespmem:s29+$0x1F40];
	_ =	sdelay $0x1  }
0xfc: {  	s28 =	simm.s32 $0x10  }
0xfd: {  	v0 =	vld [tilespmem:s28+$0x0];
	v4 =	vshll.u32 v1, $0xE;
	v2 =	vshll.u32 v2, $0x7  }
0xfe: {  	v1 =	vld [tilespmem:s28+$0xFA0];
	v2 =	vor.u32 v4, v2  }
0xff: {  	v3 =	vor.u32 v3, v2  }
0x100: {  	v2 =	vld [tilespmem:s28+$0x1F40];
	[tilespmem:s29+$0x8D00] =	vst v3;
	v4 =	vadd.s32 $0x400000, v3  }
0x101: {  	s30 =	simm.s32 $0x80;
	v3 =	vadd.s32 $0x200000, v3;
	[tilespmem:s29+$0xAC40] =	vst v4  }
.LBB2_8:
0x102: {  	[tilespmem:s29+$0x9CA0] =	vst v3;
	s29 =	smov.u32 s28;
	s28 =	sshra.s32 s30, $0x2;
	p1 =	sne.s32 s30, $0x3E40  }
.Ltmp5:
0x103: {  	s30 =	sadd.s32 $0x40, s30;
	v3 =	vshll.u32 v0, $0xE;
	v0 =	vld [tilespmem:s28+$0x0];
	v4 =	vshll.u32 v1, $0x7;
	(pc) =	sbr.rel @p1 .LBB2_8-.Ltmp5, $4  }
0x104: {  	v1 =	vld [tilespmem:s28+$0xFA0];
	v3 =	vor.u32 v3, v4  }
0x105: {  	v4 =	vor.u32 v2, v3  }
0x106: {  	v2 =	vld [tilespmem:s28+$0x1F40];
	[tilespmem:s29+$0x8D00] =	vst v4;
	v3 =	vadd.s32 $0x200000, v4;
	v4 =	vadd.s32 $0x400000, v4  }
0x107: {  	[tilespmem:s29+$0xAC40] =	vst v4  }
0x108: {  	_ = 	snop  }
0x109: {  	v0 =	vshll.u32 v0, $0xE;
	v1 =	vshll.u32 v1, $0x7  }
0x10a: {  	v0 =	vor.u32 v0, v1  }
0x10b: {  	[tilespmem:s29+$0x9CA0] =	vst v3;
	v0 =	vor.u32 v2, v0  }
0x10c: {  	[tilespmem:s28+$0x8D00] =	vst v0;
	v1 =	vadd.s32 $0x400000, v0  }
0x10d: {  	v0 =	vadd.s32 $0x200000, v0;
	[tilespmem:s28+$0xAC40] =	vst v1  }
0x10e: {  	[tilespmem:s28+$0x9CA0] =	vst v0  }
0x10f: {  	[tilespmem:s21], [sflag:$0x1] =	stream.indirect.gather [hbm4b:s14+s19], $0x1, s20, s19, $0xb8;
	[tilespmem:$0x1A700] =	vst v63  }
0x110: {  	_ =	swait.ge [sflag:s6], $0x2EE0  }
0x111: {  	[sflag:s6] =	ssyncset.done $0x0  }
0x112: {  	s28 =	simm.s32 $0x0;
	s29 =	rddreg [dreg:$0x10];
	[sflag:s6] =	ssyncadd.s32 $0xFFFFD120  }
0x113: {  	[hbm4b:s29+s28] =	stream.linear.scatter [tilespmem:s26], [sflag:$0x5], $0xFA0, $0x38;
	[tilespmem:$0x1A700] =	vst v63  }
0x114: {  	s29 =	rddreg [dreg:$0x11]  }
0x115: {  	[hbm4b:s29+s28] =	stream.linear.scatter [tilespmem:s7], [sflag:$0x5], $0xFA0, $0x38;
	[tilespmem:$0x1A700] =	vst v63  }
0x116: {  	s29 =	rddreg [dreg:$0x12]  }
0x117: {  	[hbm4b:s29+s28] =	stream.linear.scatter [tilespmem:s8], [sflag:$0x5], $0xFA0, $0x38;
	[tilespmem:$0x1A700] =	vst v63  }
0x118: {  	_ =	swait.ge [sflag:s9], $0xFA0  }
0x119: {  	[sflag:s9] =	ssyncset.done $0x0  }
0x11a: {  	[sflag:s9] =	ssyncadd.s32 $0xFFFFF060  }
0x11b: {  	_ =	swait.ge [sflag:s9], $0xFA0  }
0x11c: {  	[sflag:s9] =	ssyncset.done $0x0  }
0x11d: {  	[sflag:s9] =	ssyncadd.s32 $0xFFFFF060  }
0x11e: {  	_ =	swait.ge [sflag:s9], $0xFA0  }
0x11f: {  	[sflag:s9] =	ssyncset.done $0x0  }
0x120: {  	s29 =	rddreg [dreg:$0x1a];
	[sflag:s9] =	ssyncadd.s32 $0xFFFFF060  }
0x121: {  	[tilespmem:s22], [sflag:$0x7] =	stream.linear.gather [hbm4b:s29+s28], $0xFA0, $0x38;
	[tilespmem:$0x1A700] =	vst v63  }
0x122: {  	_ =	swait.ge [sflag:s16], $0xFA0  }
0x123: {  	[sflag:s16] =	ssyncset.done $0x0  }
0x124: {  	s29 =	rddreg [dreg:$0x1c];
	[sflag:s16] =	ssyncadd.s32 $0xFFFFF060  }
0x125: {  	[tilespmem:s23], [sflag:$0x7] =	stream.linear.gather [hbm4b:s29+s28], $0xFA0, $0x38;
	[tilespmem:$0x1A700] =	vst v63  }
0x126: {  	_ =	swait.ge [sflag:s16], $0xFA0  }
0x127: {  	[sflag:s16] =	ssyncset.done $0x0  }
0x128: {  	s29 =	rddreg [dreg:$0x1e];
	[sflag:s16] =	ssyncadd.s32 $0xFFFFF060  }
0x129: {  	[tilespmem:s24], [sflag:$0x7] =	stream.linear.gather [hbm4b:s29+s28], $0xFA0, $0x38;
	[tilespmem:$0x1A700] =	vst v63  }
0x12a: {  	_ =	swait.ge [sflag:s16], $0xFA0  }
0x12b: {  	[sflag:s16] =	ssyncset.done $0x0  }
0x12c: {  	s29 =	simm.s32 $0x0;
	[sflag:s16] =	ssyncadd.s32 $0xFFFFF060  }
0x12d: {  	v1 =	vld [tilespmem:s29+$0x2F00]  }
0x12e: {  	v2 =	vld [tilespmem:s29+$0x3EA0];
	_ =	sdelay $0x1  }
0x12f: {  	v3 =	vld [tilespmem:s29+$0x4E40];
	_ =	sdelay $0x1  }
0x130: {  	s28 =	simm.s32 $0x10  }
0x131: {  	v0 =	vld [tilespmem:s28+$0x2F00];
	v4 =	vshll.u32 v1, $0xE;
	v2 =	vshll.u32 v2, $0x7  }
0x132: {  	v1 =	vld [tilespmem:s28+$0x3EA0];
	v2 =	vor.u32 v4, v2  }
0x133: {  	v3 =	vor.u32 v3, v2  }
0x134: {  	v2 =	vld [tilespmem:s28+$0x4E40];
	[tilespmem:s29+$0xBC00] =	vst v3;
	v4 =	vadd.s32 $0x400000, v3  }
0x135: {  	s30 =	simm.s32 $0x80;
	v3 =	vadd.s32 $0x200000, v3;
	[tilespmem:s29+$0xDB40] =	vst v4  }
.LBB2_10:
0x136: {  	[tilespmem:s29+$0xCBA0] =	vst v3;
	s29 =	smov.u32 s28;
	s28 =	sshra.s32 s30, $0x2;
	p1 =	sne.s32 s30, $0x3E40  }
.Ltmp6:
0x137: {  	s30 =	sadd.s32 $0x40, s30;
	v3 =	vshll.u32 v0, $0xE;
	v0 =	vld [tilespmem:s28+$0x2F00];
	v4 =	vshll.u32 v1, $0x7;
	(pc) =	sbr.rel @p1 .LBB2_10-.Ltmp6, $4  }
0x138: {  	v1 =	vld [tilespmem:s28+$0x3EA0];
	v3 =	vor.u32 v3, v4  }
0x139: {  	v4 =	vor.u32 v2, v3  }
0x13a: {  	v2 =	vld [tilespmem:s28+$0x4E40];
	[tilespmem:s29+$0xBC00] =	vst v4;
	v3 =	vadd.s32 $0x200000, v4;
	v4 =	vadd.s32 $0x400000, v4  }
0x13b: {  	[tilespmem:s29+$0xDB40] =	vst v4  }
0x13c: {  	_ = 	snop  }
0x13d: {  	v0 =	vshll.u32 v0, $0xE;
	v1 =	vshll.u32 v1, $0x7  }
0x13e: {  	v0 =	vor.u32 v0, v1  }
0x13f: {  	[tilespmem:s29+$0xCBA0] =	vst v3;
	v0 =	vor.u32 v2, v0  }
0x140: {  	[tilespmem:s28+$0xBC00] =	vst v0;
	v1 =	vadd.s32 $0x400000, v0  }
0x141: {  	v0 =	vadd.s32 $0x200000, v0;
	[tilespmem:s28+$0xDB40] =	vst v1  }
0x142: {  	[tilespmem:s28+$0xCBA0] =	vst v0  }
0x143: {  	[tilespmem:s26], [sflag:$0x2] =	stream.indirect.gather [hbm4b:s14+s19], $0x1, s25, s19, $0xb8;
	[tilespmem:$0x1A700] =	vst v63  }
0x144: {  	_ =	swait.ge [sflag:s10], $0x2EE0  }
0x145: {  	[sflag:s10] =	ssyncset.done $0x0  }
0x146: {  	s28 =	simm.s32 $0x0;
	s29 =	rddreg [dreg:$0x13];
	[sflag:s10] =	ssyncadd.s32 $0xFFFFD120  }
0x147: {  	[hbm4b:s29+s28] =	stream.linear.scatter [tilespmem:s0], [sflag:$0x6], $0xFA0, $0x38;
	[tilespmem:$0x1A700] =	vst v63  }
0x148: {  	s29 =	rddreg [dreg:$0x14]  }
0x149: {  	[hbm4b:s29+s28] =	stream.linear.scatter [tilespmem:s11], [sflag:$0x6], $0xFA0, $0x38;
	[tilespmem:$0x1A700] =	vst v63  }
0x14a: {  	s29 =	rddreg [dreg:$0x15]  }
0x14b: {  	[hbm4b:s29+s28] =	stream.linear.scatter [tilespmem:s12], [sflag:$0x6], $0xFA0, $0x38;
	[tilespmem:$0x1A700] =	vst v63  }
0x14c: {  	_ =	swait.ge [sflag:s13], $0xFA0  }
0x14d: {  	[sflag:s13] =	ssyncset.done $0x0  }
0x14e: {  	[sflag:s13] =	ssyncadd.s32 $0xFFFFF060  }
0x14f: {  	_ =	swait.ge [sflag:s13], $0xFA0  }
0x150: {  	[sflag:s13] =	ssyncset.done $0x0  }
0x151: {  	[sflag:s13] =	ssyncadd.s32 $0xFFFFF060  }
0x152: {  	_ =	swait.ge [sflag:s13], $0xFA0  }
0x153: {  	s29 =	sld [smem:$0x7E9]  }
0x154: {  	[sflag:s13] =	ssyncset.done $0x0  }
0x155: {  	s30 =	simm.s32 $0x5E00;
	[sflag:s13] =	ssyncadd.s32 $0xFFFFF060  }
0x156: {  	[tilespmem:s30], [sflag:$0x7] =	stream.linear.gather [hbm4b:s29+s28], $0xFA0, $0x38;
	[tilespmem:$0x1A700] =	vst v63  }
0x157: {  	_ =	swait.ge [sflag:s16], $0xFA0  }
0x158: {  	s29 =	sld [smem:$0x7EB]  }
0x159: {  	[sflag:s16] =	ssyncset.done $0x0  }
0x15a: {  	s30 =	simm.s32 $0x6DA0;
	[sflag:s16] =	ssyncadd.s32 $0xFFFFF060  }
0x15b: {  	[tilespmem:s30], [sflag:$0x7] =	stream.linear.gather [hbm4b:s29+s28], $0xFA0, $0x38;
	[tilespmem:$0x1A700] =	vst v63  }
0x15c: {  	_ =	swait.ge [sflag:s16], $0xFA0  }
0x15d: {  	s29 =	sld [smem:$0x7ED]  }
0x15e: {  	[sflag:s16] =	ssyncset.done $0x0  }
0x15f: {  	s30 =	simm.s32 $0x7D40;
	[sflag:s16] =	ssyncadd.s32 $0xFFFFF060  }
0x160: {  	[tilespmem:s30], [sflag:$0x7] =	stream.linear.gather [hbm4b:s29+s28], $0xFA0, $0x38;
	[tilespmem:$0x1A700] =	vst v63  }
0x161: {  	_ =	swait.ge [sflag:s16], $0xFA0  }
0x162: {  	[sflag:s16] =	ssyncset.done $0x0  }
0x163: {  	s29 =	simm.s32 $0x0;
	[sflag:s16] =	ssyncadd.s32 $0xFFFFF060  }
0x164: {  	v1 =	vld [tilespmem:s29+$0x5E00]  }
0x165: {  	v2 =	vld [tilespmem:s29+$0x6DA0];
	_ =	sdelay $0x1  }
0x166: {  	v3 =	vld [tilespmem:s29+$0x7D40];
	_ =	sdelay $0x1  }
0x167: {  	s28 =	simm.s32 $0x10  }
0x168: {  	v0 =	vld [tilespmem:s28+$0x5E00];
	v4 =	vshll.u32 v1, $0xE;
	v2 =	vshll.u32 v2, $0x7  }
0x169: {  	v1 =	vld [tilespmem:s28+$0x6DA0];
	v2 =	vor.u32 v4, v2  }
0x16a: {  	v3 =	vor.u32 v3, v2  }
0x16b: {  	v2 =	vld [tilespmem:s28+$0x7D40];
	[tilespmem:s29+$0xEB00] =	vst v3;
	v4 =	vadd.s32 $0x400000, v3  }
0x16c: {  	s30 =	simm.s32 $0x80;
	v3 =	vadd.s32 $0x200000, v3;
	[tilespmem:s29+$0x10A40] =	vst v4  }
.LBB2_12:
0x16d: {  	[tilespmem:s29+$0xFAA0] =	vst v3;
	s29 =	smov.u32 s28;
	s28 =	sshra.s32 s30, $0x2;
	p1 =	sne.s32 s30, $0x3E40  }
.Ltmp7:
0x16e: {  	s30 =	sadd.s32 $0x40, s30;
	v3 =	vshll.u32 v0, $0xE;
	v0 =	vld [tilespmem:s28+$0x5E00];
	v4 =	vshll.u32 v1, $0x7;
	(pc) =	sbr.rel @p1 .LBB2_12-.Ltmp7, $4  }
0x16f: {  	v1 =	vld [tilespmem:s28+$0x6DA0];
	v3 =	vor.u32 v3, v4  }
0x170: {  	v4 =	vor.u32 v2, v3  }
0x171: {  	v2 =	vld [tilespmem:s28+$0x7D40];
	[tilespmem:s29+$0xEB00] =	vst v4;
	v3 =	vadd.s32 $0x200000, v4;
	v4 =	vadd.s32 $0x400000, v4  }
0x172: {  	[tilespmem:s29+$0x10A40] =	vst v4  }
0x173: {  	_ = 	snop  }
0x174: {  	v0 =	vshll.u32 v0, $0xE;
	v1 =	vshll.u32 v1, $0x7  }
0x175: {  	v0 =	vor.u32 v0, v1  }
0x176: {  	[tilespmem:s29+$0xFAA0] =	vst v3;
	v0 =	vor.u32 v2, v0  }
0x177: {  	[tilespmem:s28+$0xEB00] =	vst v0;
	v1 =	vadd.s32 $0x400000, v0  }
0x178: {  	v0 =	vadd.s32 $0x200000, v0;
	[tilespmem:s28+$0x10A40] =	vst v1  }
0x179: {  	[tilespmem:s28+$0xFAA0] =	vst v0  }
0x17a: {  	[tilespmem:s0], [sflag:$0x3] =	stream.indirect.gather [hbm4b:s14+s19], $0x1, s31, s19, $0xb8;
	[tilespmem:$0x1A700] =	vst v63  }
0x17b: {  	_ =	swait.ge [sflag:s2], $0x2EE0  }
0x17c: {  	[sflag:s2] =	ssyncset.done $0x0  }
0x17d: {  	s28 =	simm.s32 $0x0;
	s29 =	rddreg [dreg:$0x16];
	[sflag:s2] =	ssyncadd.s32 $0xFFFFD120  }
0x17e: {  	[hbm4b:s29+s28] =	stream.linear.scatter [tilespmem:s21], [sflag:$0x4], $0xFA0, $0x38;
	[tilespmem:$0x1A700] =	vst v63  }
0x17f: {  	s29 =	rddreg [dreg:$0x17]  }
0x180: {  	[hbm4b:s29+s28] =	stream.linear.scatter [tilespmem:s3], [sflag:$0x4], $0xFA0, $0x38;
	[tilespmem:$0x1A700] =	vst v63  }
0x181: {  	s29 =	rddreg [dreg:$0x19]  }
0x182: {  	[hbm4b:s29+s28] =	stream.linear.scatter [tilespmem:s4], [sflag:$0x4], $0xFA0, $0x38;
	[tilespmem:$0x1A700] =	vst v63  }
0x183: {  	_ =	swait.ge [sflag:s5], $0xFA0  }
0x184: {  	[sflag:s5] =	ssyncset.done $0x0  }
0x185: {  	[sflag:s5] =	ssyncadd.s32 $0xFFFFF060  }
0x186: {  	_ =	swait.ge [sflag:s5], $0xFA0  }
0x187: {  	[sflag:s5] =	ssyncset.done $0x0  }
0x188: {  	[sflag:s5] =	ssyncadd.s32 $0xFFFFF060  }
0x189: {  	_ =	swait.ge [sflag:s5], $0xFA0  }
0x18a: {  	s29 =	sld [smem:$0x7EF]  }
0x18b: {  	[sflag:s5] =	ssyncset.done $0x0  }
0x18c: {  	[sflag:s5] =	ssyncadd.s32 $0xFFFFF060  }
0x18d: {  	[tilespmem:s28], [sflag:$0x7] =	stream.linear.gather [hbm4b:s29+s28], $0xFA0, $0x38;
	[tilespmem:$0x1A700] =	vst v63  }
0x18e: {  	_ =	swait.ge [sflag:s16], $0xFA0  }
0x18f: {  	s29 =	sld [smem:$0x7F1]  }
0x190: {  	[sflag:s16] =	ssyncset.done $0x0  }
0x191: {  	[sflag:s16] =	ssyncadd.s32 $0xFFFFF060  }
0x192: {  	[tilespmem:s17], [sflag:$0x7] =	stream.linear.gather [hbm4b:s29+s28], $0xFA0, $0x38;
	[tilespmem:$0x1A700] =	vst v63  }
0x193: {  	_ =	swait.ge [sflag:s16], $0xFA0  }
0x194: {  	s29 =	sld [smem:$0x7F3]  }
0x195: {  	[sflag:s16] =	ssyncset.done $0x0  }
0x196: {  	[sflag:s16] =	ssyncadd.s32 $0xFFFFF060  }
0x197: {  	[tilespmem:s18], [sflag:$0x7] =	stream.linear.gather [hbm4b:s29+s28], $0xFA0, $0x38;
	[tilespmem:$0x1A700] =	vst v63  }
0x198: {  	_ =	swait.ge [sflag:s16], $0xFA0  }
0x199: {  	[sflag:s16] =	ssyncset.done $0x0  }
0x19a: {  	s29 =	simm.s32 $0x0;
	[sflag:s16] =	ssyncadd.s32 $0xFFFFF060  }
0x19b: {  	v1 =	vld [tilespmem:s29+$0x0]  }
0x19c: {  	v2 =	vld [tilespmem:s29+$0xFA0];
	_ =	sdelay $0x1  }
0x19d: {  	v3 =	vld [tilespmem:s29+$0x1F40];
	_ =	sdelay $0x1  }
0x19e: {  	s28 =	simm.s32 $0x10  }
0x19f: {  	v0 =	vld [tilespmem:s28+$0x0];
	v4 =	vshll.u32 v1, $0xE;
	v2 =	vshll.u32 v2, $0x7  }
0x1a0: {  	v1 =	vld [tilespmem:s28+$0xFA0];
	v2 =	vor.u32 v4, v2  }
0x1a1: {  	v3 =	vor.u32 v3, v2  }
0x1a2: {  	v2 =	vld [tilespmem:s28+$0x1F40];
	[tilespmem:s29+$0x8D00] =	vst v3;
	v4 =	vadd.s32 $0x400000, v3  }
0x1a3: {  	s30 =	simm.s32 $0x80;
	v3 =	vadd.s32 $0x200000, v3;
	[tilespmem:s29+$0xAC40] =	vst v4  }
.LBB2_14:
0x1a4: {  	[tilespmem:s29+$0x9CA0] =	vst v3;
	s29 =	smov.u32 s28;
	s28 =	sshra.s32 s30, $0x2;
	p1 =	sne.s32 s30, $0x3E40  }
.Ltmp8:
0x1a5: {  	s30 =	sadd.s32 $0x40, s30;
	v3 =	vshll.u32 v0, $0xE;
	v0 =	vld [tilespmem:s28+$0x0];
	v4 =	vshll.u32 v1, $0x7;
	(pc) =	sbr.rel @p1 .LBB2_14-.Ltmp8, $4  }
0x1a6: {  	v1 =	vld [tilespmem:s28+$0xFA0];
	v3 =	vor.u32 v3, v4  }
0x1a7: {  	v4 =	vor.u32 v2, v3  }
0x1a8: {  	v2 =	vld [tilespmem:s28+$0x1F40];
	[tilespmem:s29+$0x8D00] =	vst v4;
	v3 =	vadd.s32 $0x200000, v4;
	v4 =	vadd.s32 $0x400000, v4  }
0x1a9: {  	[tilespmem:s29+$0xAC40] =	vst v4  }
0x1aa: {  	_ = 	snop  }
0x1ab: {  	v0 =	vshll.u32 v0, $0xE;
	v1 =	vshll.u32 v1, $0x7  }
0x1ac: {  	v0 =	vor.u32 v0, v1  }
0x1ad: {  	[tilespmem:s29+$0x9CA0] =	vst v3;
	v0 =	vor.u32 v2, v0  }
0x1ae: {  	[tilespmem:s28+$0x8D00] =	vst v0;
	v63 =	vadd.s32 $0x400000, v0  }
0x1af: {  	v0 =	vadd.s32 $0x200000, v0;
	[tilespmem:s28+$0xAC40] =	vst v63  }
0x1b0: {  	[tilespmem:s28+$0x9CA0] =	vst v0  }
0x1b1: {  	[tilespmem:s21], [sflag:$0x1] =	stream.indirect.gather [hbm4b:s14+s19], $0x1, s20, s19, $0xb8;
	[tilespmem:$0x1A700] =	vst v63  }
0x1b2: {  	_ =	swait.ge [sflag:s6], $0x2EE0  }
0x1b3: {  	[sflag:s6] =	ssyncset.done $0x0  }
0x1b4: {  	s30 =	rddreg [dreg:$0x1b];
	[sflag:s6] =	ssyncadd.s32 $0xFFFFD120  }
0x1b5: {  	[hbm4b:s30+s1] =	stream.linear.scatter [tilespmem:s26], [sflag:$0x5], $0xFA0, $0x38;
	[tilespmem:$0x1A700] =	vst v63  }
.Ltmp9:
0x1b6: {  	_ = 	snop;
	(pc) =	sbr.rel @p0 .LBB2_19-.Ltmp9, $4  }
0x1b7: {  	s29 =	rddreg [dreg:$0x1d]  }
0x1b8: {  	[hbm4b:s29+s1] =	stream.linear.scatter [tilespmem:s7], [sflag:$0x5], $0xFA0, $0x38;
	[tilespmem:$0x1A700] =	vst v63  }
0x1b9: {  	s30 =	rddreg [dreg:$0x1f]  }
0x1ba: {  	[hbm4b:s30+s1] =	stream.linear.scatter [tilespmem:s8], [sflag:$0x5], $0xFA0, $0x38;
	[tilespmem:$0x1A700] =	vst v63  }
0x1bb: {  	_ =	swait.ge [sflag:s9], $0xFA0  }
0x1bc: {  	[sflag:s9] =	ssyncset.done $0x0  }
0x1bd: {  	[sflag:s9] =	ssyncadd.s32 $0xFFFFF060  }
0x1be: {  	_ =	swait.ge [sflag:s9], $0xFA0  }
0x1bf: {  	[sflag:s9] =	ssyncset.done $0x0  }
0x1c0: {  	[sflag:s9] =	ssyncadd.s32 $0xFFFFF060  }
0x1c1: {  	_ =	swait.ge [sflag:s9], $0xFA0  }
0x1c2: {  	s29 =	sld [smem:$0x7F7]  }
0x1c3: {  	[sflag:s9] =	ssyncset.done $0x0  }
0x1c4: {  	s28 =	simm.s32 $0x0;
	[sflag:s9] =	ssyncadd.s32 $0xFFFFF060  }
0x1c5: {  	[tilespmem:s22], [sflag:$0x7] =	stream.linear.gather [hbm4b:s29+s28], $0xFA0, $0x38;
	[tilespmem:$0x1A700] =	vst v63  }
0x1c6: {  	_ =	swait.ge [sflag:s16], $0xFA0  }
0x1c7: {  	s29 =	sld [smem:$0x7F8]  }
0x1c8: {  	[sflag:s16] =	ssyncset.done $0x0  }
0x1c9: {  	[sflag:s16] =	ssyncadd.s32 $0xFFFFF060  }
0x1ca: {  	[tilespmem:s23], [sflag:$0x7] =	stream.linear.gather [hbm4b:s29+s28], $0xFA0, $0x38;
	[tilespmem:$0x1A700] =	vst v63  }
0x1cb: {  	_ =	swait.ge [sflag:s16], $0xFA0  }
0x1cc: {  	s29 =	sld [smem:$0x7F9]  }
0x1cd: {  	[sflag:s16] =	ssyncset.done $0x0  }
0x1ce: {  	[sflag:s16] =	ssyncadd.s32 $0xFFFFF060  }
0x1cf: {  	[tilespmem:s24], [sflag:$0x7] =	stream.linear.gather [hbm4b:s29+s28], $0xFA0, $0x38;
	[tilespmem:$0x1A700] =	vst v63  }
0x1d0: {  	_ =	swait.ge [sflag:s16], $0xFA0  }
0x1d1: {  	[sflag:s16] =	ssyncset.done $0x0  }
0x1d2: {  	s29 =	simm.s32 $0x0;
	[sflag:s16] =	ssyncadd.s32 $0xFFFFF060  }
0x1d3: {  	v1 =	vld [tilespmem:s29+$0x2F00]  }
0x1d4: {  	v2 =	vld [tilespmem:s29+$0x3EA0];
	_ =	sdelay $0x1  }
0x1d5: {  	v3 =	vld [tilespmem:s29+$0x4E40];
	_ =	sdelay $0x1  }
0x1d6: {  	s28 =	simm.s32 $0x10  }
0x1d7: {  	v0 =	vld [tilespmem:s28+$0x2F00];
	v4 =	vshll.u32 v1, $0xE;
	v2 =	vshll.u32 v2, $0x7  }
0x1d8: {  	v1 =	vld [tilespmem:s28+$0x3EA0];
	v2 =	vor.u32 v4, v2  }
0x1d9: {  	v3 =	vor.u32 v3, v2  }
0x1da: {  	v2 =	vld [tilespmem:s28+$0x4E40];
	[tilespmem:s29+$0xBC00] =	vst v3;
	v4 =	vadd.s32 $0x400000, v3  }
0x1db: {  	s30 =	simm.s32 $0x80;
	v3 =	vadd.s32 $0x200000, v3;
	[tilespmem:s29+$0xDB40] =	vst v4  }
.LBB2_17:
0x1dc: {  	[tilespmem:s29+$0xCBA0] =	vst v3;
	s29 =	smov.u32 s28;
	s28 =	sshra.s32 s30, $0x2;
	p1 =	sne.s32 s30, $0x3E40  }
.Ltmp10:
0x1dd: {  	s30 =	sadd.s32 $0x40, s30;
	v3 =	vshll.u32 v0, $0xE;
	v0 =	vld [tilespmem:s28+$0x2F00];
	v4 =	vshll.u32 v1, $0x7;
	(pc) =	sbr.rel @p1 .LBB2_17-.Ltmp10, $4  }
0x1de: {  	v1 =	vld [tilespmem:s28+$0x3EA0];
	v3 =	vor.u32 v3, v4  }
0x1df: {  	v4 =	vor.u32 v2, v3  }
0x1e0: {  	v2 =	vld [tilespmem:s28+$0x4E40];
	[tilespmem:s29+$0xBC00] =	vst v4;
	v3 =	vadd.s32 $0x200000, v4;
	v4 =	vadd.s32 $0x400000, v4  }
0x1e1: {  	[tilespmem:s29+$0xDB40] =	vst v4  }
0x1e2: {  	_ = 	snop  }
0x1e3: {  	v0 =	vshll.u32 v0, $0xE;
	v1 =	vshll.u32 v1, $0x7  }
0x1e4: {  	v0 =	vor.u32 v0, v1  }
0x1e5: {  	[tilespmem:s29+$0xCBA0] =	vst v3;
	v0 =	vor.u32 v2, v0  }
0x1e6: {  	[tilespmem:s28+$0xBC00] =	vst v0;
	v63 =	vadd.s32 $0x400000, v0  }
0x1e7: {  	v0 =	vadd.s32 $0x200000, v0;
	[tilespmem:s28+$0xDB40] =	vst v63  }
0x1e8: {  	[tilespmem:s28+$0xCBA0] =	vst v0  }
0x1e9: {  	[tilespmem:s26], [sflag:$0x2] =	stream.indirect.gather [hbm4b:s14+s19], $0x1, s25, s19, $0xb8;
	[tilespmem:$0x1A700] =	vst v63  }
0x1ea: {  	_ =	swait.ge [sflag:s10], $0x2EE0  }
0x1eb: {  	s30 =	sld [smem:$0x7EA]  }
0x1ec: {  	[sflag:s10] =	ssyncset.done $0x0  }
0x1ed: {  	s29 =	sld [smem:$0x7EC];
	[sflag:s10] =	ssyncadd.s32 $0xFFFFD120  }
0x1ee: {  	[hbm4b:s30+s1] =	stream.linear.scatter [tilespmem:s0], [sflag:$0x6], $0xFA0, $0x38;
	[tilespmem:$0x1A700] =	vst v63  }
0x1ef: {  	s30 =	sld [smem:$0x7EE]  }
0x1f0: {  	[hbm4b:s29+s1] =	stream.linear.scatter [tilespmem:s11], [sflag:$0x6], $0xFA0, $0x38;
	[tilespmem:$0x1A700] =	vst v63  }
0x1f1: {  	_ = 	snop  }
0x1f2: {  	[hbm4b:s30+s1] =	stream.linear.scatter [tilespmem:s12], [sflag:$0x6], $0xFA0, $0x38;
	[tilespmem:$0x1A700] =	vst v63  }
0x1f3: {  	_ =	swait.ge [sflag:s2], $0x2EE0  }
0x1f4: {  	s29 =	sld [smem:$0x7F0]  }
0x1f5: {  	[sflag:s2] =	ssyncset.done $0x0  }
0x1f6: {  	s30 =	sld [smem:$0x7F2];
	[sflag:s2] =	ssyncadd.s32 $0xFFFFD120  }
0x1f7: {  	[hbm4b:s29+s1] =	stream.linear.scatter [tilespmem:s21], [sflag:$0x4], $0xFA0, $0x38;
	[tilespmem:$0x1A700] =	vst v63  }
0x1f8: {  	s29 =	sld [smem:$0x7F4]  }
0x1f9: {  	[hbm4b:s30+s1] =	stream.linear.scatter [tilespmem:s3], [sflag:$0x4], $0xFA0, $0x38;
	[tilespmem:$0x1A700] =	vst v63  }
0x1fa: {  	_ = 	snop  }
0x1fb: {  	[hbm4b:s29+s1] =	stream.linear.scatter [tilespmem:s4], [sflag:$0x4], $0xFA0, $0x38;
	[tilespmem:$0x1A700] =	vst v63  }
0x1fc: {  	_ =	swait.ge [sflag:s6], $0x2EE0  }
0x1fd: {  	s30 =	sld [smem:$0x7FA]  }
0x1fe: {  	[sflag:s6] =	ssyncset.done $0x0  }
0x1ff: {  	s29 =	sld [smem:$0x7FB];
	[sflag:s6] =	ssyncadd.s32 $0xFFFFD120  }
0x200: {  	[hbm4b:s30+s1] =	stream.linear.scatter [tilespmem:s26], [sflag:$0x5], $0xFA0, $0x38;
	[tilespmem:$0x1A700] =	vst v63  }
.Ltmp11:
0x201: {  	_ = 	snop;
	(pc) =	sbr.rel .LBB2_20-.Ltmp11, $4  }
0x202: {  	s30 =	sld [smem:$0x7FC]  }
0x203: {  	[hbm4b:s29+s1] =	stream.linear.scatter [tilespmem:s7], [sflag:$0x5], $0xFA0, $0x38;
	[tilespmem:$0x1A700] =	vst v63  }
0x204: {  	_ = 	snop  }
0x205: {  	[hbm4b:s30+s1] =	stream.linear.scatter [tilespmem:s8], [sflag:$0x5], $0xFA0, $0x38;
	[tilespmem:$0x1A700] =	vst v63  }
.LBB2_21:
0x206: {  	_ =	sfence.sel $0x180000  }
0x207: {  	[bflag:$0x0] =	sbarrier.arrive $0xFFFF  }
0x208: {  	_ =	strace $0x90000047  }
0x209: {  	s0 =	stileid.u32;
	[bflag:$0x2] =	sbarrier.arrive $0xFFFF  }
0x20a: {  	p0 =	sne.s32 s0, $0x0;
	s0 =	rddreg [dreg:$0x3]  }
0x20b: {  	s0 =	sadd.s32 @!p0 $0x100000, s0  }
0x20c: {  	[sflag:s0] =	ssyncadd.tile.s32 @!p0 $0x1;
	_ =	shalt  }
.Lfunc_end2:
_tile_overlayer_lowered:
.L_overlay_start_2:
0x20d: {  	(tag) =	ssettag $0x2  }
0x20e: {  	s0 =	rddreg [dreg:$0x0];
	s2 =	stileid.u32  }
0x20f: {  	s1 =	rddreg [dreg:$0x1];
	p0 =	sne.s32 s2, $0x0  }
0x210: {  	s3 =	rddreg [dreg:$0x2];
	[bflag:$0x3] =	sbarrier.arrive $0xFFFF;
	s2 =	simm.s32 @!p0 $0x1C07  }
0x211: {  	[timem:s3], [sflag:s2] =	dma.local @!p0 [hbm:s0], s1  }
0x212: {  	s0 =	simm.s32 @!p0 $0x7  }
0x213: {  	_ =	swait.ge @!p0 [sflag:s0], s1  }
0x214: {  	s1 =	ssub.s32 @!p0 $0x0, s1;
	[sflag:s0] =	ssyncset.done @!p0 $0x0  }
0x215: {  	[sflag:s0] =	ssyncadd.s32 @!p0 s1  }
0x216: {  	[bflag:$0x3] =	sbarrier.arrive $0xFFFF  }
0x217: {  	_ =	shalt  }

</sc_bundles>
